<compile_context>
chip_gen: v7x
topology: tpu7x:2x2x1
jax: 0.10.2.dev20260603
libtpu: 0.0.44.dev20260713+nightly
codegen_flags: <defaults>
</compile_context>

<pallas_src>
import functools

import jax
import jax.numpy as jnp
from jax import lax
from jax.experimental import pallas as pl
from jax.experimental.pallas import tpu as pltpu
from jax.experimental.pallas import tpu_sc as plsc

D = 32
B = 16384
LANES = 16

NUM_CORES = 2
NUM_SUBCORES = 16
NUM_WORKERS = NUM_CORES * NUM_SUBCORES
COLS_PER_WORKER = B // NUM_WORKERS
TILE_W = 128
NBUF = 8

_mesh = plsc.VectorSubcoreMesh(core_axis_name="c", subcore_axis_name="s")


@functools.partial(
    pl.kernel,
    mesh=_mesh,
    out_type=jax.ShapeDtypeStruct((D, B), jnp.float32),
    scratch_types=[
        pltpu.VMEM((COLS_PER_WORKER,), jnp.int32),
        pltpu.VMEM((NBUF, D, TILE_W), jnp.float32),
        pltpu.VMEM((D, COLS_PER_WORKER), jnp.float32),
        pltpu.SemaphoreType.DMA((NBUF,)),
    ],
    compiler_params=pltpu.CompilerParams(needs_layout_passes=False),
)
def _sc_gather(table_hbm, idx_hbm, out_hbm, idx_v, blocks_v, cols_v, sems):
    wid = lax.axis_index("s") * NUM_CORES + lax.axis_index("c")
    base = wid * COLS_PER_WORKER
    pltpu.sync_copy(idx_hbm.at[pl.ds(base, COLS_PER_WORKER)], idx_v)

    def read_idx(b):
        vec = idx_v[pl.ds((b // LANES) * LANES, LANES)]
        lane = b % LANES
        mask = lax.iota(jnp.int32, LANES) == jnp.full((LANES,), lane, jnp.int32)
        return jnp.sum(jnp.where(mask, vec, 0))

    def issue(b, j):
        i = read_idx(b)
        c = pl.multiple_of((i // TILE_W) * TILE_W, TILE_W)
        pltpu.async_copy(
            table_hbm.at[:, pl.ds(c, TILE_W)], blocks_v.at[j], sems.at[j]
        )

    def drain_extract(b, j):
        pltpu.make_async_copy(
            table_hbm.at[:, pl.ds(0, TILE_W)], blocks_v.at[j], sems.at[j]
        ).wait()
        i = read_idx(b)
        q = i % TILE_W
        rows = lax.iota(jnp.int32, LANES)
        colq = jnp.full((LANES,), q, jnp.int32)
        colb = jnp.full((LANES,), b, jnp.int32)
        for h in range(D // LANES):
            r = rows + h * LANES
            v = plsc.load_gather(blocks_v.at[j], [r, colq])
            plsc.store_scatter(cols_v, [r, colb], v)

    for j in range(NBUF):
        issue(j, j)

    def body(b0):
        for j in range(NBUF):
            drain_extract(b0 + j, j)

            @pl.when(b0 + j + NBUF < COLS_PER_WORKER)
            def _():
                issue(b0 + j + NBUF, j)

    pl.loop(0, COLS_PER_WORKER, step=NBUF)(body)
    pltpu.sync_copy(cols_v, out_hbm.at[:, pl.ds(base, COLS_PER_WORKER)])


def kernel(idx, z):
    out_t = _sc_gather(z.T, idx.astype(jnp.int32))
    return out_t.T

# --- scband reference (transcript-rebuilt; emitter-appended) ---
"""Pipeline reference for scband-representation-layer-54563264528943 (READ-ONLY COPY).

The authoritative reference and input builder live on the scoring server;
editing this copy changes nothing except your own understanding.
"""

import jax, jax.numpy as jnp
import numpy as np

N_SAMPLE = 1000000
LATENT_DIM = 32
BATCH = 16384

def setup_inputs(seed: int = 0) -> dict:
    key = jax.random.key(seed)
    k_idx, k_z = jax.random.split(key)
    idx = jax.random.randint(k_idx, (BATCH,), 0, N_SAMPLE, dtype=jnp.int64 if jax.config.jax_enable_x64 else jnp.int32)
    z = jax.random.normal(k_z, (N_SAMPLE, LATENT_DIM), dtype=jnp.float32)
    return {"idx": idx, "z": z}

def reference(idx, z):
    # RepresentationLayer.forward with idx provided: gather rows of the learned
    # representation table z.
    return jnp.take(z, idx, axis=0)

if __name__ == "__main__":
    import jax
    _d = setup_inputs()
    print(jax.jit(kernel)(*tuple(_d.values())))

</pallas_src>

<mosaic_0001>
#map = affine_map<(d0, d1) -> (0, 0)>
#map1 = affine_map<(d0, d1) -> (0)>
module attributes {stable_mosaic.version = 14 : i64} {
  func.func @_sc_gather(%arg0: i32, %arg1: i32, %arg2: memref<32x1000000xf32, #tpu.memory_space<hbm>>, %arg3: memref<16384xi32, #tpu.memory_space<hbm>>, %arg4: memref<32x16384xf32, #tpu.memory_space<hbm>>, %arg5: memref<512xi32, #tpu.memory_space<vmem>>, %arg6: memref<8x32x128xf32, #tpu.memory_space<vmem>>, %arg7: memref<32x512xf32, #tpu.memory_space<vmem>>, %arg8: memref<8x!tpu.dma_semaphore, #tpu.memory_space<semaphore_mem>>) attributes {dimension_semantics = [#tpu.dimension_semantics<core_parallel>, #tpu.dimension_semantics<subcore_parallel>], iteration_bounds = array<i64: 2, 16>, scalar_prefetch = 0 : i64, scratch_operands = 4 : i64, tpu.core_type = #tpu.core_type<sc_vector_subcore>, window_params = [{transform_indices = #map}, {transform_indices = #map1}, {transform_indices = #map}]} {
    %mul3A = arith.constant 2 : i32
    %mul3A_0 = arith.muli %arg1, %mul3A : i32
    %add3A = arith.addi %mul3A_0, %arg0 : i32
    %mul3A_1 = arith.constant 512 : i32
    %mul3A_2 = arith.muli %add3A, %mul3A_1 : i32
    "tpu.region"() ({
      %run_scoped3A = tpu.sem_alloc : memref<!tpu.dma_semaphore, #tpu.memory_space<semaphore_mem>>
      %dma_start3A_440 = tpu.memref_slice %arg3[%mul3A_2] : memref<16384xi32, #tpu.memory_space<hbm>> -> memref<512xi32, #tpu.memory_space<hbm>>
      %dma_start3A_441 = tpu.memref_slice %arg3[%mul3A_2] : memref<16384xi32, #tpu.memory_space<hbm>> -> memref<512xi32, #tpu.memory_space<hbm>>
      tpu.enqueue_dma source(%dma_start3A_441 : memref<512xi32, #tpu.memory_space<hbm>>) target(%arg5 : memref<512xi32, #tpu.memory_space<vmem>>) target_semaphore(%run_scoped3A : memref<!tpu.dma_semaphore, #tpu.memory_space<semaphore_mem>>)
      %dma_wait3A = tpu.memref_slice %arg3[%mul3A_2] : memref<16384xi32, #tpu.memory_space<hbm>> -> memref<512xi32, #tpu.memory_space<hbm>>
      %dma_wait3A_442 = tpu.memref_slice %arg3[%mul3A_2] : memref<16384xi32, #tpu.memory_space<hbm>> -> memref<512xi32, #tpu.memory_space<hbm>>
      tpu.wait_dma2 semaphore(%run_scoped3A : memref<!tpu.dma_semaphore, #tpu.memory_space<semaphore_mem>>) src(%dma_wait3A_442 : memref<512xi32, #tpu.memory_space<hbm>>) dst(%arg5 : memref<512xi32, #tpu.memory_space<vmem>>)
      tpu.yield
    }) : () -> ()
    %get3A = arith.constant 0 : index
    %get3A_3 = tpu.vector_load %arg5[%get3A] {strides = array<i32>} : memref<512xi32, #tpu.memory_space<vmem>>, vector<16xi32>,
    %iota3A = tpu.iota {dimensions = array<i32: 0>} : vector<16xi32>
    %broadcast_in_dim3A = arith.constant 0 : i32
    %broadcast_in_dim3A_4 = vector.broadcast %broadcast_in_dim3A : i32 to vector<16xi32>
    %eq3A = arith.cmpi eq, %iota3A, %broadcast_in_dim3A_4 : vector<16xi32>
    %jit3A = arith.constant 0 : i32
    %broadcast_in_dim3A_5 = vector.broadcast %jit3A : i32 to vector<16xi32>
    %select_n3A = arith.select %eq3A, %get3A_3, %broadcast_in_dim3A_5 : vector<16xi1>, vector<16xi32>
    %reduce_sum3A = arith.constant true
    %reduce_sum3A_6 = vector.broadcast %reduce_sum3A : i1 to vector<16xi1>
    %reduce_sum3A_7 = tpu.scan <sum>, %select_n3A masked %reduce_sum3A_6 : vector<16xi32>, vector<16xi1> -> vector<16xi32>
    %reduce_sum3A_8 = vector.extract %reduce_sum3A_7[15] : i32 from vector<16xi32>
    %jit3A_9 = arith.constant 128 : i32
    %div3A = arith.divsi %reduce_sum3A_8, %jit3A_9 : i32
    %sign3A = arith.constant 0 : i32
    %sign3A_10 = arith.cmpi sgt, %reduce_sum3A_8, %sign3A : i32
    %sign3A_11 = arith.extui %sign3A_10 : i1 to i32
    %sign3A_12 = arith.constant 0 : i32
    %sign3A_13 = arith.cmpi slt, %reduce_sum3A_8, %sign3A_12 : i32
    %sign3A_14 = arith.extui %sign3A_13 : i1 to i32
    %sign3A_15 = arith.subi %sign3A_11, %sign3A_14 : i32
    %sign3A_16 = arith.constant 0 : i32
    %sign3A_17 = arith.cmpi sgt, %jit3A_9, %sign3A_16 : i32
    %sign3A_18 = arith.extui %sign3A_17 : i1 to i32
    %sign3A_19 = arith.constant 0 : i32
    %sign3A_20 = arith.cmpi slt, %jit3A_9, %sign3A_19 : i32
    %sign3A_21 = arith.extui %sign3A_20 : i1 to i32
    %sign3A_22 = arith.subi %sign3A_18, %sign3A_21 : i32
    %ne3A = arith.cmpi ne, %sign3A_15, %sign3A_22 : i32
    %rem3A = arith.remsi %reduce_sum3A_8, %jit3A_9 : i32
    %ne3A_23 = arith.constant 0 : i32
    %ne3A_24 = arith.cmpi ne, %rem3A, %ne3A_23 : i32
    %and3A = arith.andi %ne3A, %ne3A_24 : i1
    %sub3A = arith.constant 1 : i32
    %sub3A_25 = arith.subi %div3A, %sub3A : i32
    %select_n3A_26 = arith.select %and3A, %sub3A_25, %div3A : i32
    %mul3A_27 = arith.constant 128 : i32
    %mul3A_28 = arith.muli %select_n3A_26, %mul3A_27 : i32
    %multiple_of3A = tpu.assume_multiple %mul3A_28, 128 : i32
    %dma_start3A = arith.constant 0 : i32
    %dma_start3A_29 = arith.constant 0 : i32
    %dma_start3A_30 = arith.constant 0 : i32
    %dma_start3A_31 = arith.constant 0 : i32
    %dma_start3A_32 = tpu.memref_slice %arg6[%dma_start3A, %dma_start3A_30, %dma_start3A_31] : memref<8x32x128xf32, #tpu.memory_space<vmem>> -> memref<1x32x128xf32, #tpu.memory_space<vmem>>
    %dma_start3A_33 = tpu.memref_squeeze %dma_start3A_32 : memref<1x32x128xf32, #tpu.memory_space<vmem>> -> memref<32x128xf32, #tpu.memory_space<vmem>>
    %dma_start3A_34 = arith.constant 0 : i32
    %dma_start3A_35 = tpu.memref_slice %arg2[%dma_start3A_34, %multiple_of3A] : memref<32x1000000xf32, #tpu.memory_space<hbm>> -> memref<32x128xf32, #tpu.memory_space<hbm>>
    %dma_start3A_36 = tpu.memref_slice %arg8[%dma_start3A_29] : memref<8x!tpu.dma_semaphore, #tpu.memory_space<semaphore_mem>> -> memref<1x!tpu.dma_semaphore, #tpu.memory_space<semaphore_mem>>
    %dma_start3A_37 = tpu.memref_squeeze %dma_start3A_36 : memref<1x!tpu.dma_semaphore, #tpu.memory_space<semaphore_mem>> -> memref<!tpu.dma_semaphore, #tpu.memory_space<semaphore_mem>>
    %dma_start3A_38 = arith.constant 0 : i32
    %dma_start3A_39 = arith.constant 0 : i32
    %dma_start3A_40 = tpu.memref_slice %arg6[%dma_start3A, %dma_start3A_38, %dma_start3A_39] : memref<8x32x128xf32, #tpu.memory_space<vmem>> -> memref<1x32x128xf32, #tpu.memory_space<vmem>>
    %dma_start3A_41 = tpu.memref_squeeze %dma_start3A_40 : memref<1x32x128xf32, #tpu.memory_space<vmem>> -> memref<32x128xf32, #tpu.memory_space<vmem>>
    %dma_start3A_42 = arith.constant 0 : i32
    %dma_start3A_43 = tpu.memref_slice %arg2[%dma_start3A_42, %multiple_of3A] : memref<32x1000000xf32, #tpu.memory_space<hbm>> -> memref<32x128xf32, #tpu.memory_space<hbm>>
    tpu.enqueue_dma source(%dma_start3A_43 : memref<32x128xf32, #tpu.memory_space<hbm>>) target(%dma_start3A_41 : memref<32x128xf32, #tpu.memory_space<vmem>>) target_semaphore(%dma_start3A_37 : memref<!tpu.dma_semaphore, #tpu.memory_space<semaphore_mem>>)
    %get3A_44 = arith.constant 0 : index
    %get3A_45 = tpu.vector_load %arg5[%get3A_44] {strides = array<i32>} : memref<512xi32, #tpu.memory_space<vmem>>, vector<16xi32>,
    %iota3A_46 = tpu.iota {dimensions = array<i32: 0>} : vector<16xi32>
    %broadcast_in_dim3A_47 = arith.constant 1 : i32
    %broadcast_in_dim3A_48 = vector.broadcast %broadcast_in_dim3A_47 : i32 to vector<16xi32>
    %eq3A_49 = arith.cmpi eq, %iota3A_46, %broadcast_in_dim3A_48 : vector<16xi32>
    %jit3A_50 = arith.constant 0 : i32
    %broadcast_in_dim3A_51 = vector.broadcast %jit3A_50 : i32 to vector<16xi32>
    %select_n3A_52 = arith.select %eq3A_49, %get3A_45, %broadcast_in_dim3A_51 : vector<16xi1>, vector<16xi32>
    %reduce_sum3A_53 = arith.constant true
    %reduce_sum3A_54 = vector.broadcast %reduce_sum3A_53 : i1 to vector<16xi1>
    %reduce_sum3A_55 = tpu.scan <sum>, %select_n3A_52 masked %reduce_sum3A_54 : vector<16xi32>, vector<16xi1> -> vector<16xi32>
    %reduce_sum3A_56 = vector.extract %reduce_sum3A_55[15] : i32 from vector<16xi32>
    %jit3A_57 = arith.constant 128 : i32
    %div3A_58 = arith.divsi %reduce_sum3A_56, %jit3A_57 : i32
    %sign3A_59 = arith.constant 0 : i32
    %sign3A_60 = arith.cmpi sgt, %reduce_sum3A_56, %sign3A_59 : i32
    %sign3A_61 = arith.extui %sign3A_60 : i1 to i32
    %sign3A_62 = arith.constant 0 : i32
    %sign3A_63 = arith.cmpi slt, %reduce_sum3A_56, %sign3A_62 : i32
    %sign3A_64 = arith.extui %sign3A_63 : i1 to i32
    %sign3A_65 = arith.subi %sign3A_61, %sign3A_64 : i32
    %sign3A_66 = arith.constant 0 : i32
    %sign3A_67 = arith.cmpi sgt, %jit3A_57, %sign3A_66 : i32
    %sign3A_68 = arith.extui %sign3A_67 : i1 to i32
    %sign3A_69 = arith.constant 0 : i32
    %sign3A_70 = arith.cmpi slt, %jit3A_57, %sign3A_69 : i32
    %sign3A_71 = arith.extui %sign3A_70 : i1 to i32
    %sign3A_72 = arith.subi %sign3A_68, %sign3A_71 : i32
    %ne3A_73 = arith.cmpi ne, %sign3A_65, %sign3A_72 : i32
    %rem3A_74 = arith.remsi %reduce_sum3A_56, %jit3A_57 : i32
    %ne3A_75 = arith.constant 0 : i32
    %ne3A_76 = arith.cmpi ne, %rem3A_74, %ne3A_75 : i32
    %and3A_77 = arith.andi %ne3A_73, %ne3A_76 : i1
    %sub3A_78 = arith.constant 1 : i32
    %sub3A_79 = arith.subi %div3A_58, %sub3A_78 : i32
    %select_n3A_80 = arith.select %and3A_77, %sub3A_79, %div3A_58 : i32
    %mul3A_81 = arith.constant 128 : i32
    %mul3A_82 = arith.muli %select_n3A_80, %mul3A_81 : i32
    %multiple_of3A_83 = tpu.assume_multiple %mul3A_82, 128 : i32
    %dma_start3A_84 = arith.constant 1 : i32
    %dma_start3A_85 = arith.constant 1 : i32
    %dma_start3A_86 = arith.constant 0 : i32
    %dma_start3A_87 = arith.constant 0 : i32
    %dma_start3A_88 = tpu.memref_slice %arg6[%dma_start3A_84, %dma_start3A_86, %dma_start3A_87] : memref<8x32x128xf32, #tpu.memory_space<vmem>> -> memref<1x32x128xf32, #tpu.memory_space<vmem>>
    %dma_start3A_89 = tpu.memref_squeeze %dma_start3A_88 : memref<1x32x128xf32, #tpu.memory_space<vmem>> -> memref<32x128xf32, #tpu.memory_space<vmem>>
    %dma_start3A_90 = arith.constant 0 : i32
    %dma_start3A_91 = tpu.memref_slice %arg2[%dma_start3A_90, %multiple_of3A_83] : memref<32x1000000xf32, #tpu.memory_space<hbm>> -> memref<32x128xf32, #tpu.memory_space<hbm>>
    %dma_start3A_92 = tpu.memref_slice %arg8[%dma_start3A_85] : memref<8x!tpu.dma_semaphore, #tpu.memory_space<semaphore_mem>> -> memref<1x!tpu.dma_semaphore, #tpu.memory_space<semaphore_mem>>
    %dma_start3A_93 = tpu.memref_squeeze %dma_start3A_92 : memref<1x!tpu.dma_semaphore, #tpu.memory_space<semaphore_mem>> -> memref<!tpu.dma_semaphore, #tpu.memory_space<semaphore_mem>>
    %dma_start3A_94 = arith.constant 0 : i32
    %dma_start3A_95 = arith.constant 0 : i32
    %dma_start3A_96 = tpu.memref_slice %arg6[%dma_start3A_84, %dma_start3A_94, %dma_start3A_95] : memref<8x32x128xf32, #tpu.memory_space<vmem>> -> memref<1x32x128xf32, #tpu.memory_space<vmem>>
    %dma_start3A_97 = tpu.memref_squeeze %dma_start3A_96 : memref<1x32x128xf32, #tpu.memory_space<vmem>> -> memref<32x128xf32, #tpu.memory_space<vmem>>
    %dma_start3A_98 = arith.constant 0 : i32
    %dma_start3A_99 = tpu.memref_slice %arg2[%dma_start3A_98, %multiple_of3A_83] : memref<32x1000000xf32, #tpu.memory_space<hbm>> -> memref<32x128xf32, #tpu.memory_space<hbm>>
    tpu.enqueue_dma source(%dma_start3A_99 : memref<32x128xf32, #tpu.memory_space<hbm>>) target(%dma_start3A_97 : memref<32x128xf32, #tpu.memory_space<vmem>>) target_semaphore(%dma_start3A_93 : memref<!tpu.dma_semaphore, #tpu.memory_space<semaphore_mem>>)
    %get3A_100 = arith.constant 0 : index
    %get3A_101 = tpu.vector_load %arg5[%get3A_100] {strides = array<i32>} : memref<512xi32, #tpu.memory_space<vmem>>, vector<16xi32>,
    %iota3A_102 = tpu.iota {dimensions = array<i32: 0>} : vector<16xi32>
    %broadcast_in_dim3A_103 = arith.constant 2 : i32
    %broadcast_in_dim3A_104 = vector.broadcast %broadcast_in_dim3A_103 : i32 to vector<16xi32>
    %eq3A_105 = arith.cmpi eq, %iota3A_102, %broadcast_in_dim3A_104 : vector<16xi32>
    %jit3A_106 = arith.constant 0 : i32
    %broadcast_in_dim3A_107 = vector.broadcast %jit3A_106 : i32 to vector<16xi32>
    %select_n3A_108 = arith.select %eq3A_105, %get3A_101, %broadcast_in_dim3A_107 : vector<16xi1>, vector<16xi32>
    %reduce_sum3A_109 = arith.constant true
    %reduce_sum3A_110 = vector.broadcast %reduce_sum3A_109 : i1 to vector<16xi1>
    %reduce_sum3A_111 = tpu.scan <sum>, %select_n3A_108 masked %reduce_sum3A_110 : vector<16xi32>, vector<16xi1> -> vector<16xi32>
    %reduce_sum3A_112 = vector.extract %reduce_sum3A_111[15] : i32 from vector<16xi32>
    %jit3A_113 = arith.constant 128 : i32
    %div3A_114 = arith.divsi %reduce_sum3A_112, %jit3A_113 : i32
    %sign3A_115 = arith.constant 0 : i32
    %sign3A_116 = arith.cmpi sgt, %reduce_sum3A_112, %sign3A_115 : i32
    %sign3A_117 = arith.extui %sign3A_116 : i1 to i32
    %sign3A_118 = arith.constant 0 : i32
    %sign3A_119 = arith.cmpi slt, %reduce_sum3A_112, %sign3A_118 : i32
    %sign3A_120 = arith.extui %sign3A_119 : i1 to i32
    %sign3A_121 = arith.subi %sign3A_117, %sign3A_120 : i32
    %sign3A_122 = arith.constant 0 : i32
    %sign3A_123 = arith.cmpi sgt, %jit3A_113, %sign3A_122 : i32
    %sign3A_124 = arith.extui %sign3A_123 : i1 to i32
    %sign3A_125 = arith.constant 0 : i32
    %sign3A_126 = arith.cmpi slt, %jit3A_113, %sign3A_125 : i32
    %sign3A_127 = arith.extui %sign3A_126 : i1 to i32
    %sign3A_128 = arith.subi %sign3A_124, %sign3A_127 : i32
    %ne3A_129 = arith.cmpi ne, %sign3A_121, %sign3A_128 : i32
    %rem3A_130 = arith.remsi %reduce_sum3A_112, %jit3A_113 : i32
    %ne3A_131 = arith.constant 0 : i32
    %ne3A_132 = arith.cmpi ne, %rem3A_130, %ne3A_131 : i32
    %and3A_133 = arith.andi %ne3A_129, %ne3A_132 : i1
    %sub3A_134 = arith.constant 1 : i32
    %sub3A_135 = arith.subi %div3A_114, %sub3A_134 : i32
    %select_n3A_136 = arith.select %and3A_133, %sub3A_135, %div3A_114 : i32
    %mul3A_137 = arith.constant 128 : i32
    %mul3A_138 = arith.muli %select_n3A_136, %mul3A_137 : i32
    %multiple_of3A_139 = tpu.assume_multiple %mul3A_138, 128 : i32
    %dma_start3A_140 = arith.constant 2 : i32
    %dma_start3A_141 = arith.constant 2 : i32
    %dma_start3A_142 = arith.constant 0 : i32
    %dma_start3A_143 = arith.constant 0 : i32
    %dma_start3A_144 = tpu.memref_slice %arg6[%dma_start3A_140, %dma_start3A_142, %dma_start3A_143] : memref<8x32x128xf32, #tpu.memory_space<vmem>> -> memref<1x32x128xf32, #tpu.memory_space<vmem>>
    %dma_start3A_145 = tpu.memref_squeeze %dma_start3A_144 : memref<1x32x128xf32, #tpu.memory_space<vmem>> -> memref<32x128xf32, #tpu.memory_space<vmem>>
    %dma_start3A_146 = arith.constant 0 : i32
    %dma_start3A_147 = tpu.memref_slice %arg2[%dma_start3A_146, %multiple_of3A_139] : memref<32x1000000xf32, #tpu.memory_space<hbm>> -> memref<32x128xf32, #tpu.memory_space<hbm>>
    %dma_start3A_148 = tpu.memref_slice %arg8[%dma_start3A_141] : memref<8x!tpu.dma_semaphore, #tpu.memory_space<semaphore_mem>> -> memref<1x!tpu.dma_semaphore, #tpu.memory_space<semaphore_mem>>
    %dma_start3A_149 = tpu.memref_squeeze %dma_start3A_148 : memref<1x!tpu.dma_semaphore, #tpu.memory_space<semaphore_mem>> -> memref<!tpu.dma_semaphore, #tpu.memory_space<semaphore_mem>>
    %dma_start3A_150 = arith.constant 0 : i32
    %dma_start3A_151 = arith.constant 0 : i32
    %dma_start3A_152 = tpu.memref_slice %arg6[%dma_start3A_140, %dma_start3A_150, %dma_start3A_151] : memref<8x32x128xf32, #tpu.memory_space<vmem>> -> memref<1x32x128xf32, #tpu.memory_space<vmem>>
    %dma_start3A_153 = tpu.memref_squeeze %dma_start3A_152 : memref<1x32x128xf32, #tpu.memory_space<vmem>> -> memref<32x128xf32, #tpu.memory_space<vmem>>
    %dma_start3A_154 = arith.constant 0 : i32
    %dma_start3A_155 = tpu.memref_slice %arg2[%dma_start3A_154, %multiple_of3A_139] : memref<32x1000000xf32, #tpu.memory_space<hbm>> -> memref<32x128xf32, #tpu.memory_space<hbm>>
    tpu.enqueue_dma source(%dma_start3A_155 : memref<32x128xf32, #tpu.memory_space<hbm>>) target(%dma_start3A_153 : memref<32x128xf32, #tpu.memory_space<vmem>>) target_semaphore(%dma_start3A_149 : memref<!tpu.dma_semaphore, #tpu.memory_space<semaphore_mem>>)
    %get3A_156 = arith.constant 0 : index
    %get3A_157 = tpu.vector_load %arg5[%get3A_156] {strides = array<i32>} : memref<512xi32, #tpu.memory_space<vmem>>, vector<16xi32>,
    %iota3A_158 = tpu.iota {dimensions = array<i32: 0>} : vector<16xi32>
    %broadcast_in_dim3A_159 = arith.constant 3 : i32
    %broadcast_in_dim3A_160 = vector.broadcast %broadcast_in_dim3A_159 : i32 to vector<16xi32>
    %eq3A_161 = arith.cmpi eq, %iota3A_158, %broadcast_in_dim3A_160 : vector<16xi32>
    %jit3A_162 = arith.constant 0 : i32
    %broadcast_in_dim3A_163 = vector.broadcast %jit3A_162 : i32 to vector<16xi32>
    %select_n3A_164 = arith.select %eq3A_161, %get3A_157, %broadcast_in_dim3A_163 : vector<16xi1>, vector<16xi32>
    %reduce_sum3A_165 = arith.constant true
    %reduce_sum3A_166 = vector.broadcast %reduce_sum3A_165 : i1 to vector<16xi1>
    %reduce_sum3A_167 = tpu.scan <sum>, %select_n3A_164 masked %reduce_sum3A_166 : vector<16xi32>, vector<16xi1> -> vector<16xi32>
    %reduce_sum3A_168 = vector.extract %reduce_sum3A_167[15] : i32 from vector<16xi32>
    %jit3A_169 = arith.constant 128 : i32
    %div3A_170 = arith.divsi %reduce_sum3A_168, %jit3A_169 : i32
    %sign3A_171 = arith.constant 0 : i32
    %sign3A_172 = arith.cmpi sgt, %reduce_sum3A_168, %sign3A_171 : i32
    %sign3A_173 = arith.extui %sign3A_172 : i1 to i32
    %sign3A_174 = arith.constant 0 : i32
    %sign3A_175 = arith.cmpi slt, %reduce_sum3A_168, %sign3A_174 : i32
    %sign3A_176 = arith.extui %sign3A_175 : i1 to i32
    %sign3A_177 = arith.subi %sign3A_173, %sign3A_176 : i32
    %sign3A_178 = arith.constant 0 : i32
    %sign3A_179 = arith.cmpi sgt, %jit3A_169, %sign3A_178 : i32
    %sign3A_180 = arith.extui %sign3A_179 : i1 to i32
    %sign3A_181 = arith.constant 0 : i32
    %sign3A_182 = arith.cmpi slt, %jit3A_169, %sign3A_181 : i32
    %sign3A_183 = arith.extui %sign3A_182 : i1 to i32
    %sign3A_184 = arith.subi %sign3A_180, %sign3A_183 : i32
    %ne3A_185 = arith.cmpi ne, %sign3A_177, %sign3A_184 : i32
    %rem3A_186 = arith.remsi %reduce_sum3A_168, %jit3A_169 : i32
    %ne3A_187 = arith.constant 0 : i32
    %ne3A_188 = arith.cmpi ne, %rem3A_186, %ne3A_187 : i32
    %and3A_189 = arith.andi %ne3A_185, %ne3A_188 : i1
    %sub3A_190 = arith.constant 1 : i32
    %sub3A_191 = arith.subi %div3A_170, %sub3A_190 : i32
    %select_n3A_192 = arith.select %and3A_189, %sub3A_191, %div3A_170 : i32
    %mul3A_193 = arith.constant 128 : i32
    %mul3A_194 = arith.muli %select_n3A_192, %mul3A_193 : i32
    %multiple_of3A_195 = tpu.assume_multiple %mul3A_194, 128 : i32
    %dma_start3A_196 = arith.constant 3 : i32
    %dma_start3A_197 = arith.constant 3 : i32
    %dma_start3A_198 = arith.constant 0 : i32
    %dma_start3A_199 = arith.constant 0 : i32
    %dma_start3A_200 = tpu.memref_slice %arg6[%dma_start3A_196, %dma_start3A_198, %dma_start3A_199] : memref<8x32x128xf32, #tpu.memory_space<vmem>> -> memref<1x32x128xf32, #tpu.memory_space<vmem>>
    %dma_start3A_201 = tpu.memref_squeeze %dma_start3A_200 : memref<1x32x128xf32, #tpu.memory_space<vmem>> -> memref<32x128xf32, #tpu.memory_space<vmem>>
    %dma_start3A_202 = arith.constant 0 : i32
    %dma_start3A_203 = tpu.memref_slice %arg2[%dma_start3A_202, %multiple_of3A_195] : memref<32x1000000xf32, #tpu.memory_space<hbm>> -> memref<32x128xf32, #tpu.memory_space<hbm>>
    %dma_start3A_204 = tpu.memref_slice %arg8[%dma_start3A_197] : memref<8x!tpu.dma_semaphore, #tpu.memory_space<semaphore_mem>> -> memref<1x!tpu.dma_semaphore, #tpu.memory_space<semaphore_mem>>
    %dma_start3A_205 = tpu.memref_squeeze %dma_start3A_204 : memref<1x!tpu.dma_semaphore, #tpu.memory_space<semaphore_mem>> -> memref<!tpu.dma_semaphore, #tpu.memory_space<semaphore_mem>>
    %dma_start3A_206 = arith.constant 0 : i32
    %dma_start3A_207 = arith.constant 0 : i32
    %dma_start3A_208 = tpu.memref_slice %arg6[%dma_start3A_196, %dma_start3A_206, %dma_start3A_207] : memref<8x32x128xf32, #tpu.memory_space<vmem>> -> memref<1x32x128xf32, #tpu.memory_space<vmem>>
    %dma_start3A_209 = tpu.memref_squeeze %dma_start3A_208 : memref<1x32x128xf32, #tpu.memory_space<vmem>> -> memref<32x128xf32, #tpu.memory_space<vmem>>
    %dma_start3A_210 = arith.constant 0 : i32
    %dma_start3A_211 = tpu.memref_slice %arg2[%dma_start3A_210, %multiple_of3A_195] : memref<32x1000000xf32, #tpu.memory_space<hbm>> -> memref<32x128xf32, #tpu.memory_space<hbm>>
    tpu.enqueue_dma source(%dma_start3A_211 : memref<32x128xf32, #tpu.memory_space<hbm>>) target(%dma_start3A_209 : memref<32x128xf32, #tpu.memory_space<vmem>>) target_semaphore(%dma_start3A_205 : memref<!tpu.dma_semaphore, #tpu.memory_space<semaphore_mem>>)
    %get3A_212 = arith.constant 0 : index
    %get3A_213 = tpu.vector_load %arg5[%get3A_212] {strides = array<i32>} : memref<512xi32, #tpu.memory_space<vmem>>, vector<16xi32>,
    %iota3A_214 = tpu.iota {dimensions = array<i32: 0>} : vector<16xi32>
    %broadcast_in_dim3A_215 = arith.constant 4 : i32
    %broadcast_in_dim3A_216 = vector.broadcast %broadcast_in_dim3A_215 : i32 to vector<16xi32>
    %eq3A_217 = arith.cmpi eq, %iota3A_214, %broadcast_in_dim3A_216 : vector<16xi32>
    %jit3A_218 = arith.constant 0 : i32
    %broadcast_in_dim3A_219 = vector.broadcast %jit3A_218 : i32 to vector<16xi32>
    %select_n3A_220 = arith.select %eq3A_217, %get3A_213, %broadcast_in_dim3A_219 : vector<16xi1>, vector<16xi32>
    %reduce_sum3A_221 = arith.constant true
    %reduce_sum3A_222 = vector.broadcast %reduce_sum3A_221 : i1 to vector<16xi1>
    %reduce_sum3A_223 = tpu.scan <sum>, %select_n3A_220 masked %reduce_sum3A_222 : vector<16xi32>, vector<16xi1> -> vector<16xi32>
    %reduce_sum3A_224 = vector.extract %reduce_sum3A_223[15] : i32 from vector<16xi32>
    %jit3A_225 = arith.constant 128 : i32
    %div3A_226 = arith.divsi %reduce_sum3A_224, %jit3A_225 : i32
    %sign3A_227 = arith.constant 0 : i32
    %sign3A_228 = arith.cmpi sgt, %reduce_sum3A_224, %sign3A_227 : i32
    %sign3A_229 = arith.extui %sign3A_228 : i1 to i32
    %sign3A_230 = arith.constant 0 : i32
    %sign3A_231 = arith.cmpi slt, %reduce_sum3A_224, %sign3A_230 : i32
    %sign3A_232 = arith.extui %sign3A_231 : i1 to i32
    %sign3A_233 = arith.subi %sign3A_229, %sign3A_232 : i32
    %sign3A_234 = arith.constant 0 : i32
    %sign3A_235 = arith.cmpi sgt, %jit3A_225, %sign3A_234 : i32
    %sign3A_236 = arith.extui %sign3A_235 : i1 to i32
    %sign3A_237 = arith.constant 0 : i32
    %sign3A_238 = arith.cmpi slt, %jit3A_225, %sign3A_237 : i32
    %sign3A_239 = arith.extui %sign3A_238 : i1 to i32
    %sign3A_240 = arith.subi %sign3A_236, %sign3A_239 : i32
    %ne3A_241 = arith.cmpi ne, %sign3A_233, %sign3A_240 : i32
    %rem3A_242 = arith.remsi %reduce_sum3A_224, %jit3A_225 : i32
    %ne3A_243 = arith.constant 0 : i32
    %ne3A_244 = arith.cmpi ne, %rem3A_242, %ne3A_243 : i32
    %and3A_245 = arith.andi %ne3A_241, %ne3A_244 : i1
    %sub3A_246 = arith.constant 1 : i32
    %sub3A_247 = arith.subi %div3A_226, %sub3A_246 : i32
    %select_n3A_248 = arith.select %and3A_245, %sub3A_247, %div3A_226 : i32
    %mul3A_249 = arith.constant 128 : i32
    %mul3A_250 = arith.muli %select_n3A_248, %mul3A_249 : i32
    %multiple_of3A_251 = tpu.assume_multiple %mul3A_250, 128 : i32
    %dma_start3A_252 = arith.constant 4 : i32
    %dma_start3A_253 = arith.constant 4 : i32
    %dma_start3A_254 = arith.constant 0 : i32
    %dma_start3A_255 = arith.constant 0 : i32
    %dma_start3A_256 = tpu.memref_slice %arg6[%dma_start3A_252, %dma_start3A_254, %dma_start3A_255] : memref<8x32x128xf32, #tpu.memory_space<vmem>> -> memref<1x32x128xf32, #tpu.memory_space<vmem>>
    %dma_start3A_257 = tpu.memref_squeeze %dma_start3A_256 : memref<1x32x128xf32, #tpu.memory_space<vmem>> -> memref<32x128xf32, #tpu.memory_space<vmem>>
    %dma_start3A_258 = arith.constant 0 : i32
    %dma_start3A_259 = tpu.memref_slice %arg2[%dma_start3A_258, %multiple_of3A_251] : memref<32x1000000xf32, #tpu.memory_space<hbm>> -> memref<32x128xf32, #tpu.memory_space<hbm>>
    %dma_start3A_260 = tpu.memref_slice %arg8[%dma_start3A_253] : memref<8x!tpu.dma_semaphore, #tpu.memory_space<semaphore_mem>> -> memref<1x!tpu.dma_semaphore, #tpu.memory_space<semaphore_mem>>
    %dma_start3A_261 = tpu.memref_squeeze %dma_start3A_260 : memref<1x!tpu.dma_semaphore, #tpu.memory_space<semaphore_mem>> -> memref<!tpu.dma_semaphore, #tpu.memory_space<semaphore_mem>>
    %dma_start3A_262 = arith.constant 0 : i32
    %dma_start3A_263 = arith.constant 0 : i32
    %dma_start3A_264 = tpu.memref_slice %arg6[%dma_start3A_252, %dma_start3A_262, %dma_start3A_263] : memref<8x32x128xf32, #tpu.memory_space<vmem>> -> memref<1x32x128xf32, #tpu.memory_space<vmem>>
    %dma_start3A_265 = tpu.memref_squeeze %dma_start3A_264 : memref<1x32x128xf32, #tpu.memory_space<vmem>> -> memref<32x128xf32, #tpu.memory_space<vmem>>
    %dma_start3A_266 = arith.constant 0 : i32
    %dma_start3A_267 = tpu.memref_slice %arg2[%dma_start3A_266, %multiple_of3A_251] : memref<32x1000000xf32, #tpu.memory_space<hbm>> -> memref<32x128xf32, #tpu.memory_space<hbm>>
    tpu.enqueue_dma source(%dma_start3A_267 : memref<32x128xf32, #tpu.memory_space<hbm>>) target(%dma_start3A_265 : memref<32x128xf32, #tpu.memory_space<vmem>>) target_semaphore(%dma_start3A_261 : memref<!tpu.dma_semaphore, #tpu.memory_space<semaphore_mem>>)
    %get3A_268 = arith.constant 0 : index
    %get3A_269 = tpu.vector_load %arg5[%get3A_268] {strides = array<i32>} : memref<512xi32, #tpu.memory_space<vmem>>, vector<16xi32>,
    %iota3A_270 = tpu.iota {dimensions = array<i32: 0>} : vector<16xi32>
    %broadcast_in_dim3A_271 = arith.constant 5 : i32
    %broadcast_in_dim3A_272 = vector.broadcast %broadcast_in_dim3A_271 : i32 to vector<16xi32>
    %eq3A_273 = arith.cmpi eq, %iota3A_270, %broadcast_in_dim3A_272 : vector<16xi32>
    %jit3A_274 = arith.constant 0 : i32
    %broadcast_in_dim3A_275 = vector.broadcast %jit3A_274 : i32 to vector<16xi32>
    %select_n3A_276 = arith.select %eq3A_273, %get3A_269, %broadcast_in_dim3A_275 : vector<16xi1>, vector<16xi32>
    %reduce_sum3A_277 = arith.constant true
    %reduce_sum3A_278 = vector.broadcast %reduce_sum3A_277 : i1 to vector<16xi1>
    %reduce_sum3A_279 = tpu.scan <sum>, %select_n3A_276 masked %reduce_sum3A_278 : vector<16xi32>, vector<16xi1> -> vector<16xi32>
    %reduce_sum3A_280 = vector.extract %reduce_sum3A_279[15] : i32 from vector<16xi32>
    %jit3A_281 = arith.constant 128 : i32
    %div3A_282 = arith.divsi %reduce_sum3A_280, %jit3A_281 : i32
    %sign3A_283 = arith.constant 0 : i32
    %sign3A_284 = arith.cmpi sgt, %reduce_sum3A_280, %sign3A_283 : i32
    %sign3A_285 = arith.extui %sign3A_284 : i1 to i32
    %sign3A_286 = arith.constant 0 : i32
    %sign3A_287 = arith.cmpi slt, %reduce_sum3A_280, %sign3A_286 : i32
    %sign3A_288 = arith.extui %sign3A_287 : i1 to i32
    %sign3A_289 = arith.subi %sign3A_285, %sign3A_288 : i32
    %sign3A_290 = arith.constant 0 : i32
    %sign3A_291 = arith.cmpi sgt, %jit3A_281, %sign3A_290 : i32
    %sign3A_292 = arith.extui %sign3A_291 : i1 to i32
    %sign3A_293 = arith.constant 0 : i32
    %sign3A_294 = arith.cmpi slt, %jit3A_281, %sign3A_293 : i32
    %sign3A_295 = arith.extui %sign3A_294 : i1 to i32
    %sign3A_296 = arith.subi %sign3A_292, %sign3A_295 : i32
    %ne3A_297 = arith.cmpi ne, %sign3A_289, %sign3A_296 : i32
    %rem3A_298 = arith.remsi %reduce_sum3A_280, %jit3A_281 : i32
    %ne3A_299 = arith.constant 0 : i32
    %ne3A_300 = arith.cmpi ne, %rem3A_298, %ne3A_299 : i32
    %and3A_301 = arith.andi %ne3A_297, %ne3A_300 : i1
    %sub3A_302 = arith.constant 1 : i32
    %sub3A_303 = arith.subi %div3A_282, %sub3A_302 : i32
    %select_n3A_304 = arith.select %and3A_301, %sub3A_303, %div3A_282 : i32
    %mul3A_305 = arith.constant 128 : i32
    %mul3A_306 = arith.muli %select_n3A_304, %mul3A_305 : i32
    %multiple_of3A_307 = tpu.assume_multiple %mul3A_306, 128 : i32
    %dma_start3A_308 = arith.constant 5 : i32
    %dma_start3A_309 = arith.constant 5 : i32
    %dma_start3A_310 = arith.constant 0 : i32
    %dma_start3A_311 = arith.constant 0 : i32
    %dma_start3A_312 = tpu.memref_slice %arg6[%dma_start3A_308, %dma_start3A_310, %dma_start3A_311] : memref<8x32x128xf32, #tpu.memory_space<vmem>> -> memref<1x32x128xf32, #tpu.memory_space<vmem>>
    %dma_start3A_313 = tpu.memref_squeeze %dma_start3A_312 : memref<1x32x128xf32, #tpu.memory_space<vmem>> -> memref<32x128xf32, #tpu.memory_space<vmem>>
    %dma_start3A_314 = arith.constant 0 : i32
    %dma_start3A_315 = tpu.memref_slice %arg2[%dma_start3A_314, %multiple_of3A_307] : memref<32x1000000xf32, #tpu.memory_space<hbm>> -> memref<32x128xf32, #tpu.memory_space<hbm>>
    %dma_start3A_316 = tpu.memref_slice %arg8[%dma_start3A_309] : memref<8x!tpu.dma_semaphore, #tpu.memory_space<semaphore_mem>> -> memref<1x!tpu.dma_semaphore, #tpu.memory_space<semaphore_mem>>
    %dma_start3A_317 = tpu.memref_squeeze %dma_start3A_316 : memref<1x!tpu.dma_semaphore, #tpu.memory_space<semaphore_mem>> -> memref<!tpu.dma_semaphore, #tpu.memory_space<semaphore_mem>>
    %dma_start3A_318 = arith.constant 0 : i32
    %dma_start3A_319 = arith.constant 0 : i32
    %dma_start3A_320 = tpu.memref_slice %arg6[%dma_start3A_308, %dma_start3A_318, %dma_start3A_319] : memref<8x32x128xf32, #tpu.memory_space<vmem>> -> memref<1x32x128xf32, #tpu.memory_space<vmem>>
    %dma_start3A_321 = tpu.memref_squeeze %dma_start3A_320 : memref<1x32x128xf32, #tpu.memory_space<vmem>> -> memref<32x128xf32, #tpu.memory_space<vmem>>
    %dma_start3A_322 = arith.constant 0 : i32
    %dma_start3A_323 = tpu.memref_slice %arg2[%dma_start3A_322, %multiple_of3A_307] : memref<32x1000000xf32, #tpu.memory_space<hbm>> -> memref<32x128xf32, #tpu.memory_space<hbm>>
    tpu.enqueue_dma source(%dma_start3A_323 : memref<32x128xf32, #tpu.memory_space<hbm>>) target(%dma_start3A_321 : memref<32x128xf32, #tpu.memory_space<vmem>>) target_semaphore(%dma_start3A_317 : memref<!tpu.dma_semaphore, #tpu.memory_space<semaphore_mem>>)
    %get3A_324 = arith.constant 0 : index
    %get3A_325 = tpu.vector_load %arg5[%get3A_324] {strides = array<i32>} : memref<512xi32, #tpu.memory_space<vmem>>, vector<16xi32>,
    %iota3A_326 = tpu.iota {dimensions = array<i32: 0>} : vector<16xi32>
    %broadcast_in_dim3A_327 = arith.constant 6 : i32
    %broadcast_in_dim3A_328 = vector.broadcast %broadcast_in_dim3A_327 : i32 to vector<16xi32>
    %eq3A_329 = arith.cmpi eq, %iota3A_326, %broadcast_in_dim3A_328 : vector<16xi32>
    %jit3A_330 = arith.constant 0 : i32
    %broadcast_in_dim3A_331 = vector.broadcast %jit3A_330 : i32 to vector<16xi32>
    %select_n3A_332 = arith.select %eq3A_329, %get3A_325, %broadcast_in_dim3A_331 : vector<16xi1>, vector<16xi32>
    %reduce_sum3A_333 = arith.constant true
    %reduce_sum3A_334 = vector.broadcast %reduce_sum3A_333 : i1 to vector<16xi1>
    %reduce_sum3A_335 = tpu.scan <sum>, %select_n3A_332 masked %reduce_sum3A_334 : vector<16xi32>, vector<16xi1> -> vector<16xi32>
    %reduce_sum3A_336 = vector.extract %reduce_sum3A_335[15] : i32 from vector<16xi32>
    %jit3A_337 = arith.constant 128 : i32
    %div3A_338 = arith.divsi %reduce_sum3A_336, %jit3A_337 : i32
    %sign3A_339 = arith.constant 0 : i32
    %sign3A_340 = arith.cmpi sgt, %reduce_sum3A_336, %sign3A_339 : i32
    %sign3A_341 = arith.extui %sign3A_340 : i1 to i32
    %sign3A_342 = arith.constant 0 : i32
    %sign3A_343 = arith.cmpi slt, %reduce_sum3A_336, %sign3A_342 : i32
    %sign3A_344 = arith.extui %sign3A_343 : i1 to i32
    %sign3A_345 = arith.subi %sign3A_341, %sign3A_344 : i32
    %sign3A_346 = arith.constant 0 : i32
    %sign3A_347 = arith.cmpi sgt, %jit3A_337, %sign3A_346 : i32
    %sign3A_348 = arith.extui %sign3A_347 : i1 to i32
    %sign3A_349 = arith.constant 0 : i32
    %sign3A_350 = arith.cmpi slt, %jit3A_337, %sign3A_349 : i32
    %sign3A_351 = arith.extui %sign3A_350 : i1 to i32
    %sign3A_352 = arith.subi %sign3A_348, %sign3A_351 : i32
    %ne3A_353 = arith.cmpi ne, %sign3A_345, %sign3A_352 : i32
    %rem3A_354 = arith.remsi %reduce_sum3A_336, %jit3A_337 : i32
    %ne3A_355 = arith.constant 0 : i32
    %ne3A_356 = arith.cmpi ne, %rem3A_354, %ne3A_355 : i32
    %and3A_357 = arith.andi %ne3A_353, %ne3A_356 : i1
    %sub3A_358 = arith.constant 1 : i32
    %sub3A_359 = arith.subi %div3A_338, %sub3A_358 : i32
    %select_n3A_360 = arith.select %and3A_357, %sub3A_359, %div3A_338 : i32
    %mul3A_361 = arith.constant 128 : i32
    %mul3A_362 = arith.muli %select_n3A_360, %mul3A_361 : i32
    %multiple_of3A_363 = tpu.assume_multiple %mul3A_362, 128 : i32
    %dma_start3A_364 = arith.constant 6 : i32
    %dma_start3A_365 = arith.constant 6 : i32
    %dma_start3A_366 = arith.constant 0 : i32
    %dma_start3A_367 = arith.constant 0 : i32
    %dma_start3A_368 = tpu.memref_slice %arg6[%dma_start3A_364, %dma_start3A_366, %dma_start3A_367] : memref<8x32x128xf32, #tpu.memory_space<vmem>> -> memref<1x32x128xf32, #tpu.memory_space<vmem>>
    %dma_start3A_369 = tpu.memref_squeeze %dma_start3A_368 : memref<1x32x128xf32, #tpu.memory_space<vmem>> -> memref<32x128xf32, #tpu.memory_space<vmem>>
    %dma_start3A_370 = arith.constant 0 : i32
    %dma_start3A_371 = tpu.memref_slice %arg2[%dma_start3A_370, %multiple_of3A_363] : memref<32x1000000xf32, #tpu.memory_space<hbm>> -> memref<32x128xf32, #tpu.memory_space<hbm>>
    %dma_start3A_372 = tpu.memref_slice %arg8[%dma_start3A_365] : memref<8x!tpu.dma_semaphore, #tpu.memory_space<semaphore_mem>> -> memref<1x!tpu.dma_semaphore, #tpu.memory_space<semaphore_mem>>
    %dma_start3A_373 = tpu.memref_squeeze %dma_start3A_372 : memref<1x!tpu.dma_semaphore, #tpu.memory_space<semaphore_mem>> -> memref<!tpu.dma_semaphore, #tpu.memory_space<semaphore_mem>>
    %dma_start3A_374 = arith.constant 0 : i32
    %dma_start3A_375 = arith.constant 0 : i32
    %dma_start3A_376 = tpu.memref_slice %arg6[%dma_start3A_364, %dma_start3A_374, %dma_start3A_375] : memref<8x32x128xf32, #tpu.memory_space<vmem>> -> memref<1x32x128xf32, #tpu.memory_space<vmem>>
    %dma_start3A_377 = tpu.memref_squeeze %dma_start3A_376 : memref<1x32x128xf32, #tpu.memory_space<vmem>> -> memref<32x128xf32, #tpu.memory_space<vmem>>
    %dma_start3A_378 = arith.constant 0 : i32
    %dma_start3A_379 = tpu.memref_slice %arg2[%dma_start3A_378, %multiple_of3A_363] : memref<32x1000000xf32, #tpu.memory_space<hbm>> -> memref<32x128xf32, #tpu.memory_space<hbm>>
    tpu.enqueue_dma source(%dma_start3A_379 : memref<32x128xf32, #tpu.memory_space<hbm>>) target(%dma_start3A_377 : memref<32x128xf32, #tpu.memory_space<vmem>>) target_semaphore(%dma_start3A_373 : memref<!tpu.dma_semaphore, #tpu.memory_space<semaphore_mem>>)
    %get3A_380 = arith.constant 0 : index
    %get3A_381 = tpu.vector_load %arg5[%get3A_380] {strides = array<i32>} : memref<512xi32, #tpu.memory_space<vmem>>, vector<16xi32>,
    %iota3A_382 = tpu.iota {dimensions = array<i32: 0>} : vector<16xi32>
    %broadcast_in_dim3A_383 = arith.constant 7 : i32
    %broadcast_in_dim3A_384 = vector.broadcast %broadcast_in_dim3A_383 : i32 to vector<16xi32>
    %eq3A_385 = arith.cmpi eq, %iota3A_382, %broadcast_in_dim3A_384 : vector<16xi32>
    %jit3A_386 = arith.constant 0 : i32
    %broadcast_in_dim3A_387 = vector.broadcast %jit3A_386 : i32 to vector<16xi32>
    %select_n3A_388 = arith.select %eq3A_385, %get3A_381, %broadcast_in_dim3A_387 : vector<16xi1>, vector<16xi32>
    %reduce_sum3A_389 = arith.constant true
    %reduce_sum3A_390 = vector.broadcast %reduce_sum3A_389 : i1 to vector<16xi1>
    %reduce_sum3A_391 = tpu.scan <sum>, %select_n3A_388 masked %reduce_sum3A_390 : vector<16xi32>, vector<16xi1> -> vector<16xi32>
    %reduce_sum3A_392 = vector.extract %reduce_sum3A_391[15] : i32 from vector<16xi32>
    %jit3A_393 = arith.constant 128 : i32
    %div3A_394 = arith.divsi %reduce_sum3A_392, %jit3A_393 : i32
    %sign3A_395 = arith.constant 0 : i32
    %sign3A_396 = arith.cmpi sgt, %reduce_sum3A_392, %sign3A_395 : i32
    %sign3A_397 = arith.extui %sign3A_396 : i1 to i32
    %sign3A_398 = arith.constant 0 : i32
    %sign3A_399 = arith.cmpi slt, %reduce_sum3A_392, %sign3A_398 : i32
    %sign3A_400 = arith.extui %sign3A_399 : i1 to i32
    %sign3A_401 = arith.subi %sign3A_397, %sign3A_400 : i32
    %sign3A_402 = arith.constant 0 : i32
    %sign3A_403 = arith.cmpi sgt, %jit3A_393, %sign3A_402 : i32
    %sign3A_404 = arith.extui %sign3A_403 : i1 to i32
    %sign3A_405 = arith.constant 0 : i32
    %sign3A_406 = arith.cmpi slt, %jit3A_393, %sign3A_405 : i32
    %sign3A_407 = arith.extui %sign3A_406 : i1 to i32
    %sign3A_408 = arith.subi %sign3A_404, %sign3A_407 : i32
    %ne3A_409 = arith.cmpi ne, %sign3A_401, %sign3A_408 : i32
    %rem3A_410 = arith.remsi %reduce_sum3A_392, %jit3A_393 : i32
    %ne3A_411 = arith.constant 0 : i32
    %ne3A_412 = arith.cmpi ne, %rem3A_410, %ne3A_411 : i32
    %and3A_413 = arith.andi %ne3A_409, %ne3A_412 : i1
    %sub3A_414 = arith.constant 1 : i32
    %sub3A_415 = arith.subi %div3A_394, %sub3A_414 : i32
    %select_n3A_416 = arith.select %and3A_413, %sub3A_415, %div3A_394 : i32
    %mul3A_417 = arith.constant 128 : i32
    %mul3A_418 = arith.muli %select_n3A_416, %mul3A_417 : i32
    %multiple_of3A_419 = tpu.assume_multiple %mul3A_418, 128 : i32
    %dma_start3A_420 = arith.constant 7 : i32
    %dma_start3A_421 = arith.constant 7 : i32
    %dma_start3A_422 = arith.constant 0 : i32
    %dma_start3A_423 = arith.constant 0 : i32
    %dma_start3A_424 = tpu.memref_slice %arg6[%dma_start3A_420, %dma_start3A_422, %dma_start3A_423] : memref<8x32x128xf32, #tpu.memory_space<vmem>> -> memref<1x32x128xf32, #tpu.memory_space<vmem>>
    %dma_start3A_425 = tpu.memref_squeeze %dma_start3A_424 : memref<1x32x128xf32, #tpu.memory_space<vmem>> -> memref<32x128xf32, #tpu.memory_space<vmem>>
    %dma_start3A_426 = arith.constant 0 : i32
    %dma_start3A_427 = tpu.memref_slice %arg2[%dma_start3A_426, %multiple_of3A_419] : memref<32x1000000xf32, #tpu.memory_space<hbm>> -> memref<32x128xf32, #tpu.memory_space<hbm>>
    %dma_start3A_428 = tpu.memref_slice %arg8[%dma_start3A_421] : memref<8x!tpu.dma_semaphore, #tpu.memory_space<semaphore_mem>> -> memref<1x!tpu.dma_semaphore, #tpu.memory_space<semaphore_mem>>
    %dma_start3A_429 = tpu.memref_squeeze %dma_start3A_428 : memref<1x!tpu.dma_semaphore, #tpu.memory_space<semaphore_mem>> -> memref<!tpu.dma_semaphore, #tpu.memory_space<semaphore_mem>>
    %dma_start3A_430 = arith.constant 0 : i32
    %dma_start3A_431 = arith.constant 0 : i32
    %dma_start3A_432 = tpu.memref_slice %arg6[%dma_start3A_420, %dma_start3A_430, %dma_start3A_431] : memref<8x32x128xf32, #tpu.memory_space<vmem>> -> memref<1x32x128xf32, #tpu.memory_space<vmem>>
    %dma_start3A_433 = tpu.memref_squeeze %dma_start3A_432 : memref<1x32x128xf32, #tpu.memory_space<vmem>> -> memref<32x128xf32, #tpu.memory_space<vmem>>
    %dma_start3A_434 = arith.constant 0 : i32
    %dma_start3A_435 = tpu.memref_slice %arg2[%dma_start3A_434, %multiple_of3A_419] : memref<32x1000000xf32, #tpu.memory_space<hbm>> -> memref<32x128xf32, #tpu.memory_space<hbm>>
    tpu.enqueue_dma source(%dma_start3A_435 : memref<32x128xf32, #tpu.memory_space<hbm>>) target(%dma_start3A_433 : memref<32x128xf32, #tpu.memory_space<vmem>>) target_semaphore(%dma_start3A_429 : memref<!tpu.dma_semaphore, #tpu.memory_space<semaphore_mem>>)
    %scan3A = arith.constant 0 : i32
    %scan3A_436 = arith.constant 64 : i32
    %scan3A_437 = arith.addi %scan3A, %scan3A_436 : i32
    %scan3A_438 = arith.constant 1 : i32
    scf.for %scan3A_440 = %scan3A to %scan3A_437 step %scan3A_438  : i32 {
      %mul3A_441 = arith.constant 8 : i32
      %mul3A_442 = arith.muli %scan3A_440, %mul3A_441 : i32
      %add3A_443 = arith.constant 0 : i32
      %add3A_444 = arith.addi %add3A_443, %mul3A_442 : i32
      %add3A_445 = arith.constant 0 : i32
      %add3A_446 = arith.addi %add3A_444, %add3A_445 : i32
      %dma_wait3A = arith.constant 0 : i32
      %dma_wait3A_447 = arith.constant 0 : i32
      %dma_wait3A_448 = arith.constant 0 : i32
      %dma_wait3A_449 = arith.constant 0 : i32
      %dma_wait3A_450 = tpu.memref_slice %arg6[%dma_wait3A, %dma_wait3A_448, %dma_wait3A_449] : memref<8x32x128xf32, #tpu.memory_space<vmem>> -> memref<1x32x128xf32, #tpu.memory_space<vmem>>
      %dma_wait3A_451 = tpu.memref_squeeze %dma_wait3A_450 : memref<1x32x128xf32, #tpu.memory_space<vmem>> -> memref<32x128xf32, #tpu.memory_space<vmem>>
      %dma_wait3A_452 = arith.constant 0 : i32
      %dma_wait3A_453 = arith.constant 0 : i32
      %dma_wait3A_454 = tpu.memref_slice %arg2[%dma_wait3A_452, %dma_wait3A_453] : memref<32x1000000xf32, #tpu.memory_space<hbm>> -> memref<32x128xf32, #tpu.memory_space<hbm>>
      %dma_wait3A_455 = tpu.memref_slice %arg8[%dma_wait3A_447] : memref<8x!tpu.dma_semaphore, #tpu.memory_space<semaphore_mem>> -> memref<1x!tpu.dma_semaphore, #tpu.memory_space<semaphore_mem>>
      %dma_wait3A_456 = tpu.memref_squeeze %dma_wait3A_455 : memref<1x!tpu.dma_semaphore, #tpu.memory_space<semaphore_mem>> -> memref<!tpu.dma_semaphore, #tpu.memory_space<semaphore_mem>>
      %dma_wait3A_457 = arith.constant 0 : i32
      %dma_wait3A_458 = arith.constant 0 : i32
      %dma_wait3A_459 = tpu.memref_slice %arg6[%dma_wait3A, %dma_wait3A_457, %dma_wait3A_458] : memref<8x32x128xf32, #tpu.memory_space<vmem>> -> memref<1x32x128xf32, #tpu.memory_space<vmem>>
      %dma_wait3A_460 = tpu.memref_squeeze %dma_wait3A_459 : memref<1x32x128xf32, #tpu.memory_space<vmem>> -> memref<32x128xf32, #tpu.memory_space<vmem>>
      %dma_wait3A_461 = arith.constant 0 : i32
      %dma_wait3A_462 = arith.constant 0 : i32
      %dma_wait3A_463 = tpu.memref_slice %arg2[%dma_wait3A_461, %dma_wait3A_462] : memref<32x1000000xf32, #tpu.memory_space<hbm>> -> memref<32x128xf32, #tpu.memory_space<hbm>>
      tpu.wait_dma2 semaphore(%dma_wait3A_456 : memref<!tpu.dma_semaphore, #tpu.memory_space<semaphore_mem>>) src(%dma_wait3A_463 : memref<32x128xf32, #tpu.memory_space<hbm>>) dst(%dma_wait3A_460 : memref<32x128xf32, #tpu.memory_space<vmem>>)
      %jit3A_464 = arith.constant 16 : i32
      %div3A_465 = arith.divsi %add3A_446, %jit3A_464 : i32
      %sign3A_466 = arith.constant 0 : i32
      %sign3A_467 = arith.cmpi sgt, %add3A_446, %sign3A_466 : i32
      %sign3A_468 = arith.extui %sign3A_467 : i1 to i32
      %sign3A_469 = arith.constant 0 : i32
      %sign3A_470 = arith.cmpi slt, %add3A_446, %sign3A_469 : i32
      %sign3A_471 = arith.extui %sign3A_470 : i1 to i32
      %sign3A_472 = arith.subi %sign3A_468, %sign3A_471 : i32
      %sign3A_473 = arith.constant 0 : i32
      %sign3A_474 = arith.cmpi sgt, %jit3A_464, %sign3A_473 : i32
      %sign3A_475 = arith.extui %sign3A_474 : i1 to i32
      %sign3A_476 = arith.constant 0 : i32
      %sign3A_477 = arith.cmpi slt, %jit3A_464, %sign3A_476 : i32
      %sign3A_478 = arith.extui %sign3A_477 : i1 to i32
      %sign3A_479 = arith.subi %sign3A_475, %sign3A_478 : i32
      %ne3A_480 = arith.cmpi ne, %sign3A_472, %sign3A_479 : i32
      %rem3A_481 = arith.remsi %add3A_446, %jit3A_464 : i32
      %ne3A_482 = arith.constant 0 : i32
      %ne3A_483 = arith.cmpi ne, %rem3A_481, %ne3A_482 : i32
      %and3A_484 = arith.andi %ne3A_480, %ne3A_483 : i1
      %sub3A_485 = arith.constant 1 : i32
      %sub3A_486 = arith.subi %div3A_465, %sub3A_485 : i32
      %select_n3A_487 = arith.select %and3A_484, %sub3A_486, %div3A_465 : i32
      %mul3A_488 = arith.constant 16 : i32
      %mul3A_489 = arith.muli %select_n3A_487, %mul3A_488 : i32
      %get3A_490 = arith.index_cast %mul3A_489 : i32 to index
      %get3A_491 = tpu.vector_load %arg5[%get3A_490] {strides = array<i32>} : memref<512xi32, #tpu.memory_space<vmem>>, vector<16xi32>,
      %jit3A_492 = arith.constant 16 : i32
      %eq3A_493 = arith.constant 0 : i32
      %eq3A_494 = arith.cmpi eq, %jit3A_492, %eq3A_493 : i32
      %jit3A_495 = arith.constant 1 : i32
      %select_n3A_496 = arith.select %eq3A_494, %jit3A_495, %jit3A_492 : i32
      %rem3A_497 = arith.remsi %add3A_446, %select_n3A_496 : i32
      %ne3A_498 = arith.constant 0 : i32
      %ne3A_499 = arith.cmpi ne, %rem3A_497, %ne3A_498 : i32
      %lt3A = arith.constant 0 : i32
      %lt3A_500 = arith.cmpi slt, %rem3A_497, %lt3A : i32
      %lt3A_501 = arith.constant 0 : i32
      %lt3A_502 = arith.cmpi slt, %select_n3A_496, %lt3A_501 : i32
      %ne3A_503 = arith.xori %lt3A_500, %lt3A_502 : i1
      %and3A_504 = arith.andi %ne3A_503, %ne3A_499 : i1
      %add3A_505 = arith.addi %rem3A_497, %select_n3A_496 : i32
      %select_n3A_506 = arith.select %and3A_504, %add3A_505, %rem3A_497 : i32
      %iota3A_507 = tpu.iota {dimensions = array<i32: 0>} : vector<16xi32>
      %broadcast_in_dim3A_508 = vector.broadcast %select_n3A_506 : i32 to vector<16xi32>
      %eq3A_509 = arith.cmpi eq, %iota3A_507, %broadcast_in_dim3A_508 : vector<16xi32>
      %jit3A_510 = arith.constant 0 : i32
      %broadcast_in_dim3A_511 = vector.broadcast %jit3A_510 : i32 to vector<16xi32>
      %select_n3A_512 = arith.select %eq3A_509, %get3A_491, %broadcast_in_dim3A_511 : vector<16xi1>, vector<16xi32>
      %reduce_sum3A_513 = arith.constant true
      %reduce_sum3A_514 = vector.broadcast %reduce_sum3A_513 : i1 to vector<16xi1>
      %reduce_sum3A_515 = tpu.scan <sum>, %select_n3A_512 masked %reduce_sum3A_514 : vector<16xi32>, vector<16xi1> -> vector<16xi32>
      %reduce_sum3A_516 = vector.extract %reduce_sum3A_515[15] : i32 from vector<16xi32>
      %jit3A_517 = arith.constant 128 : i32
      %eq3A_518 = arith.constant 0 : i32
      %eq3A_519 = arith.cmpi eq, %jit3A_517, %eq3A_518 : i32
      %jit3A_520 = arith.constant 1 : i32
      %select_n3A_521 = arith.select %eq3A_519, %jit3A_520, %jit3A_517 : i32
      %rem3A_522 = arith.remsi %reduce_sum3A_516, %select_n3A_521 : i32
      %ne3A_523 = arith.constant 0 : i32
      %ne3A_524 = arith.cmpi ne, %rem3A_522, %ne3A_523 : i32
      %lt3A_525 = arith.constant 0 : i32
      %lt3A_526 = arith.cmpi slt, %rem3A_522, %lt3A_525 : i32
      %lt3A_527 = arith.constant 0 : i32
      %lt3A_528 = arith.cmpi slt, %select_n3A_521, %lt3A_527 : i32
      %ne3A_529 = arith.xori %lt3A_526, %lt3A_528 : i1
      %and3A_530 = arith.andi %ne3A_529, %ne3A_524 : i1
      %add3A_531 = arith.addi %rem3A_522, %select_n3A_521 : i32
      %select_n3A_532 = arith.select %and3A_530, %add3A_531, %rem3A_522 : i32
      %iota3A_533 = tpu.iota {dimensions = array<i32: 0>} : vector<16xi32>
      %broadcast_in_dim3A_534 = vector.broadcast %select_n3A_532 : i32 to vector<16xi32>
      %broadcast_in_dim3A_535 = vector.broadcast %add3A_446 : i32 to vector<16xi32>
      %add3A_536 = arith.constant 0 : i32
      %add3A_537 = vector.broadcast %add3A_536 : i32 to vector<16xi32>
      %add3A_538 = arith.addi %iota3A_533, %add3A_537 : vector<16xi32>
      %gather3A = arith.constant 0 : i32
      %gather3A_539 = arith.constant 0 : i32
      %gather3A_540 = arith.constant 0 : i32
      %gather3A_541 = tpu.memref_slice %arg6[%gather3A, %gather3A_539, %gather3A_540] : memref<8x32x128xf32, #tpu.memory_space<vmem>> -> memref<1x32x128xf32, #tpu.memory_space<vmem>>
      %gather3A_542 = tpu.memref_squeeze %gather3A_541 : memref<1x32x128xf32, #tpu.memory_space<vmem>> -> memref<32x128xf32, #tpu.memory_space<vmem>>
      %gather3A_543 = tpu.vector_load_idx %gather3A_542[%add3A_538, %broadcast_in_dim3A_534] : memref<32x128xf32, #tpu.memory_space<vmem>>[vector<16xi32>, vector<16xi32>], vector<16xf32>,
      tpu.vector_store_idx %arg7[%add3A_538, %broadcast_in_dim3A_535], %gather3A_543 : memref<32x512xf32, #tpu.memory_space<vmem>>[vector<16xi32>, vector<16xi32>], vector<16xf32>,
      %add3A_544 = arith.constant 16 : i32
      %add3A_545 = vector.broadcast %add3A_544 : i32 to vector<16xi32>
      %add3A_546 = arith.addi %iota3A_533, %add3A_545 : vector<16xi32>
      %gather3A_547 = arith.constant 0 : i32
      %gather3A_548 = arith.constant 0 : i32
      %gather3A_549 = arith.constant 0 : i32
      %gather3A_550 = tpu.memref_slice %arg6[%gather3A_547, %gather3A_548, %gather3A_549] : memref<8x32x128xf32, #tpu.memory_space<vmem>> -> memref<1x32x128xf32, #tpu.memory_space<vmem>>
      %gather3A_551 = tpu.memref_squeeze %gather3A_550 : memref<1x32x128xf32, #tpu.memory_space<vmem>> -> memref<32x128xf32, #tpu.memory_space<vmem>>
      %gather3A_552 = tpu.vector_load_idx %gather3A_551[%add3A_546, %broadcast_in_dim3A_534] : memref<32x128xf32, #tpu.memory_space<vmem>>[vector<16xi32>, vector<16xi32>], vector<16xf32>,
      tpu.vector_store_idx %arg7[%add3A_546, %broadcast_in_dim3A_535], %gather3A_552 : memref<32x512xf32, #tpu.memory_space<vmem>>[vector<16xi32>, vector<16xi32>], vector<16xf32>,
      %add3A_553 = arith.constant 0 : i32
      %add3A_554 = arith.addi %add3A_444, %add3A_553 : i32
      %add3A_555 = arith.constant 8 : i32
      %add3A_556 = arith.addi %add3A_554, %add3A_555 : i32
      %lt3A_557 = arith.constant 512 : i32
      %lt3A_558 = arith.cmpi slt, %add3A_556, %lt3A_557 : i32
      %convert_element_type3A = arith.extui %lt3A_558 : i1 to i32
      %cond3A = arith.constant 0 : i32
      %cond3A_559 = arith.cmpi ne, %convert_element_type3A, %cond3A : i32
      scf.if %cond3A_559 {
        %add3A_1400 = arith.constant 0 : i32
        %add3A_1401 = arith.addi %add3A_444, %add3A_1400 : i32
        %add3A_1402 = arith.constant 8 : i32
        %add3A_1403 = arith.addi %add3A_1401, %add3A_1402 : i32
        %jit3A_1404 = arith.constant 16 : i32
        %div3A_1405 = arith.divsi %add3A_1403, %jit3A_1404 : i32
        %sign3A_1406 = arith.constant 0 : i32
        %sign3A_1407 = arith.cmpi sgt, %add3A_1403, %sign3A_1406 : i32
        %sign3A_1408 = arith.extui %sign3A_1407 : i1 to i32
        %sign3A_1409 = arith.constant 0 : i32
        %sign3A_1410 = arith.cmpi slt, %add3A_1403, %sign3A_1409 : i32
        %sign3A_1411 = arith.extui %sign3A_1410 : i1 to i32
        %sign3A_1412 = arith.subi %sign3A_1408, %sign3A_1411 : i32
        %sign3A_1413 = arith.constant 0 : i32
        %sign3A_1414 = arith.cmpi sgt, %jit3A_1404, %sign3A_1413 : i32
        %sign3A_1415 = arith.extui %sign3A_1414 : i1 to i32
        %sign3A_1416 = arith.constant 0 : i32
        %sign3A_1417 = arith.cmpi slt, %jit3A_1404, %sign3A_1416 : i32
        %sign3A_1418 = arith.extui %sign3A_1417 : i1 to i32
        %sign3A_1419 = arith.subi %sign3A_1415, %sign3A_1418 : i32
        %ne3A_1420 = arith.cmpi ne, %sign3A_1412, %sign3A_1419 : i32
        %rem3A_1421 = arith.remsi %add3A_1403, %jit3A_1404 : i32
        %ne3A_1422 = arith.constant 0 : i32
        %ne3A_1423 = arith.cmpi ne, %rem3A_1421, %ne3A_1422 : i32
        %and3A_1424 = arith.andi %ne3A_1420, %ne3A_1423 : i1
        %sub3A_1425 = arith.constant 1 : i32
        %sub3A_1426 = arith.subi %div3A_1405, %sub3A_1425 : i32
        %select_n3A_1427 = arith.select %and3A_1424, %sub3A_1426, %div3A_1405 : i32
        %mul3A_1428 = arith.constant 16 : i32
        %mul3A_1429 = arith.muli %select_n3A_1427, %mul3A_1428 : i32
        %get3A_1430 = arith.index_cast %mul3A_1429 : i32 to index
        %get3A_1431 = tpu.vector_load %arg5[%get3A_1430] {strides = array<i32>} : memref<512xi32, #tpu.memory_space<vmem>>, vector<16xi32>,
        %jit3A_1432 = arith.constant 16 : i32
        %eq3A_1433 = arith.constant 0 : i32
        %eq3A_1434 = arith.cmpi eq, %jit3A_1432, %eq3A_1433 : i32
        %jit3A_1435 = arith.constant 1 : i32
        %select_n3A_1436 = arith.select %eq3A_1434, %jit3A_1435, %jit3A_1432 : i32
        %rem3A_1437 = arith.remsi %add3A_1403, %select_n3A_1436 : i32
        %ne3A_1438 = arith.constant 0 : i32
        %ne3A_1439 = arith.cmpi ne, %rem3A_1437, %ne3A_1438 : i32
        %lt3A_1440 = arith.constant 0 : i32
        %lt3A_1441 = arith.cmpi slt, %rem3A_1437, %lt3A_1440 : i32
        %lt3A_1442 = arith.constant 0 : i32
        %lt3A_1443 = arith.cmpi slt, %select_n3A_1436, %lt3A_1442 : i32
        %ne3A_1444 = arith.xori %lt3A_1441, %lt3A_1443 : i1
        %and3A_1445 = arith.andi %ne3A_1444, %ne3A_1439 : i1
        %add3A_1446 = arith.addi %rem3A_1437, %select_n3A_1436 : i32
        %select_n3A_1447 = arith.select %and3A_1445, %add3A_1446, %rem3A_1437 : i32
        %iota3A_1448 = tpu.iota {dimensions = array<i32: 0>} : vector<16xi32>
        %broadcast_in_dim3A_1449 = vector.broadcast %select_n3A_1447 : i32 to vector<16xi32>
        %eq3A_1450 = arith.cmpi eq, %iota3A_1448, %broadcast_in_dim3A_1449 : vector<16xi32>
        %jit3A_1451 = arith.constant 0 : i32
        %broadcast_in_dim3A_1452 = vector.broadcast %jit3A_1451 : i32 to vector<16xi32>
        %select_n3A_1453 = arith.select %eq3A_1450, %get3A_1431, %broadcast_in_dim3A_1452 : vector<16xi1>, vector<16xi32>
        %reduce_sum3A_1454 = arith.constant true
        %reduce_sum3A_1455 = vector.broadcast %reduce_sum3A_1454 : i1 to vector<16xi1>
        %reduce_sum3A_1456 = tpu.scan <sum>, %select_n3A_1453 masked %reduce_sum3A_1455 : vector<16xi32>, vector<16xi1> -> vector<16xi32>
        %reduce_sum3A_1457 = vector.extract %reduce_sum3A_1456[15] : i32 from vector<16xi32>
        %jit3A_1458 = arith.constant 128 : i32
        %div3A_1459 = arith.divsi %reduce_sum3A_1457, %jit3A_1458 : i32
        %sign3A_1460 = arith.constant 0 : i32
        %sign3A_1461 = arith.cmpi sgt, %reduce_sum3A_1457, %sign3A_1460 : i32
        %sign3A_1462 = arith.extui %sign3A_1461 : i1 to i32
        %sign3A_1463 = arith.constant 0 : i32
        %sign3A_1464 = arith.cmpi slt, %reduce_sum3A_1457, %sign3A_1463 : i32
        %sign3A_1465 = arith.extui %sign3A_1464 : i1 to i32
        %sign3A_1466 = arith.subi %sign3A_1462, %sign3A_1465 : i32
        %sign3A_1467 = arith.constant 0 : i32
        %sign3A_1468 = arith.cmpi sgt, %jit3A_1458, %sign3A_1467 : i32
        %sign3A_1469 = arith.extui %sign3A_1468 : i1 to i32
        %sign3A_1470 = arith.constant 0 : i32
        %sign3A_1471 = arith.cmpi slt, %jit3A_1458, %sign3A_1470 : i32
        %sign3A_1472 = arith.extui %sign3A_1471 : i1 to i32
        %sign3A_1473 = arith.subi %sign3A_1469, %sign3A_1472 : i32
        %ne3A_1474 = arith.cmpi ne, %sign3A_1466, %sign3A_1473 : i32
        %rem3A_1475 = arith.remsi %reduce_sum3A_1457, %jit3A_1458 : i32
        %ne3A_1476 = arith.constant 0 : i32
        %ne3A_1477 = arith.cmpi ne, %rem3A_1475, %ne3A_1476 : i32
        %and3A_1478 = arith.andi %ne3A_1474, %ne3A_1477 : i1
        %sub3A_1479 = arith.constant 1 : i32
        %sub3A_1480 = arith.subi %div3A_1459, %sub3A_1479 : i32
        %select_n3A_1481 = arith.select %and3A_1478, %sub3A_1480, %div3A_1459 : i32
        %mul3A_1482 = arith.constant 128 : i32
        %mul3A_1483 = arith.muli %select_n3A_1481, %mul3A_1482 : i32
        %multiple_of3A_1484 = tpu.assume_multiple %mul3A_1483, 128 : i32
        %dma_start3A_1485 = arith.constant 0 : i32
        %dma_start3A_1486 = arith.constant 0 : i32
        %dma_start3A_1487 = arith.constant 0 : i32
        %dma_start3A_1488 = arith.constant 0 : i32
        %dma_start3A_1489 = tpu.memref_slice %arg6[%dma_start3A_1485, %dma_start3A_1487, %dma_start3A_1488] : memref<8x32x128xf32, #tpu.memory_space<vmem>> -> memref<1x32x128xf32, #tpu.memory_space<vmem>>
        %dma_start3A_1490 = tpu.memref_squeeze %dma_start3A_1489 : memref<1x32x128xf32, #tpu.memory_space<vmem>> -> memref<32x128xf32, #tpu.memory_space<vmem>>
        %dma_start3A_1491 = arith.constant 0 : i32
        %dma_start3A_1492 = tpu.memref_slice %arg2[%dma_start3A_1491, %multiple_of3A_1484] : memref<32x1000000xf32, #tpu.memory_space<hbm>> -> memref<32x128xf32, #tpu.memory_space<hbm>>
        %dma_start3A_1493 = tpu.memref_slice %arg8[%dma_start3A_1486] : memref<8x!tpu.dma_semaphore, #tpu.memory_space<semaphore_mem>> -> memref<1x!tpu.dma_semaphore, #tpu.memory_space<semaphore_mem>>
        %dma_start3A_1494 = tpu.memref_squeeze %dma_start3A_1493 : memref<1x!tpu.dma_semaphore, #tpu.memory_space<semaphore_mem>> -> memref<!tpu.dma_semaphore, #tpu.memory_space<semaphore_mem>>
        %dma_start3A_1495 = arith.constant 0 : i32
        %dma_start3A_1496 = arith.constant 0 : i32
        %dma_start3A_1497 = tpu.memref_slice %arg6[%dma_start3A_1485, %dma_start3A_1495, %dma_start3A_1496] : memref<8x32x128xf32, #tpu.memory_space<vmem>> -> memref<1x32x128xf32, #tpu.memory_space<vmem>>
        %dma_start3A_1498 = tpu.memref_squeeze %dma_start3A_1497 : memref<1x32x128xf32, #tpu.memory_space<vmem>> -> memref<32x128xf32, #tpu.memory_space<vmem>>
        %dma_start3A_1499 = arith.constant 0 : i32
        %dma_start3A_1500 = tpu.memref_slice %arg2[%dma_start3A_1499, %multiple_of3A_1484] : memref<32x1000000xf32, #tpu.memory_space<hbm>> -> memref<32x128xf32, #tpu.memory_space<hbm>>
        tpu.enqueue_dma source(%dma_start3A_1500 : memref<32x128xf32, #tpu.memory_space<hbm>>) target(%dma_start3A_1498 : memref<32x128xf32, #tpu.memory_space<vmem>>) target_semaphore(%dma_start3A_1494 : memref<!tpu.dma_semaphore, #tpu.memory_space<semaphore_mem>>)
      } else {
      }
      %add3A_560 = arith.constant 1 : i32
      %add3A_561 = arith.addi %add3A_444, %add3A_560 : i32
      %dma_wait3A_562 = arith.constant 1 : i32
      %dma_wait3A_563 = arith.constant 1 : i32
      %dma_wait3A_564 = arith.constant 0 : i32
      %dma_wait3A_565 = arith.constant 0 : i32
      %dma_wait3A_566 = tpu.memref_slice %arg6[%dma_wait3A_562, %dma_wait3A_564, %dma_wait3A_565] : memref<8x32x128xf32, #tpu.memory_space<vmem>> -> memref<1x32x128xf32, #tpu.memory_space<vmem>>
      %dma_wait3A_567 = tpu.memref_squeeze %dma_wait3A_566 : memref<1x32x128xf32, #tpu.memory_space<vmem>> -> memref<32x128xf32, #tpu.memory_space<vmem>>
      %dma_wait3A_568 = arith.constant 0 : i32
      %dma_wait3A_569 = arith.constant 0 : i32
      %dma_wait3A_570 = tpu.memref_slice %arg2[%dma_wait3A_568, %dma_wait3A_569] : memref<32x1000000xf32, #tpu.memory_space<hbm>> -> memref<32x128xf32, #tpu.memory_space<hbm>>
      %dma_wait3A_571 = tpu.memref_slice %arg8[%dma_wait3A_563] : memref<8x!tpu.dma_semaphore, #tpu.memory_space<semaphore_mem>> -> memref<1x!tpu.dma_semaphore, #tpu.memory_space<semaphore_mem>>
      %dma_wait3A_572 = tpu.memref_squeeze %dma_wait3A_571 : memref<1x!tpu.dma_semaphore, #tpu.memory_space<semaphore_mem>> -> memref<!tpu.dma_semaphore, #tpu.memory_space<semaphore_mem>>
      %dma_wait3A_573 = arith.constant 0 : i32
      %dma_wait3A_574 = arith.constant 0 : i32
      %dma_wait3A_575 = tpu.memref_slice %arg6[%dma_wait3A_562, %dma_wait3A_573, %dma_wait3A_574] : memref<8x32x128xf32, #tpu.memory_space<vmem>> -> memref<1x32x128xf32, #tpu.memory_space<vmem>>
      %dma_wait3A_576 = tpu.memref_squeeze %dma_wait3A_575 : memref<1x32x128xf32, #tpu.memory_space<vmem>> -> memref<32x128xf32, #tpu.memory_space<vmem>>
      %dma_wait3A_577 = arith.constant 0 : i32
      %dma_wait3A_578 = arith.constant 0 : i32
      %dma_wait3A_579 = tpu.memref_slice %arg2[%dma_wait3A_577, %dma_wait3A_578] : memref<32x1000000xf32, #tpu.memory_space<hbm>> -> memref<32x128xf32, #tpu.memory_space<hbm>>
      tpu.wait_dma2 semaphore(%dma_wait3A_572 : memref<!tpu.dma_semaphore, #tpu.memory_space<semaphore_mem>>) src(%dma_wait3A_579 : memref<32x128xf32, #tpu.memory_space<hbm>>) dst(%dma_wait3A_576 : memref<32x128xf32, #tpu.memory_space<vmem>>)
      %jit3A_580 = arith.constant 16 : i32
      %div3A_581 = arith.divsi %add3A_561, %jit3A_580 : i32
      %sign3A_582 = arith.constant 0 : i32
      %sign3A_583 = arith.cmpi sgt, %add3A_561, %sign3A_582 : i32
      %sign3A_584 = arith.extui %sign3A_583 : i1 to i32
      %sign3A_585 = arith.constant 0 : i32
      %sign3A_586 = arith.cmpi slt, %add3A_561, %sign3A_585 : i32
      %sign3A_587 = arith.extui %sign3A_586 : i1 to i32
      %sign3A_588 = arith.subi %sign3A_584, %sign3A_587 : i32
      %sign3A_589 = arith.constant 0 : i32
      %sign3A_590 = arith.cmpi sgt, %jit3A_580, %sign3A_589 : i32
      %sign3A_591 = arith.extui %sign3A_590 : i1 to i32
      %sign3A_592 = arith.constant 0 : i32
      %sign3A_593 = arith.cmpi slt, %jit3A_580, %sign3A_592 : i32
      %sign3A_594 = arith.extui %sign3A_593 : i1 to i32
      %sign3A_595 = arith.subi %sign3A_591, %sign3A_594 : i32
      %ne3A_596 = arith.cmpi ne, %sign3A_588, %sign3A_595 : i32
      %rem3A_597 = arith.remsi %add3A_561, %jit3A_580 : i32
      %ne3A_598 = arith.constant 0 : i32
      %ne3A_599 = arith.cmpi ne, %rem3A_597, %ne3A_598 : i32
      %and3A_600 = arith.andi %ne3A_596, %ne3A_599 : i1
      %sub3A_601 = arith.constant 1 : i32
      %sub3A_602 = arith.subi %div3A_581, %sub3A_601 : i32
      %select_n3A_603 = arith.select %and3A_600, %sub3A_602, %div3A_581 : i32
      %mul3A_604 = arith.constant 16 : i32
      %mul3A_605 = arith.muli %select_n3A_603, %mul3A_604 : i32
      %get3A_606 = arith.index_cast %mul3A_605 : i32 to index
      %get3A_607 = tpu.vector_load %arg5[%get3A_606] {strides = array<i32>} : memref<512xi32, #tpu.memory_space<vmem>>, vector<16xi32>,
      %jit3A_608 = arith.constant 16 : i32
      %eq3A_609 = arith.constant 0 : i32
      %eq3A_610 = arith.cmpi eq, %jit3A_608, %eq3A_609 : i32
      %jit3A_611 = arith.constant 1 : i32
      %select_n3A_612 = arith.select %eq3A_610, %jit3A_611, %jit3A_608 : i32
      %rem3A_613 = arith.remsi %add3A_561, %select_n3A_612 : i32
      %ne3A_614 = arith.constant 0 : i32
      %ne3A_615 = arith.cmpi ne, %rem3A_613, %ne3A_614 : i32
      %lt3A_616 = arith.constant 0 : i32
      %lt3A_617 = arith.cmpi slt, %rem3A_613, %lt3A_616 : i32
      %lt3A_618 = arith.constant 0 : i32
      %lt3A_619 = arith.cmpi slt, %select_n3A_612, %lt3A_618 : i32
      %ne3A_620 = arith.xori %lt3A_617, %lt3A_619 : i1
      %and3A_621 = arith.andi %ne3A_620, %ne3A_615 : i1
      %add3A_622 = arith.addi %rem3A_613, %select_n3A_612 : i32
      %select_n3A_623 = arith.select %and3A_621, %add3A_622, %rem3A_613 : i32
      %iota3A_624 = tpu.iota {dimensions = array<i32: 0>} : vector<16xi32>
      %broadcast_in_dim3A_625 = vector.broadcast %select_n3A_623 : i32 to vector<16xi32>
      %eq3A_626 = arith.cmpi eq, %iota3A_624, %broadcast_in_dim3A_625 : vector<16xi32>
      %jit3A_627 = arith.constant 0 : i32
      %broadcast_in_dim3A_628 = vector.broadcast %jit3A_627 : i32 to vector<16xi32>
      %select_n3A_629 = arith.select %eq3A_626, %get3A_607, %broadcast_in_dim3A_628 : vector<16xi1>, vector<16xi32>
      %reduce_sum3A_630 = arith.constant true
      %reduce_sum3A_631 = vector.broadcast %reduce_sum3A_630 : i1 to vector<16xi1>
      %reduce_sum3A_632 = tpu.scan <sum>, %select_n3A_629 masked %reduce_sum3A_631 : vector<16xi32>, vector<16xi1> -> vector<16xi32>
      %reduce_sum3A_633 = vector.extract %reduce_sum3A_632[15] : i32 from vector<16xi32>
      %jit3A_634 = arith.constant 128 : i32
      %eq3A_635 = arith.constant 0 : i32
      %eq3A_636 = arith.cmpi eq, %jit3A_634, %eq3A_635 : i32
      %jit3A_637 = arith.constant 1 : i32
      %select_n3A_638 = arith.select %eq3A_636, %jit3A_637, %jit3A_634 : i32
      %rem3A_639 = arith.remsi %reduce_sum3A_633, %select_n3A_638 : i32
      %ne3A_640 = arith.constant 0 : i32
      %ne3A_641 = arith.cmpi ne, %rem3A_639, %ne3A_640 : i32
      %lt3A_642 = arith.constant 0 : i32
      %lt3A_643 = arith.cmpi slt, %rem3A_639, %lt3A_642 : i32
      %lt3A_644 = arith.constant 0 : i32
      %lt3A_645 = arith.cmpi slt, %select_n3A_638, %lt3A_644 : i32
      %ne3A_646 = arith.xori %lt3A_643, %lt3A_645 : i1
      %and3A_647 = arith.andi %ne3A_646, %ne3A_641 : i1
      %add3A_648 = arith.addi %rem3A_639, %select_n3A_638 : i32
      %select_n3A_649 = arith.select %and3A_647, %add3A_648, %rem3A_639 : i32
      %iota3A_650 = tpu.iota {dimensions = array<i32: 0>} : vector<16xi32>
      %broadcast_in_dim3A_651 = vector.broadcast %select_n3A_649 : i32 to vector<16xi32>
      %broadcast_in_dim3A_652 = vector.broadcast %add3A_561 : i32 to vector<16xi32>
      %add3A_653 = arith.constant 0 : i32
      %add3A_654 = vector.broadcast %add3A_653 : i32 to vector<16xi32>
      %add3A_655 = arith.addi %iota3A_650, %add3A_654 : vector<16xi32>
      %gather3A_656 = arith.constant 1 : i32
      %gather3A_657 = arith.constant 0 : i32
      %gather3A_658 = arith.constant 0 : i32
      %gather3A_659 = tpu.memref_slice %arg6[%gather3A_656, %gather3A_657, %gather3A_658] : memref<8x32x128xf32, #tpu.memory_space<vmem>> -> memref<1x32x128xf32, #tpu.memory_space<vmem>>
      %gather3A_660 = tpu.memref_squeeze %gather3A_659 : memref<1x32x128xf32, #tpu.memory_space<vmem>> -> memref<32x128xf32, #tpu.memory_space<vmem>>
      %gather3A_661 = tpu.vector_load_idx %gather3A_660[%add3A_655, %broadcast_in_dim3A_651] : memref<32x128xf32, #tpu.memory_space<vmem>>[vector<16xi32>, vector<16xi32>], vector<16xf32>,
      tpu.vector_store_idx %arg7[%add3A_655, %broadcast_in_dim3A_652], %gather3A_661 : memref<32x512xf32, #tpu.memory_space<vmem>>[vector<16xi32>, vector<16xi32>], vector<16xf32>,
      %add3A_662 = arith.constant 16 : i32
      %add3A_663 = vector.broadcast %add3A_662 : i32 to vector<16xi32>
      %add3A_664 = arith.addi %iota3A_650, %add3A_663 : vector<16xi32>
      %gather3A_665 = arith.constant 1 : i32
      %gather3A_666 = arith.constant 0 : i32
      %gather3A_667 = arith.constant 0 : i32
      %gather3A_668 = tpu.memref_slice %arg6[%gather3A_665, %gather3A_666, %gather3A_667] : memref<8x32x128xf32, #tpu.memory_space<vmem>> -> memref<1x32x128xf32, #tpu.memory_space<vmem>>
      %gather3A_669 = tpu.memref_squeeze %gather3A_668 : memref<1x32x128xf32, #tpu.memory_space<vmem>> -> memref<32x128xf32, #tpu.memory_space<vmem>>
      %gather3A_670 = tpu.vector_load_idx %gather3A_669[%add3A_664, %broadcast_in_dim3A_651] : memref<32x128xf32, #tpu.memory_space<vmem>>[vector<16xi32>, vector<16xi32>], vector<16xf32>,
      tpu.vector_store_idx %arg7[%add3A_664, %broadcast_in_dim3A_652], %gather3A_670 : memref<32x512xf32, #tpu.memory_space<vmem>>[vector<16xi32>, vector<16xi32>], vector<16xf32>,
      %add3A_671 = arith.constant 1 : i32
      %add3A_672 = arith.addi %add3A_444, %add3A_671 : i32
      %add3A_673 = arith.constant 8 : i32
      %add3A_674 = arith.addi %add3A_672, %add3A_673 : i32
      %lt3A_675 = arith.constant 512 : i32
      %lt3A_676 = arith.cmpi slt, %add3A_674, %lt3A_675 : i32
      %convert_element_type3A_677 = arith.extui %lt3A_676 : i1 to i32
      %cond3A_678 = arith.constant 0 : i32
      %cond3A_679 = arith.cmpi ne, %convert_element_type3A_677, %cond3A_678 : i32
      scf.if %cond3A_679 {
        %add3A_1400 = arith.constant 1 : i32
        %add3A_1401 = arith.addi %add3A_444, %add3A_1400 : i32
        %add3A_1402 = arith.constant 8 : i32
        %add3A_1403 = arith.addi %add3A_1401, %add3A_1402 : i32
        %jit3A_1404 = arith.constant 16 : i32
        %div3A_1405 = arith.divsi %add3A_1403, %jit3A_1404 : i32
        %sign3A_1406 = arith.constant 0 : i32
        %sign3A_1407 = arith.cmpi sgt, %add3A_1403, %sign3A_1406 : i32
        %sign3A_1408 = arith.extui %sign3A_1407 : i1 to i32
        %sign3A_1409 = arith.constant 0 : i32
        %sign3A_1410 = arith.cmpi slt, %add3A_1403, %sign3A_1409 : i32
        %sign3A_1411 = arith.extui %sign3A_1410 : i1 to i32
        %sign3A_1412 = arith.subi %sign3A_1408, %sign3A_1411 : i32
        %sign3A_1413 = arith.constant 0 : i32
        %sign3A_1414 = arith.cmpi sgt, %jit3A_1404, %sign3A_1413 : i32
        %sign3A_1415 = arith.extui %sign3A_1414 : i1 to i32
        %sign3A_1416 = arith.constant 0 : i32
        %sign3A_1417 = arith.cmpi slt, %jit3A_1404, %sign3A_1416 : i32
        %sign3A_1418 = arith.extui %sign3A_1417 : i1 to i32
        %sign3A_1419 = arith.subi %sign3A_1415, %sign3A_1418 : i32
        %ne3A_1420 = arith.cmpi ne, %sign3A_1412, %sign3A_1419 : i32
        %rem3A_1421 = arith.remsi %add3A_1403, %jit3A_1404 : i32
        %ne3A_1422 = arith.constant 0 : i32
        %ne3A_1423 = arith.cmpi ne, %rem3A_1421, %ne3A_1422 : i32
        %and3A_1424 = arith.andi %ne3A_1420, %ne3A_1423 : i1
        %sub3A_1425 = arith.constant 1 : i32
        %sub3A_1426 = arith.subi %div3A_1405, %sub3A_1425 : i32
        %select_n3A_1427 = arith.select %and3A_1424, %sub3A_1426, %div3A_1405 : i32
        %mul3A_1428 = arith.constant 16 : i32
        %mul3A_1429 = arith.muli %select_n3A_1427, %mul3A_1428 : i32
        %get3A_1430 = arith.index_cast %mul3A_1429 : i32 to index
        %get3A_1431 = tpu.vector_load %arg5[%get3A_1430] {strides = array<i32>} : memref<512xi32, #tpu.memory_space<vmem>>, vector<16xi32>,
        %jit3A_1432 = arith.constant 16 : i32
        %eq3A_1433 = arith.constant 0 : i32
        %eq3A_1434 = arith.cmpi eq, %jit3A_1432, %eq3A_1433 : i32
        %jit3A_1435 = arith.constant 1 : i32
        %select_n3A_1436 = arith.select %eq3A_1434, %jit3A_1435, %jit3A_1432 : i32
        %rem3A_1437 = arith.remsi %add3A_1403, %select_n3A_1436 : i32
        %ne3A_1438 = arith.constant 0 : i32
        %ne3A_1439 = arith.cmpi ne, %rem3A_1437, %ne3A_1438 : i32
        %lt3A_1440 = arith.constant 0 : i32
        %lt3A_1441 = arith.cmpi slt, %rem3A_1437, %lt3A_1440 : i32
        %lt3A_1442 = arith.constant 0 : i32
        %lt3A_1443 = arith.cmpi slt, %select_n3A_1436, %lt3A_1442 : i32
        %ne3A_1444 = arith.xori %lt3A_1441, %lt3A_1443 : i1
        %and3A_1445 = arith.andi %ne3A_1444, %ne3A_1439 : i1
        %add3A_1446 = arith.addi %rem3A_1437, %select_n3A_1436 : i32
        %select_n3A_1447 = arith.select %and3A_1445, %add3A_1446, %rem3A_1437 : i32
        %iota3A_1448 = tpu.iota {dimensions = array<i32: 0>} : vector<16xi32>
        %broadcast_in_dim3A_1449 = vector.broadcast %select_n3A_1447 : i32 to vector<16xi32>
        %eq3A_1450 = arith.cmpi eq, %iota3A_1448, %broadcast_in_dim3A_1449 : vector<16xi32>
        %jit3A_1451 = arith.constant 0 : i32
        %broadcast_in_dim3A_1452 = vector.broadcast %jit3A_1451 : i32 to vector<16xi32>
        %select_n3A_1453 = arith.select %eq3A_1450, %get3A_1431, %broadcast_in_dim3A_1452 : vector<16xi1>, vector<16xi32>
        %reduce_sum3A_1454 = arith.constant true
        %reduce_sum3A_1455 = vector.broadcast %reduce_sum3A_1454 : i1 to vector<16xi1>
        %reduce_sum3A_1456 = tpu.scan <sum>, %select_n3A_1453 masked %reduce_sum3A_1455 : vector<16xi32>, vector<16xi1> -> vector<16xi32>
        %reduce_sum3A_1457 = vector.extract %reduce_sum3A_1456[15] : i32 from vector<16xi32>
        %jit3A_1458 = arith.constant 128 : i32
        %div3A_1459 = arith.divsi %reduce_sum3A_1457, %jit3A_1458 : i32
        %sign3A_1460 = arith.constant 0 : i32
        %sign3A_1461 = arith.cmpi sgt, %reduce_sum3A_1457, %sign3A_1460 : i32
        %sign3A_1462 = arith.extui %sign3A_1461 : i1 to i32
        %sign3A_1463 = arith.constant 0 : i32
        %sign3A_1464 = arith.cmpi slt, %reduce_sum3A_1457, %sign3A_1463 : i32
        %sign3A_1465 = arith.extui %sign3A_1464 : i1 to i32
        %sign3A_1466 = arith.subi %sign3A_1462, %sign3A_1465 : i32
        %sign3A_1467 = arith.constant 0 : i32
        %sign3A_1468 = arith.cmpi sgt, %jit3A_1458, %sign3A_1467 : i32
        %sign3A_1469 = arith.extui %sign3A_1468 : i1 to i32
        %sign3A_1470 = arith.constant 0 : i32
        %sign3A_1471 = arith.cmpi slt, %jit3A_1458, %sign3A_1470 : i32
        %sign3A_1472 = arith.extui %sign3A_1471 : i1 to i32
        %sign3A_1473 = arith.subi %sign3A_1469, %sign3A_1472 : i32
        %ne3A_1474 = arith.cmpi ne, %sign3A_1466, %sign3A_1473 : i32
        %rem3A_1475 = arith.remsi %reduce_sum3A_1457, %jit3A_1458 : i32
        %ne3A_1476 = arith.constant 0 : i32
        %ne3A_1477 = arith.cmpi ne, %rem3A_1475, %ne3A_1476 : i32
        %and3A_1478 = arith.andi %ne3A_1474, %ne3A_1477 : i1
        %sub3A_1479 = arith.constant 1 : i32
        %sub3A_1480 = arith.subi %div3A_1459, %sub3A_1479 : i32
        %select_n3A_1481 = arith.select %and3A_1478, %sub3A_1480, %div3A_1459 : i32
        %mul3A_1482 = arith.constant 128 : i32
        %mul3A_1483 = arith.muli %select_n3A_1481, %mul3A_1482 : i32
        %multiple_of3A_1484 = tpu.assume_multiple %mul3A_1483, 128 : i32
        %dma_start3A_1485 = arith.constant 1 : i32
        %dma_start3A_1486 = arith.constant 1 : i32
        %dma_start3A_1487 = arith.constant 0 : i32
        %dma_start3A_1488 = arith.constant 0 : i32
        %dma_start3A_1489 = tpu.memref_slice %arg6[%dma_start3A_1485, %dma_start3A_1487, %dma_start3A_1488] : memref<8x32x128xf32, #tpu.memory_space<vmem>> -> memref<1x32x128xf32, #tpu.memory_space<vmem>>
        %dma_start3A_1490 = tpu.memref_squeeze %dma_start3A_1489 : memref<1x32x128xf32, #tpu.memory_space<vmem>> -> memref<32x128xf32, #tpu.memory_space<vmem>>
        %dma_start3A_1491 = arith.constant 0 : i32
        %dma_start3A_1492 = tpu.memref_slice %arg2[%dma_start3A_1491, %multiple_of3A_1484] : memref<32x1000000xf32, #tpu.memory_space<hbm>> -> memref<32x128xf32, #tpu.memory_space<hbm>>
        %dma_start3A_1493 = tpu.memref_slice %arg8[%dma_start3A_1486] : memref<8x!tpu.dma_semaphore, #tpu.memory_space<semaphore_mem>> -> memref<1x!tpu.dma_semaphore, #tpu.memory_space<semaphore_mem>>
        %dma_start3A_1494 = tpu.memref_squeeze %dma_start3A_1493 : memref<1x!tpu.dma_semaphore, #tpu.memory_space<semaphore_mem>> -> memref<!tpu.dma_semaphore, #tpu.memory_space<semaphore_mem>>
        %dma_start3A_1495 = arith.constant 0 : i32
        %dma_start3A_1496 = arith.constant 0 : i32
        %dma_start3A_1497 = tpu.memref_slice %arg6[%dma_start3A_1485, %dma_start3A_1495, %dma_start3A_1496] : memref<8x32x128xf32, #tpu.memory_space<vmem>> -> memref<1x32x128xf32, #tpu.memory_space<vmem>>
        %dma_start3A_1498 = tpu.memref_squeeze %dma_start3A_1497 : memref<1x32x128xf32, #tpu.memory_space<vmem>> -> memref<32x128xf32, #tpu.memory_space<vmem>>
        %dma_start3A_1499 = arith.constant 0 : i32
        %dma_start3A_1500 = tpu.memref_slice %arg2[%dma_start3A_1499, %multiple_of3A_1484] : memref<32x1000000xf32, #tpu.memory_space<hbm>> -> memref<32x128xf32, #tpu.memory_space<hbm>>
        tpu.enqueue_dma source(%dma_start3A_1500 : memref<32x128xf32, #tpu.memory_space<hbm>>) target(%dma_start3A_1498 : memref<32x128xf32, #tpu.memory_space<vmem>>) target_semaphore(%dma_start3A_1494 : memref<!tpu.dma_semaphore, #tpu.memory_space<semaphore_mem>>)
      } else {
      }
      %add3A_680 = arith.constant 2 : i32
      %add3A_681 = arith.addi %add3A_444, %add3A_680 : i32
      %dma_wait3A_682 = arith.constant 2 : i32
      %dma_wait3A_683 = arith.constant 2 : i32
      %dma_wait3A_684 = arith.constant 0 : i32
      %dma_wait3A_685 = arith.constant 0 : i32
      %dma_wait3A_686 = tpu.memref_slice %arg6[%dma_wait3A_682, %dma_wait3A_684, %dma_wait3A_685] : memref<8x32x128xf32, #tpu.memory_space<vmem>> -> memref<1x32x128xf32, #tpu.memory_space<vmem>>
      %dma_wait3A_687 = tpu.memref_squeeze %dma_wait3A_686 : memref<1x32x128xf32, #tpu.memory_space<vmem>> -> memref<32x128xf32, #tpu.memory_space<vmem>>
      %dma_wait3A_688 = arith.constant 0 : i32
      %dma_wait3A_689 = arith.constant 0 : i32
      %dma_wait3A_690 = tpu.memref_slice %arg2[%dma_wait3A_688, %dma_wait3A_689] : memref<32x1000000xf32, #tpu.memory_space<hbm>> -> memref<32x128xf32, #tpu.memory_space<hbm>>
      %dma_wait3A_691 = tpu.memref_slice %arg8[%dma_wait3A_683] : memref<8x!tpu.dma_semaphore, #tpu.memory_space<semaphore_mem>> -> memref<1x!tpu.dma_semaphore, #tpu.memory_space<semaphore_mem>>
      %dma_wait3A_692 = tpu.memref_squeeze %dma_wait3A_691 : memref<1x!tpu.dma_semaphore, #tpu.memory_space<semaphore_mem>> -> memref<!tpu.dma_semaphore, #tpu.memory_space<semaphore_mem>>
      %dma_wait3A_693 = arith.constant 0 : i32
      %dma_wait3A_694 = arith.constant 0 : i32
      %dma_wait3A_695 = tpu.memref_slice %arg6[%dma_wait3A_682, %dma_wait3A_693, %dma_wait3A_694] : memref<8x32x128xf32, #tpu.memory_space<vmem>> -> memref<1x32x128xf32, #tpu.memory_space<vmem>>
      %dma_wait3A_696 = tpu.memref_squeeze %dma_wait3A_695 : memref<1x32x128xf32, #tpu.memory_space<vmem>> -> memref<32x128xf32, #tpu.memory_space<vmem>>
      %dma_wait3A_697 = arith.constant 0 : i32
      %dma_wait3A_698 = arith.constant 0 : i32
      %dma_wait3A_699 = tpu.memref_slice %arg2[%dma_wait3A_697, %dma_wait3A_698] : memref<32x1000000xf32, #tpu.memory_space<hbm>> -> memref<32x128xf32, #tpu.memory_space<hbm>>
      tpu.wait_dma2 semaphore(%dma_wait3A_692 : memref<!tpu.dma_semaphore, #tpu.memory_space<semaphore_mem>>) src(%dma_wait3A_699 : memref<32x128xf32, #tpu.memory_space<hbm>>) dst(%dma_wait3A_696 : memref<32x128xf32, #tpu.memory_space<vmem>>)
      %jit3A_700 = arith.constant 16 : i32
      %div3A_701 = arith.divsi %add3A_681, %jit3A_700 : i32
      %sign3A_702 = arith.constant 0 : i32
      %sign3A_703 = arith.cmpi sgt, %add3A_681, %sign3A_702 : i32
      %sign3A_704 = arith.extui %sign3A_703 : i1 to i32
      %sign3A_705 = arith.constant 0 : i32
      %sign3A_706 = arith.cmpi slt, %add3A_681, %sign3A_705 : i32
      %sign3A_707 = arith.extui %sign3A_706 : i1 to i32
      %sign3A_708 = arith.subi %sign3A_704, %sign3A_707 : i32
      %sign3A_709 = arith.constant 0 : i32
      %sign3A_710 = arith.cmpi sgt, %jit3A_700, %sign3A_709 : i32
      %sign3A_711 = arith.extui %sign3A_710 : i1 to i32
      %sign3A_712 = arith.constant 0 : i32
      %sign3A_713 = arith.cmpi slt, %jit3A_700, %sign3A_712 : i32
      %sign3A_714 = arith.extui %sign3A_713 : i1 to i32
      %sign3A_715 = arith.subi %sign3A_711, %sign3A_714 : i32
      %ne3A_716 = arith.cmpi ne, %sign3A_708, %sign3A_715 : i32
      %rem3A_717 = arith.remsi %add3A_681, %jit3A_700 : i32
      %ne3A_718 = arith.constant 0 : i32
      %ne3A_719 = arith.cmpi ne, %rem3A_717, %ne3A_718 : i32
      %and3A_720 = arith.andi %ne3A_716, %ne3A_719 : i1
      %sub3A_721 = arith.constant 1 : i32
      %sub3A_722 = arith.subi %div3A_701, %sub3A_721 : i32
      %select_n3A_723 = arith.select %and3A_720, %sub3A_722, %div3A_701 : i32
      %mul3A_724 = arith.constant 16 : i32
      %mul3A_725 = arith.muli %select_n3A_723, %mul3A_724 : i32
      %get3A_726 = arith.index_cast %mul3A_725 : i32 to index
      %get3A_727 = tpu.vector_load %arg5[%get3A_726] {strides = array<i32>} : memref<512xi32, #tpu.memory_space<vmem>>, vector<16xi32>,
      %jit3A_728 = arith.constant 16 : i32
      %eq3A_729 = arith.constant 0 : i32
      %eq3A_730 = arith.cmpi eq, %jit3A_728, %eq3A_729 : i32
      %jit3A_731 = arith.constant 1 : i32
      %select_n3A_732 = arith.select %eq3A_730, %jit3A_731, %jit3A_728 : i32
      %rem3A_733 = arith.remsi %add3A_681, %select_n3A_732 : i32
      %ne3A_734 = arith.constant 0 : i32
      %ne3A_735 = arith.cmpi ne, %rem3A_733, %ne3A_734 : i32
      %lt3A_736 = arith.constant 0 : i32
      %lt3A_737 = arith.cmpi slt, %rem3A_733, %lt3A_736 : i32
      %lt3A_738 = arith.constant 0 : i32
      %lt3A_739 = arith.cmpi slt, %select_n3A_732, %lt3A_738 : i32
      %ne3A_740 = arith.xori %lt3A_737, %lt3A_739 : i1
      %and3A_741 = arith.andi %ne3A_740, %ne3A_735 : i1
      %add3A_742 = arith.addi %rem3A_733, %select_n3A_732 : i32
      %select_n3A_743 = arith.select %and3A_741, %add3A_742, %rem3A_733 : i32
      %iota3A_744 = tpu.iota {dimensions = array<i32: 0>} : vector<16xi32>
      %broadcast_in_dim3A_745 = vector.broadcast %select_n3A_743 : i32 to vector<16xi32>
      %eq3A_746 = arith.cmpi eq, %iota3A_744, %broadcast_in_dim3A_745 : vector<16xi32>
      %jit3A_747 = arith.constant 0 : i32
      %broadcast_in_dim3A_748 = vector.broadcast %jit3A_747 : i32 to vector<16xi32>
      %select_n3A_749 = arith.select %eq3A_746, %get3A_727, %broadcast_in_dim3A_748 : vector<16xi1>, vector<16xi32>
      %reduce_sum3A_750 = arith.constant true
      %reduce_sum3A_751 = vector.broadcast %reduce_sum3A_750 : i1 to vector<16xi1>
      %reduce_sum3A_752 = tpu.scan <sum>, %select_n3A_749 masked %reduce_sum3A_751 : vector<16xi32>, vector<16xi1> -> vector<16xi32>
      %reduce_sum3A_753 = vector.extract %reduce_sum3A_752[15] : i32 from vector<16xi32>
      %jit3A_754 = arith.constant 128 : i32
      %eq3A_755 = arith.constant 0 : i32
      %eq3A_756 = arith.cmpi eq, %jit3A_754, %eq3A_755 : i32
      %jit3A_757 = arith.constant 1 : i32
      %select_n3A_758 = arith.select %eq3A_756, %jit3A_757, %jit3A_754 : i32
      %rem3A_759 = arith.remsi %reduce_sum3A_753, %select_n3A_758 : i32
      %ne3A_760 = arith.constant 0 : i32
      %ne3A_761 = arith.cmpi ne, %rem3A_759, %ne3A_760 : i32
      %lt3A_762 = arith.constant 0 : i32
      %lt3A_763 = arith.cmpi slt, %rem3A_759, %lt3A_762 : i32
      %lt3A_764 = arith.constant 0 : i32
      %lt3A_765 = arith.cmpi slt, %select_n3A_758, %lt3A_764 : i32
      %ne3A_766 = arith.xori %lt3A_763, %lt3A_765 : i1
      %and3A_767 = arith.andi %ne3A_766, %ne3A_761 : i1
      %add3A_768 = arith.addi %rem3A_759, %select_n3A_758 : i32
      %select_n3A_769 = arith.select %and3A_767, %add3A_768, %rem3A_759 : i32
      %iota3A_770 = tpu.iota {dimensions = array<i32: 0>} : vector<16xi32>
      %broadcast_in_dim3A_771 = vector.broadcast %select_n3A_769 : i32 to vector<16xi32>
      %broadcast_in_dim3A_772 = vector.broadcast %add3A_681 : i32 to vector<16xi32>
      %add3A_773 = arith.constant 0 : i32
      %add3A_774 = vector.broadcast %add3A_773 : i32 to vector<16xi32>
      %add3A_775 = arith.addi %iota3A_770, %add3A_774 : vector<16xi32>
      %gather3A_776 = arith.constant 2 : i32
      %gather3A_777 = arith.constant 0 : i32
      %gather3A_778 = arith.constant 0 : i32
      %gather3A_779 = tpu.memref_slice %arg6[%gather3A_776, %gather3A_777, %gather3A_778] : memref<8x32x128xf32, #tpu.memory_space<vmem>> -> memref<1x32x128xf32, #tpu.memory_space<vmem>>
      %gather3A_780 = tpu.memref_squeeze %gather3A_779 : memref<1x32x128xf32, #tpu.memory_space<vmem>> -> memref<32x128xf32, #tpu.memory_space<vmem>>
      %gather3A_781 = tpu.vector_load_idx %gather3A_780[%add3A_775, %broadcast_in_dim3A_771] : memref<32x128xf32, #tpu.memory_space<vmem>>[vector<16xi32>, vector<16xi32>], vector<16xf32>,
      tpu.vector_store_idx %arg7[%add3A_775, %broadcast_in_dim3A_772], %gather3A_781 : memref<32x512xf32, #tpu.memory_space<vmem>>[vector<16xi32>, vector<16xi32>], vector<16xf32>,
      %add3A_782 = arith.constant 16 : i32
      %add3A_783 = vector.broadcast %add3A_782 : i32 to vector<16xi32>
      %add3A_784 = arith.addi %iota3A_770, %add3A_783 : vector<16xi32>
      %gather3A_785 = arith.constant 2 : i32
      %gather3A_786 = arith.constant 0 : i32
      %gather3A_787 = arith.constant 0 : i32
      %gather3A_788 = tpu.memref_slice %arg6[%gather3A_785, %gather3A_786, %gather3A_787] : memref<8x32x128xf32, #tpu.memory_space<vmem>> -> memref<1x32x128xf32, #tpu.memory_space<vmem>>
      %gather3A_789 = tpu.memref_squeeze %gather3A_788 : memref<1x32x128xf32, #tpu.memory_space<vmem>> -> memref<32x128xf32, #tpu.memory_space<vmem>>
      %gather3A_790 = tpu.vector_load_idx %gather3A_789[%add3A_784, %broadcast_in_dim3A_771] : memref<32x128xf32, #tpu.memory_space<vmem>>[vector<16xi32>, vector<16xi32>], vector<16xf32>,
      tpu.vector_store_idx %arg7[%add3A_784, %broadcast_in_dim3A_772], %gather3A_790 : memref<32x512xf32, #tpu.memory_space<vmem>>[vector<16xi32>, vector<16xi32>], vector<16xf32>,
      %add3A_791 = arith.constant 2 : i32
      %add3A_792 = arith.addi %add3A_444, %add3A_791 : i32
      %add3A_793 = arith.constant 8 : i32
      %add3A_794 = arith.addi %add3A_792, %add3A_793 : i32
      %lt3A_795 = arith.constant 512 : i32
      %lt3A_796 = arith.cmpi slt, %add3A_794, %lt3A_795 : i32
      %convert_element_type3A_797 = arith.extui %lt3A_796 : i1 to i32
      %cond3A_798 = arith.constant 0 : i32
      %cond3A_799 = arith.cmpi ne, %convert_element_type3A_797, %cond3A_798 : i32
      scf.if %cond3A_799 {
        %add3A_1400 = arith.constant 2 : i32
        %add3A_1401 = arith.addi %add3A_444, %add3A_1400 : i32
        %add3A_1402 = arith.constant 8 : i32
        %add3A_1403 = arith.addi %add3A_1401, %add3A_1402 : i32
        %jit3A_1404 = arith.constant 16 : i32
        %div3A_1405 = arith.divsi %add3A_1403, %jit3A_1404 : i32
        %sign3A_1406 = arith.constant 0 : i32
        %sign3A_1407 = arith.cmpi sgt, %add3A_1403, %sign3A_1406 : i32
        %sign3A_1408 = arith.extui %sign3A_1407 : i1 to i32
        %sign3A_1409 = arith.constant 0 : i32
        %sign3A_1410 = arith.cmpi slt, %add3A_1403, %sign3A_1409 : i32
        %sign3A_1411 = arith.extui %sign3A_1410 : i1 to i32
        %sign3A_1412 = arith.subi %sign3A_1408, %sign3A_1411 : i32
        %sign3A_1413 = arith.constant 0 : i32
        %sign3A_1414 = arith.cmpi sgt, %jit3A_1404, %sign3A_1413 : i32
        %sign3A_1415 = arith.extui %sign3A_1414 : i1 to i32
        %sign3A_1416 = arith.constant 0 : i32
        %sign3A_1417 = arith.cmpi slt, %jit3A_1404, %sign3A_1416 : i32
        %sign3A_1418 = arith.extui %sign3A_1417 : i1 to i32
        %sign3A_1419 = arith.subi %sign3A_1415, %sign3A_1418 : i32
        %ne3A_1420 = arith.cmpi ne, %sign3A_1412, %sign3A_1419 : i32
        %rem3A_1421 = arith.remsi %add3A_1403, %jit3A_1404 : i32
        %ne3A_1422 = arith.constant 0 : i32
        %ne3A_1423 = arith.cmpi ne, %rem3A_1421, %ne3A_1422 : i32
        %and3A_1424 = arith.andi %ne3A_1420, %ne3A_1423 : i1
        %sub3A_1425 = arith.constant 1 : i32
        %sub3A_1426 = arith.subi %div3A_1405, %sub3A_1425 : i32
        %select_n3A_1427 = arith.select %and3A_1424, %sub3A_1426, %div3A_1405 : i32
        %mul3A_1428 = arith.constant 16 : i32
        %mul3A_1429 = arith.muli %select_n3A_1427, %mul3A_1428 : i32
        %get3A_1430 = arith.index_cast %mul3A_1429 : i32 to index
        %get3A_1431 = tpu.vector_load %arg5[%get3A_1430] {strides = array<i32>} : memref<512xi32, #tpu.memory_space<vmem>>, vector<16xi32>,
        %jit3A_1432 = arith.constant 16 : i32
        %eq3A_1433 = arith.constant 0 : i32
        %eq3A_1434 = arith.cmpi eq, %jit3A_1432, %eq3A_1433 : i32
        %jit3A_1435 = arith.constant 1 : i32
        %select_n3A_1436 = arith.select %eq3A_1434, %jit3A_1435, %jit3A_1432 : i32
        %rem3A_1437 = arith.remsi %add3A_1403, %select_n3A_1436 : i32
        %ne3A_1438 = arith.constant 0 : i32
        %ne3A_1439 = arith.cmpi ne, %rem3A_1437, %ne3A_1438 : i32
        %lt3A_1440 = arith.constant 0 : i32
        %lt3A_1441 = arith.cmpi slt, %rem3A_1437, %lt3A_1440 : i32
        %lt3A_1442 = arith.constant 0 : i32
        %lt3A_1443 = arith.cmpi slt, %select_n3A_1436, %lt3A_1442 : i32
        %ne3A_1444 = arith.xori %lt3A_1441, %lt3A_1443 : i1
        %and3A_1445 = arith.andi %ne3A_1444, %ne3A_1439 : i1
        %add3A_1446 = arith.addi %rem3A_1437, %select_n3A_1436 : i32
        %select_n3A_1447 = arith.select %and3A_1445, %add3A_1446, %rem3A_1437 : i32
        %iota3A_1448 = tpu.iota {dimensions = array<i32: 0>} : vector<16xi32>
        %broadcast_in_dim3A_1449 = vector.broadcast %select_n3A_1447 : i32 to vector<16xi32>
        %eq3A_1450 = arith.cmpi eq, %iota3A_1448, %broadcast_in_dim3A_1449 : vector<16xi32>
        %jit3A_1451 = arith.constant 0 : i32
        %broadcast_in_dim3A_1452 = vector.broadcast %jit3A_1451 : i32 to vector<16xi32>
        %select_n3A_1453 = arith.select %eq3A_1450, %get3A_1431, %broadcast_in_dim3A_1452 : vector<16xi1>, vector<16xi32>
        %reduce_sum3A_1454 = arith.constant true
        %reduce_sum3A_1455 = vector.broadcast %reduce_sum3A_1454 : i1 to vector<16xi1>
        %reduce_sum3A_1456 = tpu.scan <sum>, %select_n3A_1453 masked %reduce_sum3A_1455 : vector<16xi32>, vector<16xi1> -> vector<16xi32>
        %reduce_sum3A_1457 = vector.extract %reduce_sum3A_1456[15] : i32 from vector<16xi32>
        %jit3A_1458 = arith.constant 128 : i32
        %div3A_1459 = arith.divsi %reduce_sum3A_1457, %jit3A_1458 : i32
        %sign3A_1460 = arith.constant 0 : i32
        %sign3A_1461 = arith.cmpi sgt, %reduce_sum3A_1457, %sign3A_1460 : i32
        %sign3A_1462 = arith.extui %sign3A_1461 : i1 to i32
        %sign3A_1463 = arith.constant 0 : i32
        %sign3A_1464 = arith.cmpi slt, %reduce_sum3A_1457, %sign3A_1463 : i32
        %sign3A_1465 = arith.extui %sign3A_1464 : i1 to i32
        %sign3A_1466 = arith.subi %sign3A_1462, %sign3A_1465 : i32
        %sign3A_1467 = arith.constant 0 : i32
        %sign3A_1468 = arith.cmpi sgt, %jit3A_1458, %sign3A_1467 : i32
        %sign3A_1469 = arith.extui %sign3A_1468 : i1 to i32
        %sign3A_1470 = arith.constant 0 : i32
        %sign3A_1471 = arith.cmpi slt, %jit3A_1458, %sign3A_1470 : i32
        %sign3A_1472 = arith.extui %sign3A_1471 : i1 to i32
        %sign3A_1473 = arith.subi %sign3A_1469, %sign3A_1472 : i32
        %ne3A_1474 = arith.cmpi ne, %sign3A_1466, %sign3A_1473 : i32
        %rem3A_1475 = arith.remsi %reduce_sum3A_1457, %jit3A_1458 : i32
        %ne3A_1476 = arith.constant 0 : i32
        %ne3A_1477 = arith.cmpi ne, %rem3A_1475, %ne3A_1476 : i32
        %and3A_1478 = arith.andi %ne3A_1474, %ne3A_1477 : i1
        %sub3A_1479 = arith.constant 1 : i32
        %sub3A_1480 = arith.subi %div3A_1459, %sub3A_1479 : i32
        %select_n3A_1481 = arith.select %and3A_1478, %sub3A_1480, %div3A_1459 : i32
        %mul3A_1482 = arith.constant 128 : i32
        %mul3A_1483 = arith.muli %select_n3A_1481, %mul3A_1482 : i32
        %multiple_of3A_1484 = tpu.assume_multiple %mul3A_1483, 128 : i32
        %dma_start3A_1485 = arith.constant 2 : i32
        %dma_start3A_1486 = arith.constant 2 : i32
        %dma_start3A_1487 = arith.constant 0 : i32
        %dma_start3A_1488 = arith.constant 0 : i32
        %dma_start3A_1489 = tpu.memref_slice %arg6[%dma_start3A_1485, %dma_start3A_1487, %dma_start3A_1488] : memref<8x32x128xf32, #tpu.memory_space<vmem>> -> memref<1x32x128xf32, #tpu.memory_space<vmem>>
        %dma_start3A_1490 = tpu.memref_squeeze %dma_start3A_1489 : memref<1x32x128xf32, #tpu.memory_space<vmem>> -> memref<32x128xf32, #tpu.memory_space<vmem>>
        %dma_start3A_1491 = arith.constant 0 : i32
        %dma_start3A_1492 = tpu.memref_slice %arg2[%dma_start3A_1491, %multiple_of3A_1484] : memref<32x1000000xf32, #tpu.memory_space<hbm>> -> memref<32x128xf32, #tpu.memory_space<hbm>>
        %dma_start3A_1493 = tpu.memref_slice %arg8[%dma_start3A_1486] : memref<8x!tpu.dma_semaphore, #tpu.memory_space<semaphore_mem>> -> memref<1x!tpu.dma_semaphore, #tpu.memory_space<semaphore_mem>>
        %dma_start3A_1494 = tpu.memref_squeeze %dma_start3A_1493 : memref<1x!tpu.dma_semaphore, #tpu.memory_space<semaphore_mem>> -> memref<!tpu.dma_semaphore, #tpu.memory_space<semaphore_mem>>
        %dma_start3A_1495 = arith.constant 0 : i32
        %dma_start3A_1496 = arith.constant 0 : i32
        %dma_start3A_1497 = tpu.memref_slice %arg6[%dma_start3A_1485, %dma_start3A_1495, %dma_start3A_1496] : memref<8x32x128xf32, #tpu.memory_space<vmem>> -> memref<1x32x128xf32, #tpu.memory_space<vmem>>
        %dma_start3A_1498 = tpu.memref_squeeze %dma_start3A_1497 : memref<1x32x128xf32, #tpu.memory_space<vmem>> -> memref<32x128xf32, #tpu.memory_space<vmem>>
        %dma_start3A_1499 = arith.constant 0 : i32
        %dma_start3A_1500 = tpu.memref_slice %arg2[%dma_start3A_1499, %multiple_of3A_1484] : memref<32x1000000xf32, #tpu.memory_space<hbm>> -> memref<32x128xf32, #tpu.memory_space<hbm>>
        tpu.enqueue_dma source(%dma_start3A_1500 : memref<32x128xf32, #tpu.memory_space<hbm>>) target(%dma_start3A_1498 : memref<32x128xf32, #tpu.memory_space<vmem>>) target_semaphore(%dma_start3A_1494 : memref<!tpu.dma_semaphore, #tpu.memory_space<semaphore_mem>>)
      } else {
      }
      %add3A_800 = arith.constant 3 : i32
      %add3A_801 = arith.addi %add3A_444, %add3A_800 : i32
      %dma_wait3A_802 = arith.constant 3 : i32
      %dma_wait3A_803 = arith.constant 3 : i32
      %dma_wait3A_804 = arith.constant 0 : i32
      %dma_wait3A_805 = arith.constant 0 : i32
      %dma_wait3A_806 = tpu.memref_slice %arg6[%dma_wait3A_802, %dma_wait3A_804, %dma_wait3A_805] : memref<8x32x128xf32, #tpu.memory_space<vmem>> -> memref<1x32x128xf32, #tpu.memory_space<vmem>>
      %dma_wait3A_807 = tpu.memref_squeeze %dma_wait3A_806 : memref<1x32x128xf32, #tpu.memory_space<vmem>> -> memref<32x128xf32, #tpu.memory_space<vmem>>
      %dma_wait3A_808 = arith.constant 0 : i32
      %dma_wait3A_809 = arith.constant 0 : i32
      %dma_wait3A_810 = tpu.memref_slice %arg2[%dma_wait3A_808, %dma_wait3A_809] : memref<32x1000000xf32, #tpu.memory_space<hbm>> -> memref<32x128xf32, #tpu.memory_space<hbm>>
      %dma_wait3A_811 = tpu.memref_slice %arg8[%dma_wait3A_803] : memref<8x!tpu.dma_semaphore, #tpu.memory_space<semaphore_mem>> -> memref<1x!tpu.dma_semaphore, #tpu.memory_space<semaphore_mem>>
      %dma_wait3A_812 = tpu.memref_squeeze %dma_wait3A_811 : memref<1x!tpu.dma_semaphore, #tpu.memory_space<semaphore_mem>> -> memref<!tpu.dma_semaphore, #tpu.memory_space<semaphore_mem>>
      %dma_wait3A_813 = arith.constant 0 : i32
      %dma_wait3A_814 = arith.constant 0 : i32
      %dma_wait3A_815 = tpu.memref_slice %arg6[%dma_wait3A_802, %dma_wait3A_813, %dma_wait3A_814] : memref<8x32x128xf32, #tpu.memory_space<vmem>> -> memref<1x32x128xf32, #tpu.memory_space<vmem>>
      %dma_wait3A_816 = tpu.memref_squeeze %dma_wait3A_815 : memref<1x32x128xf32, #tpu.memory_space<vmem>> -> memref<32x128xf32, #tpu.memory_space<vmem>>
      %dma_wait3A_817 = arith.constant 0 : i32
      %dma_wait3A_818 = arith.constant 0 : i32
      %dma_wait3A_819 = tpu.memref_slice %arg2[%dma_wait3A_817, %dma_wait3A_818] : memref<32x1000000xf32, #tpu.memory_space<hbm>> -> memref<32x128xf32, #tpu.memory_space<hbm>>
      tpu.wait_dma2 semaphore(%dma_wait3A_812 : memref<!tpu.dma_semaphore, #tpu.memory_space<semaphore_mem>>) src(%dma_wait3A_819 : memref<32x128xf32, #tpu.memory_space<hbm>>) dst(%dma_wait3A_816 : memref<32x128xf32, #tpu.memory_space<vmem>>)
      %jit3A_820 = arith.constant 16 : i32
      %div3A_821 = arith.divsi %add3A_801, %jit3A_820 : i32
      %sign3A_822 = arith.constant 0 : i32
      %sign3A_823 = arith.cmpi sgt, %add3A_801, %sign3A_822 : i32
      %sign3A_824 = arith.extui %sign3A_823 : i1 to i32
      %sign3A_825 = arith.constant 0 : i32
      %sign3A_826 = arith.cmpi slt, %add3A_801, %sign3A_825 : i32
      %sign3A_827 = arith.extui %sign3A_826 : i1 to i32
      %sign3A_828 = arith.subi %sign3A_824, %sign3A_827 : i32
      %sign3A_829 = arith.constant 0 : i32
      %sign3A_830 = arith.cmpi sgt, %jit3A_820, %sign3A_829 : i32
      %sign3A_831 = arith.extui %sign3A_830 : i1 to i32
      %sign3A_832 = arith.constant 0 : i32
      %sign3A_833 = arith.cmpi slt, %jit3A_820, %sign3A_832 : i32
      %sign3A_834 = arith.extui %sign3A_833 : i1 to i32
      %sign3A_835 = arith.subi %sign3A_831, %sign3A_834 : i32
      %ne3A_836 = arith.cmpi ne, %sign3A_828, %sign3A_835 : i32
      %rem3A_837 = arith.remsi %add3A_801, %jit3A_820 : i32
      %ne3A_838 = arith.constant 0 : i32
      %ne3A_839 = arith.cmpi ne, %rem3A_837, %ne3A_838 : i32
      %and3A_840 = arith.andi %ne3A_836, %ne3A_839 : i1
      %sub3A_841 = arith.constant 1 : i32
      %sub3A_842 = arith.subi %div3A_821, %sub3A_841 : i32
      %select_n3A_843 = arith.select %and3A_840, %sub3A_842, %div3A_821 : i32
      %mul3A_844 = arith.constant 16 : i32
      %mul3A_845 = arith.muli %select_n3A_843, %mul3A_844 : i32
      %get3A_846 = arith.index_cast %mul3A_845 : i32 to index
      %get3A_847 = tpu.vector_load %arg5[%get3A_846] {strides = array<i32>} : memref<512xi32, #tpu.memory_space<vmem>>, vector<16xi32>,
      %jit3A_848 = arith.constant 16 : i32
      %eq3A_849 = arith.constant 0 : i32
      %eq3A_850 = arith.cmpi eq, %jit3A_848, %eq3A_849 : i32
      %jit3A_851 = arith.constant 1 : i32
      %select_n3A_852 = arith.select %eq3A_850, %jit3A_851, %jit3A_848 : i32
      %rem3A_853 = arith.remsi %add3A_801, %select_n3A_852 : i32
      %ne3A_854 = arith.constant 0 : i32
      %ne3A_855 = arith.cmpi ne, %rem3A_853, %ne3A_854 : i32
      %lt3A_856 = arith.constant 0 : i32
      %lt3A_857 = arith.cmpi slt, %rem3A_853, %lt3A_856 : i32
      %lt3A_858 = arith.constant 0 : i32
      %lt3A_859 = arith.cmpi slt, %select_n3A_852, %lt3A_858 : i32
      %ne3A_860 = arith.xori %lt3A_857, %lt3A_859 : i1
      %and3A_861 = arith.andi %ne3A_860, %ne3A_855 : i1
      %add3A_862 = arith.addi %rem3A_853, %select_n3A_852 : i32
      %select_n3A_863 = arith.select %and3A_861, %add3A_862, %rem3A_853 : i32
      %iota3A_864 = tpu.iota {dimensions = array<i32: 0>} : vector<16xi32>
      %broadcast_in_dim3A_865 = vector.broadcast %select_n3A_863 : i32 to vector<16xi32>
      %eq3A_866 = arith.cmpi eq, %iota3A_864, %broadcast_in_dim3A_865 : vector<16xi32>
      %jit3A_867 = arith.constant 0 : i32
      %broadcast_in_dim3A_868 = vector.broadcast %jit3A_867 : i32 to vector<16xi32>
      %select_n3A_869 = arith.select %eq3A_866, %get3A_847, %broadcast_in_dim3A_868 : vector<16xi1>, vector<16xi32>
      %reduce_sum3A_870 = arith.constant true
      %reduce_sum3A_871 = vector.broadcast %reduce_sum3A_870 : i1 to vector<16xi1>
      %reduce_sum3A_872 = tpu.scan <sum>, %select_n3A_869 masked %reduce_sum3A_871 : vector<16xi32>, vector<16xi1> -> vector<16xi32>
      %reduce_sum3A_873 = vector.extract %reduce_sum3A_872[15] : i32 from vector<16xi32>
      %jit3A_874 = arith.constant 128 : i32
      %eq3A_875 = arith.constant 0 : i32
      %eq3A_876 = arith.cmpi eq, %jit3A_874, %eq3A_875 : i32
      %jit3A_877 = arith.constant 1 : i32
      %select_n3A_878 = arith.select %eq3A_876, %jit3A_877, %jit3A_874 : i32
      %rem3A_879 = arith.remsi %reduce_sum3A_873, %select_n3A_878 : i32
      %ne3A_880 = arith.constant 0 : i32
      %ne3A_881 = arith.cmpi ne, %rem3A_879, %ne3A_880 : i32
      %lt3A_882 = arith.constant 0 : i32
      %lt3A_883 = arith.cmpi slt, %rem3A_879, %lt3A_882 : i32
      %lt3A_884 = arith.constant 0 : i32
      %lt3A_885 = arith.cmpi slt, %select_n3A_878, %lt3A_884 : i32
      %ne3A_886 = arith.xori %lt3A_883, %lt3A_885 : i1
      %and3A_887 = arith.andi %ne3A_886, %ne3A_881 : i1
      %add3A_888 = arith.addi %rem3A_879, %select_n3A_878 : i32
      %select_n3A_889 = arith.select %and3A_887, %add3A_888, %rem3A_879 : i32
      %iota3A_890 = tpu.iota {dimensions = array<i32: 0>} : vector<16xi32>
      %broadcast_in_dim3A_891 = vector.broadcast %select_n3A_889 : i32 to vector<16xi32>
      %broadcast_in_dim3A_892 = vector.broadcast %add3A_801 : i32 to vector<16xi32>
      %add3A_893 = arith.constant 0 : i32
      %add3A_894 = vector.broadcast %add3A_893 : i32 to vector<16xi32>
      %add3A_895 = arith.addi %iota3A_890, %add3A_894 : vector<16xi32>
      %gather3A_896 = arith.constant 3 : i32
      %gather3A_897 = arith.constant 0 : i32
      %gather3A_898 = arith.constant 0 : i32
      %gather3A_899 = tpu.memref_slice %arg6[%gather3A_896, %gather3A_897, %gather3A_898] : memref<8x32x128xf32, #tpu.memory_space<vmem>> -> memref<1x32x128xf32, #tpu.memory_space<vmem>>
      %gather3A_900 = tpu.memref_squeeze %gather3A_899 : memref<1x32x128xf32, #tpu.memory_space<vmem>> -> memref<32x128xf32, #tpu.memory_space<vmem>>
      %gather3A_901 = tpu.vector_load_idx %gather3A_900[%add3A_895, %broadcast_in_dim3A_891] : memref<32x128xf32, #tpu.memory_space<vmem>>[vector<16xi32>, vector<16xi32>], vector<16xf32>,
      tpu.vector_store_idx %arg7[%add3A_895, %broadcast_in_dim3A_892], %gather3A_901 : memref<32x512xf32, #tpu.memory_space<vmem>>[vector<16xi32>, vector<16xi32>], vector<16xf32>,
      %add3A_902 = arith.constant 16 : i32
      %add3A_903 = vector.broadcast %add3A_902 : i32 to vector<16xi32>
      %add3A_904 = arith.addi %iota3A_890, %add3A_903 : vector<16xi32>
      %gather3A_905 = arith.constant 3 : i32
      %gather3A_906 = arith.constant 0 : i32
      %gather3A_907 = arith.constant 0 : i32
      %gather3A_908 = tpu.memref_slice %arg6[%gather3A_905, %gather3A_906, %gather3A_907] : memref<8x32x128xf32, #tpu.memory_space<vmem>> -> memref<1x32x128xf32, #tpu.memory_space<vmem>>
      %gather3A_909 = tpu.memref_squeeze %gather3A_908 : memref<1x32x128xf32, #tpu.memory_space<vmem>> -> memref<32x128xf32, #tpu.memory_space<vmem>>
      %gather3A_910 = tpu.vector_load_idx %gather3A_909[%add3A_904, %broadcast_in_dim3A_891] : memref<32x128xf32, #tpu.memory_space<vmem>>[vector<16xi32>, vector<16xi32>], vector<16xf32>,
      tpu.vector_store_idx %arg7[%add3A_904, %broadcast_in_dim3A_892], %gather3A_910 : memref<32x512xf32, #tpu.memory_space<vmem>>[vector<16xi32>, vector<16xi32>], vector<16xf32>,
      %add3A_911 = arith.constant 3 : i32
      %add3A_912 = arith.addi %add3A_444, %add3A_911 : i32
      %add3A_913 = arith.constant 8 : i32
      %add3A_914 = arith.addi %add3A_912, %add3A_913 : i32
      %lt3A_915 = arith.constant 512 : i32
      %lt3A_916 = arith.cmpi slt, %add3A_914, %lt3A_915 : i32
      %convert_element_type3A_917 = arith.extui %lt3A_916 : i1 to i32
      %cond3A_918 = arith.constant 0 : i32
      %cond3A_919 = arith.cmpi ne, %convert_element_type3A_917, %cond3A_918 : i32
      scf.if %cond3A_919 {
        %add3A_1400 = arith.constant 3 : i32
        %add3A_1401 = arith.addi %add3A_444, %add3A_1400 : i32
        %add3A_1402 = arith.constant 8 : i32
        %add3A_1403 = arith.addi %add3A_1401, %add3A_1402 : i32
        %jit3A_1404 = arith.constant 16 : i32
        %div3A_1405 = arith.divsi %add3A_1403, %jit3A_1404 : i32
        %sign3A_1406 = arith.constant 0 : i32
        %sign3A_1407 = arith.cmpi sgt, %add3A_1403, %sign3A_1406 : i32
        %sign3A_1408 = arith.extui %sign3A_1407 : i1 to i32
        %sign3A_1409 = arith.constant 0 : i32
        %sign3A_1410 = arith.cmpi slt, %add3A_1403, %sign3A_1409 : i32
        %sign3A_1411 = arith.extui %sign3A_1410 : i1 to i32
        %sign3A_1412 = arith.subi %sign3A_1408, %sign3A_1411 : i32
        %sign3A_1413 = arith.constant 0 : i32
        %sign3A_1414 = arith.cmpi sgt, %jit3A_1404, %sign3A_1413 : i32
        %sign3A_1415 = arith.extui %sign3A_1414 : i1 to i32
        %sign3A_1416 = arith.constant 0 : i32
        %sign3A_1417 = arith.cmpi slt, %jit3A_1404, %sign3A_1416 : i32
        %sign3A_1418 = arith.extui %sign3A_1417 : i1 to i32
        %sign3A_1419 = arith.subi %sign3A_1415, %sign3A_1418 : i32
        %ne3A_1420 = arith.cmpi ne, %sign3A_1412, %sign3A_1419 : i32
        %rem3A_1421 = arith.remsi %add3A_1403, %jit3A_1404 : i32
        %ne3A_1422 = arith.constant 0 : i32
        %ne3A_1423 = arith.cmpi ne, %rem3A_1421, %ne3A_1422 : i32
        %and3A_1424 = arith.andi %ne3A_1420, %ne3A_1423 : i1
        %sub3A_1425 = arith.constant 1 : i32
        %sub3A_1426 = arith.subi %div3A_1405, %sub3A_1425 : i32
        %select_n3A_1427 = arith.select %and3A_1424, %sub3A_1426, %div3A_1405 : i32
        %mul3A_1428 = arith.constant 16 : i32
        %mul3A_1429 = arith.muli %select_n3A_1427, %mul3A_1428 : i32
        %get3A_1430 = arith.index_cast %mul3A_1429 : i32 to index
        %get3A_1431 = tpu.vector_load %arg5[%get3A_1430] {strides = array<i32>} : memref<512xi32, #tpu.memory_space<vmem>>, vector<16xi32>,
        %jit3A_1432 = arith.constant 16 : i32
        %eq3A_1433 = arith.constant 0 : i32
        %eq3A_1434 = arith.cmpi eq, %jit3A_1432, %eq3A_1433 : i32
        %jit3A_1435 = arith.constant 1 : i32
        %select_n3A_1436 = arith.select %eq3A_1434, %jit3A_1435, %jit3A_1432 : i32
        %rem3A_1437 = arith.remsi %add3A_1403, %select_n3A_1436 : i32
        %ne3A_1438 = arith.constant 0 : i32
        %ne3A_1439 = arith.cmpi ne, %rem3A_1437, %ne3A_1438 : i32
        %lt3A_1440 = arith.constant 0 : i32
        %lt3A_1441 = arith.cmpi slt, %rem3A_1437, %lt3A_1440 : i32
        %lt3A_1442 = arith.constant 0 : i32
        %lt3A_1443 = arith.cmpi slt, %select_n3A_1436, %lt3A_1442 : i32
        %ne3A_1444 = arith.xori %lt3A_1441, %lt3A_1443 : i1
        %and3A_1445 = arith.andi %ne3A_1444, %ne3A_1439 : i1
        %add3A_1446 = arith.addi %rem3A_1437, %select_n3A_1436 : i32
        %select_n3A_1447 = arith.select %and3A_1445, %add3A_1446, %rem3A_1437 : i32
        %iota3A_1448 = tpu.iota {dimensions = array<i32: 0>} : vector<16xi32>
        %broadcast_in_dim3A_1449 = vector.broadcast %select_n3A_1447 : i32 to vector<16xi32>
        %eq3A_1450 = arith.cmpi eq, %iota3A_1448, %broadcast_in_dim3A_1449 : vector<16xi32>
        %jit3A_1451 = arith.constant 0 : i32
        %broadcast_in_dim3A_1452 = vector.broadcast %jit3A_1451 : i32 to vector<16xi32>
        %select_n3A_1453 = arith.select %eq3A_1450, %get3A_1431, %broadcast_in_dim3A_1452 : vector<16xi1>, vector<16xi32>
        %reduce_sum3A_1454 = arith.constant true
        %reduce_sum3A_1455 = vector.broadcast %reduce_sum3A_1454 : i1 to vector<16xi1>
        %reduce_sum3A_1456 = tpu.scan <sum>, %select_n3A_1453 masked %reduce_sum3A_1455 : vector<16xi32>, vector<16xi1> -> vector<16xi32>
        %reduce_sum3A_1457 = vector.extract %reduce_sum3A_1456[15] : i32 from vector<16xi32>
        %jit3A_1458 = arith.constant 128 : i32
        %div3A_1459 = arith.divsi %reduce_sum3A_1457, %jit3A_1458 : i32
        %sign3A_1460 = arith.constant 0 : i32
        %sign3A_1461 = arith.cmpi sgt, %reduce_sum3A_1457, %sign3A_1460 : i32
        %sign3A_1462 = arith.extui %sign3A_1461 : i1 to i32
        %sign3A_1463 = arith.constant 0 : i32
        %sign3A_1464 = arith.cmpi slt, %reduce_sum3A_1457, %sign3A_1463 : i32
        %sign3A_1465 = arith.extui %sign3A_1464 : i1 to i32
        %sign3A_1466 = arith.subi %sign3A_1462, %sign3A_1465 : i32
        %sign3A_1467 = arith.constant 0 : i32
        %sign3A_1468 = arith.cmpi sgt, %jit3A_1458, %sign3A_1467 : i32
        %sign3A_1469 = arith.extui %sign3A_1468 : i1 to i32
        %sign3A_1470 = arith.constant 0 : i32
        %sign3A_1471 = arith.cmpi slt, %jit3A_1458, %sign3A_1470 : i32
        %sign3A_1472 = arith.extui %sign3A_1471 : i1 to i32
        %sign3A_1473 = arith.subi %sign3A_1469, %sign3A_1472 : i32
        %ne3A_1474 = arith.cmpi ne, %sign3A_1466, %sign3A_1473 : i32
        %rem3A_1475 = arith.remsi %reduce_sum3A_1457, %jit3A_1458 : i32
        %ne3A_1476 = arith.constant 0 : i32
        %ne3A_1477 = arith.cmpi ne, %rem3A_1475, %ne3A_1476 : i32
        %and3A_1478 = arith.andi %ne3A_1474, %ne3A_1477 : i1
        %sub3A_1479 = arith.constant 1 : i32
        %sub3A_1480 = arith.subi %div3A_1459, %sub3A_1479 : i32
        %select_n3A_1481 = arith.select %and3A_1478, %sub3A_1480, %div3A_1459 : i32
        %mul3A_1482 = arith.constant 128 : i32
        %mul3A_1483 = arith.muli %select_n3A_1481, %mul3A_1482 : i32
        %multiple_of3A_1484 = tpu.assume_multiple %mul3A_1483, 128 : i32
        %dma_start3A_1485 = arith.constant 3 : i32
        %dma_start3A_1486 = arith.constant 3 : i32
        %dma_start3A_1487 = arith.constant 0 : i32
        %dma_start3A_1488 = arith.constant 0 : i32
        %dma_start3A_1489 = tpu.memref_slice %arg6[%dma_start3A_1485, %dma_start3A_1487, %dma_start3A_1488] : memref<8x32x128xf32, #tpu.memory_space<vmem>> -> memref<1x32x128xf32, #tpu.memory_space<vmem>>
        %dma_start3A_1490 = tpu.memref_squeeze %dma_start3A_1489 : memref<1x32x128xf32, #tpu.memory_space<vmem>> -> memref<32x128xf32, #tpu.memory_space<vmem>>
        %dma_start3A_1491 = arith.constant 0 : i32
        %dma_start3A_1492 = tpu.memref_slice %arg2[%dma_start3A_1491, %multiple_of3A_1484] : memref<32x1000000xf32, #tpu.memory_space<hbm>> -> memref<32x128xf32, #tpu.memory_space<hbm>>
        %dma_start3A_1493 = tpu.memref_slice %arg8[%dma_start3A_1486] : memref<8x!tpu.dma_semaphore, #tpu.memory_space<semaphore_mem>> -> memref<1x!tpu.dma_semaphore, #tpu.memory_space<semaphore_mem>>
        %dma_start3A_1494 = tpu.memref_squeeze %dma_start3A_1493 : memref<1x!tpu.dma_semaphore, #tpu.memory_space<semaphore_mem>> -> memref<!tpu.dma_semaphore, #tpu.memory_space<semaphore_mem>>
        %dma_start3A_1495 = arith.constant 0 : i32
        %dma_start3A_1496 = arith.constant 0 : i32
        %dma_start3A_1497 = tpu.memref_slice %arg6[%dma_start3A_1485, %dma_start3A_1495, %dma_start3A_1496] : memref<8x32x128xf32, #tpu.memory_space<vmem>> -> memref<1x32x128xf32, #tpu.memory_space<vmem>>
        %dma_start3A_1498 = tpu.memref_squeeze %dma_start3A_1497 : memref<1x32x128xf32, #tpu.memory_space<vmem>> -> memref<32x128xf32, #tpu.memory_space<vmem>>
        %dma_start3A_1499 = arith.constant 0 : i32
        %dma_start3A_1500 = tpu.memref_slice %arg2[%dma_start3A_1499, %multiple_of3A_1484] : memref<32x1000000xf32, #tpu.memory_space<hbm>> -> memref<32x128xf32, #tpu.memory_space<hbm>>
        tpu.enqueue_dma source(%dma_start3A_1500 : memref<32x128xf32, #tpu.memory_space<hbm>>) target(%dma_start3A_1498 : memref<32x128xf32, #tpu.memory_space<vmem>>) target_semaphore(%dma_start3A_1494 : memref<!tpu.dma_semaphore, #tpu.memory_space<semaphore_mem>>)
      } else {
      }
      %add3A_920 = arith.constant 4 : i32
      %add3A_921 = arith.addi %add3A_444, %add3A_920 : i32
      %dma_wait3A_922 = arith.constant 4 : i32
      %dma_wait3A_923 = arith.constant 4 : i32
      %dma_wait3A_924 = arith.constant 0 : i32
      %dma_wait3A_925 = arith.constant 0 : i32
      %dma_wait3A_926 = tpu.memref_slice %arg6[%dma_wait3A_922, %dma_wait3A_924, %dma_wait3A_925] : memref<8x32x128xf32, #tpu.memory_space<vmem>> -> memref<1x32x128xf32, #tpu.memory_space<vmem>>
      %dma_wait3A_927 = tpu.memref_squeeze %dma_wait3A_926 : memref<1x32x128xf32, #tpu.memory_space<vmem>> -> memref<32x128xf32, #tpu.memory_space<vmem>>
      %dma_wait3A_928 = arith.constant 0 : i32
      %dma_wait3A_929 = arith.constant 0 : i32
      %dma_wait3A_930 = tpu.memref_slice %arg2[%dma_wait3A_928, %dma_wait3A_929] : memref<32x1000000xf32, #tpu.memory_space<hbm>> -> memref<32x128xf32, #tpu.memory_space<hbm>>
      %dma_wait3A_931 = tpu.memref_slice %arg8[%dma_wait3A_923] : memref<8x!tpu.dma_semaphore, #tpu.memory_space<semaphore_mem>> -> memref<1x!tpu.dma_semaphore, #tpu.memory_space<semaphore_mem>>
      %dma_wait3A_932 = tpu.memref_squeeze %dma_wait3A_931 : memref<1x!tpu.dma_semaphore, #tpu.memory_space<semaphore_mem>> -> memref<!tpu.dma_semaphore, #tpu.memory_space<semaphore_mem>>
      %dma_wait3A_933 = arith.constant 0 : i32
      %dma_wait3A_934 = arith.constant 0 : i32
      %dma_wait3A_935 = tpu.memref_slice %arg6[%dma_wait3A_922, %dma_wait3A_933, %dma_wait3A_934] : memref<8x32x128xf32, #tpu.memory_space<vmem>> -> memref<1x32x128xf32, #tpu.memory_space<vmem>>
      %dma_wait3A_936 = tpu.memref_squeeze %dma_wait3A_935 : memref<1x32x128xf32, #tpu.memory_space<vmem>> -> memref<32x128xf32, #tpu.memory_space<vmem>>
      %dma_wait3A_937 = arith.constant 0 : i32
      %dma_wait3A_938 = arith.constant 0 : i32
      %dma_wait3A_939 = tpu.memref_slice %arg2[%dma_wait3A_937, %dma_wait3A_938] : memref<32x1000000xf32, #tpu.memory_space<hbm>> -> memref<32x128xf32, #tpu.memory_space<hbm>>
      tpu.wait_dma2 semaphore(%dma_wait3A_932 : memref<!tpu.dma_semaphore, #tpu.memory_space<semaphore_mem>>) src(%dma_wait3A_939 : memref<32x128xf32, #tpu.memory_space<hbm>>) dst(%dma_wait3A_936 : memref<32x128xf32, #tpu.memory_space<vmem>>)
      %jit3A_940 = arith.constant 16 : i32
      %div3A_941 = arith.divsi %add3A_921, %jit3A_940 : i32
      %sign3A_942 = arith.constant 0 : i32
      %sign3A_943 = arith.cmpi sgt, %add3A_921, %sign3A_942 : i32
      %sign3A_944 = arith.extui %sign3A_943 : i1 to i32
      %sign3A_945 = arith.constant 0 : i32
      %sign3A_946 = arith.cmpi slt, %add3A_921, %sign3A_945 : i32
      %sign3A_947 = arith.extui %sign3A_946 : i1 to i32
      %sign3A_948 = arith.subi %sign3A_944, %sign3A_947 : i32
      %sign3A_949 = arith.constant 0 : i32
      %sign3A_950 = arith.cmpi sgt, %jit3A_940, %sign3A_949 : i32
      %sign3A_951 = arith.extui %sign3A_950 : i1 to i32
      %sign3A_952 = arith.constant 0 : i32
      %sign3A_953 = arith.cmpi slt, %jit3A_940, %sign3A_952 : i32
      %sign3A_954 = arith.extui %sign3A_953 : i1 to i32
      %sign3A_955 = arith.subi %sign3A_951, %sign3A_954 : i32
      %ne3A_956 = arith.cmpi ne, %sign3A_948, %sign3A_955 : i32
      %rem3A_957 = arith.remsi %add3A_921, %jit3A_940 : i32
      %ne3A_958 = arith.constant 0 : i32
      %ne3A_959 = arith.cmpi ne, %rem3A_957, %ne3A_958 : i32
      %and3A_960 = arith.andi %ne3A_956, %ne3A_959 : i1
      %sub3A_961 = arith.constant 1 : i32
      %sub3A_962 = arith.subi %div3A_941, %sub3A_961 : i32
      %select_n3A_963 = arith.select %and3A_960, %sub3A_962, %div3A_941 : i32
      %mul3A_964 = arith.constant 16 : i32
      %mul3A_965 = arith.muli %select_n3A_963, %mul3A_964 : i32
      %get3A_966 = arith.index_cast %mul3A_965 : i32 to index
      %get3A_967 = tpu.vector_load %arg5[%get3A_966] {strides = array<i32>} : memref<512xi32, #tpu.memory_space<vmem>>, vector<16xi32>,
      %jit3A_968 = arith.constant 16 : i32
      %eq3A_969 = arith.constant 0 : i32
      %eq3A_970 = arith.cmpi eq, %jit3A_968, %eq3A_969 : i32
      %jit3A_971 = arith.constant 1 : i32
      %select_n3A_972 = arith.select %eq3A_970, %jit3A_971, %jit3A_968 : i32
      %rem3A_973 = arith.remsi %add3A_921, %select_n3A_972 : i32
      %ne3A_974 = arith.constant 0 : i32
      %ne3A_975 = arith.cmpi ne, %rem3A_973, %ne3A_974 : i32
      %lt3A_976 = arith.constant 0 : i32
      %lt3A_977 = arith.cmpi slt, %rem3A_973, %lt3A_976 : i32
      %lt3A_978 = arith.constant 0 : i32
      %lt3A_979 = arith.cmpi slt, %select_n3A_972, %lt3A_978 : i32
      %ne3A_980 = arith.xori %lt3A_977, %lt3A_979 : i1
      %and3A_981 = arith.andi %ne3A_980, %ne3A_975 : i1
      %add3A_982 = arith.addi %rem3A_973, %select_n3A_972 : i32
      %select_n3A_983 = arith.select %and3A_981, %add3A_982, %rem3A_973 : i32
      %iota3A_984 = tpu.iota {dimensions = array<i32: 0>} : vector<16xi32>
      %broadcast_in_dim3A_985 = vector.broadcast %select_n3A_983 : i32 to vector<16xi32>
      %eq3A_986 = arith.cmpi eq, %iota3A_984, %broadcast_in_dim3A_985 : vector<16xi32>
      %jit3A_987 = arith.constant 0 : i32
      %broadcast_in_dim3A_988 = vector.broadcast %jit3A_987 : i32 to vector<16xi32>
      %select_n3A_989 = arith.select %eq3A_986, %get3A_967, %broadcast_in_dim3A_988 : vector<16xi1>, vector<16xi32>
      %reduce_sum3A_990 = arith.constant true
      %reduce_sum3A_991 = vector.broadcast %reduce_sum3A_990 : i1 to vector<16xi1>
      %reduce_sum3A_992 = tpu.scan <sum>, %select_n3A_989 masked %reduce_sum3A_991 : vector<16xi32>, vector<16xi1> -> vector<16xi32>
      %reduce_sum3A_993 = vector.extract %reduce_sum3A_992[15] : i32 from vector<16xi32>
      %jit3A_994 = arith.constant 128 : i32
      %eq3A_995 = arith.constant 0 : i32
      %eq3A_996 = arith.cmpi eq, %jit3A_994, %eq3A_995 : i32
      %jit3A_997 = arith.constant 1 : i32
      %select_n3A_998 = arith.select %eq3A_996, %jit3A_997, %jit3A_994 : i32
      %rem3A_999 = arith.remsi %reduce_sum3A_993, %select_n3A_998 : i32
      %ne3A_1000 = arith.constant 0 : i32
      %ne3A_1001 = arith.cmpi ne, %rem3A_999, %ne3A_1000 : i32
      %lt3A_1002 = arith.constant 0 : i32
      %lt3A_1003 = arith.cmpi slt, %rem3A_999, %lt3A_1002 : i32
      %lt3A_1004 = arith.constant 0 : i32
      %lt3A_1005 = arith.cmpi slt, %select_n3A_998, %lt3A_1004 : i32
      %ne3A_1006 = arith.xori %lt3A_1003, %lt3A_1005 : i1
      %and3A_1007 = arith.andi %ne3A_1006, %ne3A_1001 : i1
      %add3A_1008 = arith.addi %rem3A_999, %select_n3A_998 : i32
      %select_n3A_1009 = arith.select %and3A_1007, %add3A_1008, %rem3A_999 : i32
      %iota3A_1010 = tpu.iota {dimensions = array<i32: 0>} : vector<16xi32>
      %broadcast_in_dim3A_1011 = vector.broadcast %select_n3A_1009 : i32 to vector<16xi32>
      %broadcast_in_dim3A_1012 = vector.broadcast %add3A_921 : i32 to vector<16xi32>
      %add3A_1013 = arith.constant 0 : i32
      %add3A_1014 = vector.broadcast %add3A_1013 : i32 to vector<16xi32>
      %add3A_1015 = arith.addi %iota3A_1010, %add3A_1014 : vector<16xi32>
      %gather3A_1016 = arith.constant 4 : i32
      %gather3A_1017 = arith.constant 0 : i32
      %gather3A_1018 = arith.constant 0 : i32
      %gather3A_1019 = tpu.memref_slice %arg6[%gather3A_1016, %gather3A_1017, %gather3A_1018] : memref<8x32x128xf32, #tpu.memory_space<vmem>> -> memref<1x32x128xf32, #tpu.memory_space<vmem>>
      %gather3A_1020 = tpu.memref_squeeze %gather3A_1019 : memref<1x32x128xf32, #tpu.memory_space<vmem>> -> memref<32x128xf32, #tpu.memory_space<vmem>>
      %gather3A_1021 = tpu.vector_load_idx %gather3A_1020[%add3A_1015, %broadcast_in_dim3A_1011] : memref<32x128xf32, #tpu.memory_space<vmem>>[vector<16xi32>, vector<16xi32>], vector<16xf32>,
      tpu.vector_store_idx %arg7[%add3A_1015, %broadcast_in_dim3A_1012], %gather3A_1021 : memref<32x512xf32, #tpu.memory_space<vmem>>[vector<16xi32>, vector<16xi32>], vector<16xf32>,
      %add3A_1022 = arith.constant 16 : i32
      %add3A_1023 = vector.broadcast %add3A_1022 : i32 to vector<16xi32>
      %add3A_1024 = arith.addi %iota3A_1010, %add3A_1023 : vector<16xi32>
      %gather3A_1025 = arith.constant 4 : i32
      %gather3A_1026 = arith.constant 0 : i32
      %gather3A_1027 = arith.constant 0 : i32
      %gather3A_1028 = tpu.memref_slice %arg6[%gather3A_1025, %gather3A_1026, %gather3A_1027] : memref<8x32x128xf32, #tpu.memory_space<vmem>> -> memref<1x32x128xf32, #tpu.memory_space<vmem>>
      %gather3A_1029 = tpu.memref_squeeze %gather3A_1028 : memref<1x32x128xf32, #tpu.memory_space<vmem>> -> memref<32x128xf32, #tpu.memory_space<vmem>>
      %gather3A_1030 = tpu.vector_load_idx %gather3A_1029[%add3A_1024, %broadcast_in_dim3A_1011] : memref<32x128xf32, #tpu.memory_space<vmem>>[vector<16xi32>, vector<16xi32>], vector<16xf32>,
      tpu.vector_store_idx %arg7[%add3A_1024, %broadcast_in_dim3A_1012], %gather3A_1030 : memref<32x512xf32, #tpu.memory_space<vmem>>[vector<16xi32>, vector<16xi32>], vector<16xf32>,
      %add3A_1031 = arith.constant 4 : i32
      %add3A_1032 = arith.addi %add3A_444, %add3A_1031 : i32
      %add3A_1033 = arith.constant 8 : i32
      %add3A_1034 = arith.addi %add3A_1032, %add3A_1033 : i32
      %lt3A_1035 = arith.constant 512 : i32
      %lt3A_1036 = arith.cmpi slt, %add3A_1034, %lt3A_1035 : i32
      %convert_element_type3A_1037 = arith.extui %lt3A_1036 : i1 to i32
      %cond3A_1038 = arith.constant 0 : i32
      %cond3A_1039 = arith.cmpi ne, %convert_element_type3A_1037, %cond3A_1038 : i32
      scf.if %cond3A_1039 {
        %add3A_1400 = arith.constant 4 : i32
        %add3A_1401 = arith.addi %add3A_444, %add3A_1400 : i32
        %add3A_1402 = arith.constant 8 : i32
        %add3A_1403 = arith.addi %add3A_1401, %add3A_1402 : i32
        %jit3A_1404 = arith.constant 16 : i32
        %div3A_1405 = arith.divsi %add3A_1403, %jit3A_1404 : i32
        %sign3A_1406 = arith.constant 0 : i32
        %sign3A_1407 = arith.cmpi sgt, %add3A_1403, %sign3A_1406 : i32
        %sign3A_1408 = arith.extui %sign3A_1407 : i1 to i32
        %sign3A_1409 = arith.constant 0 : i32
        %sign3A_1410 = arith.cmpi slt, %add3A_1403, %sign3A_1409 : i32
        %sign3A_1411 = arith.extui %sign3A_1410 : i1 to i32
        %sign3A_1412 = arith.subi %sign3A_1408, %sign3A_1411 : i32
        %sign3A_1413 = arith.constant 0 : i32
        %sign3A_1414 = arith.cmpi sgt, %jit3A_1404, %sign3A_1413 : i32
        %sign3A_1415 = arith.extui %sign3A_1414 : i1 to i32
        %sign3A_1416 = arith.constant 0 : i32
        %sign3A_1417 = arith.cmpi slt, %jit3A_1404, %sign3A_1416 : i32
        %sign3A_1418 = arith.extui %sign3A_1417 : i1 to i32
        %sign3A_1419 = arith.subi %sign3A_1415, %sign3A_1418 : i32
        %ne3A_1420 = arith.cmpi ne, %sign3A_1412, %sign3A_1419 : i32
        %rem3A_1421 = arith.remsi %add3A_1403, %jit3A_1404 : i32
        %ne3A_1422 = arith.constant 0 : i32
        %ne3A_1423 = arith.cmpi ne, %rem3A_1421, %ne3A_1422 : i32
        %and3A_1424 = arith.andi %ne3A_1420, %ne3A_1423 : i1
        %sub3A_1425 = arith.constant 1 : i32
        %sub3A_1426 = arith.subi %div3A_1405, %sub3A_1425 : i32
        %select_n3A_1427 = arith.select %and3A_1424, %sub3A_1426, %div3A_1405 : i32
        %mul3A_1428 = arith.constant 16 : i32
        %mul3A_1429 = arith.muli %select_n3A_1427, %mul3A_1428 : i32
        %get3A_1430 = arith.index_cast %mul3A_1429 : i32 to index
        %get3A_1431 = tpu.vector_load %arg5[%get3A_1430] {strides = array<i32>} : memref<512xi32, #tpu.memory_space<vmem>>, vector<16xi32>,
        %jit3A_1432 = arith.constant 16 : i32
        %eq3A_1433 = arith.constant 0 : i32
        %eq3A_1434 = arith.cmpi eq, %jit3A_1432, %eq3A_1433 : i32
        %jit3A_1435 = arith.constant 1 : i32
        %select_n3A_1436 = arith.select %eq3A_1434, %jit3A_1435, %jit3A_1432 : i32
        %rem3A_1437 = arith.remsi %add3A_1403, %select_n3A_1436 : i32
        %ne3A_1438 = arith.constant 0 : i32
        %ne3A_1439 = arith.cmpi ne, %rem3A_1437, %ne3A_1438 : i32
        %lt3A_1440 = arith.constant 0 : i32
        %lt3A_1441 = arith.cmpi slt, %rem3A_1437, %lt3A_1440 : i32
        %lt3A_1442 = arith.constant 0 : i32
        %lt3A_1443 = arith.cmpi slt, %select_n3A_1436, %lt3A_1442 : i32
        %ne3A_1444 = arith.xori %lt3A_1441, %lt3A_1443 : i1
        %and3A_1445 = arith.andi %ne3A_1444, %ne3A_1439 : i1
        %add3A_1446 = arith.addi %rem3A_1437, %select_n3A_1436 : i32
        %select_n3A_1447 = arith.select %and3A_1445, %add3A_1446, %rem3A_1437 : i32
        %iota3A_1448 = tpu.iota {dimensions = array<i32: 0>} : vector<16xi32>
        %broadcast_in_dim3A_1449 = vector.broadcast %select_n3A_1447 : i32 to vector<16xi32>
        %eq3A_1450 = arith.cmpi eq, %iota3A_1448, %broadcast_in_dim3A_1449 : vector<16xi32>
        %jit3A_1451 = arith.constant 0 : i32
        %broadcast_in_dim3A_1452 = vector.broadcast %jit3A_1451 : i32 to vector<16xi32>
        %select_n3A_1453 = arith.select %eq3A_1450, %get3A_1431, %broadcast_in_dim3A_1452 : vector<16xi1>, vector<16xi32>
        %reduce_sum3A_1454 = arith.constant true
        %reduce_sum3A_1455 = vector.broadcast %reduce_sum3A_1454 : i1 to vector<16xi1>
        %reduce_sum3A_1456 = tpu.scan <sum>, %select_n3A_1453 masked %reduce_sum3A_1455 : vector<16xi32>, vector<16xi1> -> vector<16xi32>
        %reduce_sum3A_1457 = vector.extract %reduce_sum3A_1456[15] : i32 from vector<16xi32>
        %jit3A_1458 = arith.constant 128 : i32
        %div3A_1459 = arith.divsi %reduce_sum3A_1457, %jit3A_1458 : i32
        %sign3A_1460 = arith.constant 0 : i32
        %sign3A_1461 = arith.cmpi sgt, %reduce_sum3A_1457, %sign3A_1460 : i32
        %sign3A_1462 = arith.extui %sign3A_1461 : i1 to i32
        %sign3A_1463 = arith.constant 0 : i32
        %sign3A_1464 = arith.cmpi slt, %reduce_sum3A_1457, %sign3A_1463 : i32
        %sign3A_1465 = arith.extui %sign3A_1464 : i1 to i32
        %sign3A_1466 = arith.subi %sign3A_1462, %sign3A_1465 : i32
        %sign3A_1467 = arith.constant 0 : i32
        %sign3A_1468 = arith.cmpi sgt, %jit3A_1458, %sign3A_1467 : i32
        %sign3A_1469 = arith.extui %sign3A_1468 : i1 to i32
        %sign3A_1470 = arith.constant 0 : i32
        %sign3A_1471 = arith.cmpi slt, %jit3A_1458, %sign3A_1470 : i32
        %sign3A_1472 = arith.extui %sign3A_1471 : i1 to i32
        %sign3A_1473 = arith.subi %sign3A_1469, %sign3A_1472 : i32
        %ne3A_1474 = arith.cmpi ne, %sign3A_1466, %sign3A_1473 : i32
        %rem3A_1475 = arith.remsi %reduce_sum3A_1457, %jit3A_1458 : i32
        %ne3A_1476 = arith.constant 0 : i32
        %ne3A_1477 = arith.cmpi ne, %rem3A_1475, %ne3A_1476 : i32
        %and3A_1478 = arith.andi %ne3A_1474, %ne3A_1477 : i1
        %sub3A_1479 = arith.constant 1 : i32
        %sub3A_1480 = arith.subi %div3A_1459, %sub3A_1479 : i32
        %select_n3A_1481 = arith.select %and3A_1478, %sub3A_1480, %div3A_1459 : i32
        %mul3A_1482 = arith.constant 128 : i32
        %mul3A_1483 = arith.muli %select_n3A_1481, %mul3A_1482 : i32
        %multiple_of3A_1484 = tpu.assume_multiple %mul3A_1483, 128 : i32
        %dma_start3A_1485 = arith.constant 4 : i32
        %dma_start3A_1486 = arith.constant 4 : i32
        %dma_start3A_1487 = arith.constant 0 : i32
        %dma_start3A_1488 = arith.constant 0 : i32
        %dma_start3A_1489 = tpu.memref_slice %arg6[%dma_start3A_1485, %dma_start3A_1487, %dma_start3A_1488] : memref<8x32x128xf32, #tpu.memory_space<vmem>> -> memref<1x32x128xf32, #tpu.memory_space<vmem>>
        %dma_start3A_1490 = tpu.memref_squeeze %dma_start3A_1489 : memref<1x32x128xf32, #tpu.memory_space<vmem>> -> memref<32x128xf32, #tpu.memory_space<vmem>>
        %dma_start3A_1491 = arith.constant 0 : i32
        %dma_start3A_1492 = tpu.memref_slice %arg2[%dma_start3A_1491, %multiple_of3A_1484] : memref<32x1000000xf32, #tpu.memory_space<hbm>> -> memref<32x128xf32, #tpu.memory_space<hbm>>
        %dma_start3A_1493 = tpu.memref_slice %arg8[%dma_start3A_1486] : memref<8x!tpu.dma_semaphore, #tpu.memory_space<semaphore_mem>> -> memref<1x!tpu.dma_semaphore, #tpu.memory_space<semaphore_mem>>
        %dma_start3A_1494 = tpu.memref_squeeze %dma_start3A_1493 : memref<1x!tpu.dma_semaphore, #tpu.memory_space<semaphore_mem>> -> memref<!tpu.dma_semaphore, #tpu.memory_space<semaphore_mem>>
        %dma_start3A_1495 = arith.constant 0 : i32
        %dma_start3A_1496 = arith.constant 0 : i32
        %dma_start3A_1497 = tpu.memref_slice %arg6[%dma_start3A_1485, %dma_start3A_1495, %dma_start3A_1496] : memref<8x32x128xf32, #tpu.memory_space<vmem>> -> memref<1x32x128xf32, #tpu.memory_space<vmem>>
        %dma_start3A_1498 = tpu.memref_squeeze %dma_start3A_1497 : memref<1x32x128xf32, #tpu.memory_space<vmem>> -> memref<32x128xf32, #tpu.memory_space<vmem>>
        %dma_start3A_1499 = arith.constant 0 : i32
        %dma_start3A_1500 = tpu.memref_slice %arg2[%dma_start3A_1499, %multiple_of3A_1484] : memref<32x1000000xf32, #tpu.memory_space<hbm>> -> memref<32x128xf32, #tpu.memory_space<hbm>>
        tpu.enqueue_dma source(%dma_start3A_1500 : memref<32x128xf32, #tpu.memory_space<hbm>>) target(%dma_start3A_1498 : memref<32x128xf32, #tpu.memory_space<vmem>>) target_semaphore(%dma_start3A_1494 : memref<!tpu.dma_semaphore, #tpu.memory_space<semaphore_mem>>)
      } else {
      }
      %add3A_1040 = arith.constant 5 : i32
      %add3A_1041 = arith.addi %add3A_444, %add3A_1040 : i32
      %dma_wait3A_1042 = arith.constant 5 : i32
      %dma_wait3A_1043 = arith.constant 5 : i32
      %dma_wait3A_1044 = arith.constant 0 : i32
      %dma_wait3A_1045 = arith.constant 0 : i32
      %dma_wait3A_1046 = tpu.memref_slice %arg6[%dma_wait3A_1042, %dma_wait3A_1044, %dma_wait3A_1045] : memref<8x32x128xf32, #tpu.memory_space<vmem>> -> memref<1x32x128xf32, #tpu.memory_space<vmem>>
      %dma_wait3A_1047 = tpu.memref_squeeze %dma_wait3A_1046 : memref<1x32x128xf32, #tpu.memory_space<vmem>> -> memref<32x128xf32, #tpu.memory_space<vmem>>
      %dma_wait3A_1048 = arith.constant 0 : i32
      %dma_wait3A_1049 = arith.constant 0 : i32
      %dma_wait3A_1050 = tpu.memref_slice %arg2[%dma_wait3A_1048, %dma_wait3A_1049] : memref<32x1000000xf32, #tpu.memory_space<hbm>> -> memref<32x128xf32, #tpu.memory_space<hbm>>
      %dma_wait3A_1051 = tpu.memref_slice %arg8[%dma_wait3A_1043] : memref<8x!tpu.dma_semaphore, #tpu.memory_space<semaphore_mem>> -> memref<1x!tpu.dma_semaphore, #tpu.memory_space<semaphore_mem>>
      %dma_wait3A_1052 = tpu.memref_squeeze %dma_wait3A_1051 : memref<1x!tpu.dma_semaphore, #tpu.memory_space<semaphore_mem>> -> memref<!tpu.dma_semaphore, #tpu.memory_space<semaphore_mem>>
      %dma_wait3A_1053 = arith.constant 0 : i32
      %dma_wait3A_1054 = arith.constant 0 : i32
      %dma_wait3A_1055 = tpu.memref_slice %arg6[%dma_wait3A_1042, %dma_wait3A_1053, %dma_wait3A_1054] : memref<8x32x128xf32, #tpu.memory_space<vmem>> -> memref<1x32x128xf32, #tpu.memory_space<vmem>>
      %dma_wait3A_1056 = tpu.memref_squeeze %dma_wait3A_1055 : memref<1x32x128xf32, #tpu.memory_space<vmem>> -> memref<32x128xf32, #tpu.memory_space<vmem>>
      %dma_wait3A_1057 = arith.constant 0 : i32
      %dma_wait3A_1058 = arith.constant 0 : i32
      %dma_wait3A_1059 = tpu.memref_slice %arg2[%dma_wait3A_1057, %dma_wait3A_1058] : memref<32x1000000xf32, #tpu.memory_space<hbm>> -> memref<32x128xf32, #tpu.memory_space<hbm>>
      tpu.wait_dma2 semaphore(%dma_wait3A_1052 : memref<!tpu.dma_semaphore, #tpu.memory_space<semaphore_mem>>) src(%dma_wait3A_1059 : memref<32x128xf32, #tpu.memory_space<hbm>>) dst(%dma_wait3A_1056 : memref<32x128xf32, #tpu.memory_space<vmem>>)
      %jit3A_1060 = arith.constant 16 : i32
      %div3A_1061 = arith.divsi %add3A_1041, %jit3A_1060 : i32
      %sign3A_1062 = arith.constant 0 : i32
      %sign3A_1063 = arith.cmpi sgt, %add3A_1041, %sign3A_1062 : i32
      %sign3A_1064 = arith.extui %sign3A_1063 : i1 to i32
      %sign3A_1065 = arith.constant 0 : i32
      %sign3A_1066 = arith.cmpi slt, %add3A_1041, %sign3A_1065 : i32
      %sign3A_1067 = arith.extui %sign3A_1066 : i1 to i32
      %sign3A_1068 = arith.subi %sign3A_1064, %sign3A_1067 : i32
      %sign3A_1069 = arith.constant 0 : i32
      %sign3A_1070 = arith.cmpi sgt, %jit3A_1060, %sign3A_1069 : i32
      %sign3A_1071 = arith.extui %sign3A_1070 : i1 to i32
      %sign3A_1072 = arith.constant 0 : i32
      %sign3A_1073 = arith.cmpi slt, %jit3A_1060, %sign3A_1072 : i32
      %sign3A_1074 = arith.extui %sign3A_1073 : i1 to i32
      %sign3A_1075 = arith.subi %sign3A_1071, %sign3A_1074 : i32
      %ne3A_1076 = arith.cmpi ne, %sign3A_1068, %sign3A_1075 : i32
      %rem3A_1077 = arith.remsi %add3A_1041, %jit3A_1060 : i32
      %ne3A_1078 = arith.constant 0 : i32
      %ne3A_1079 = arith.cmpi ne, %rem3A_1077, %ne3A_1078 : i32
      %and3A_1080 = arith.andi %ne3A_1076, %ne3A_1079 : i1
      %sub3A_1081 = arith.constant 1 : i32
      %sub3A_1082 = arith.subi %div3A_1061, %sub3A_1081 : i32
      %select_n3A_1083 = arith.select %and3A_1080, %sub3A_1082, %div3A_1061 : i32
      %mul3A_1084 = arith.constant 16 : i32
      %mul3A_1085 = arith.muli %select_n3A_1083, %mul3A_1084 : i32
      %get3A_1086 = arith.index_cast %mul3A_1085 : i32 to index
      %get3A_1087 = tpu.vector_load %arg5[%get3A_1086] {strides = array<i32>} : memref<512xi32, #tpu.memory_space<vmem>>, vector<16xi32>,
      %jit3A_1088 = arith.constant 16 : i32
      %eq3A_1089 = arith.constant 0 : i32
      %eq3A_1090 = arith.cmpi eq, %jit3A_1088, %eq3A_1089 : i32
      %jit3A_1091 = arith.constant 1 : i32
      %select_n3A_1092 = arith.select %eq3A_1090, %jit3A_1091, %jit3A_1088 : i32
      %rem3A_1093 = arith.remsi %add3A_1041, %select_n3A_1092 : i32
      %ne3A_1094 = arith.constant 0 : i32
      %ne3A_1095 = arith.cmpi ne, %rem3A_1093, %ne3A_1094 : i32
      %lt3A_1096 = arith.constant 0 : i32
      %lt3A_1097 = arith.cmpi slt, %rem3A_1093, %lt3A_1096 : i32
      %lt3A_1098 = arith.constant 0 : i32
      %lt3A_1099 = arith.cmpi slt, %select_n3A_1092, %lt3A_1098 : i32
      %ne3A_1100 = arith.xori %lt3A_1097, %lt3A_1099 : i1
      %and3A_1101 = arith.andi %ne3A_1100, %ne3A_1095 : i1
      %add3A_1102 = arith.addi %rem3A_1093, %select_n3A_1092 : i32
      %select_n3A_1103 = arith.select %and3A_1101, %add3A_1102, %rem3A_1093 : i32
      %iota3A_1104 = tpu.iota {dimensions = array<i32: 0>} : vector<16xi32>
      %broadcast_in_dim3A_1105 = vector.broadcast %select_n3A_1103 : i32 to vector<16xi32>
      %eq3A_1106 = arith.cmpi eq, %iota3A_1104, %broadcast_in_dim3A_1105 : vector<16xi32>
      %jit3A_1107 = arith.constant 0 : i32
      %broadcast_in_dim3A_1108 = vector.broadcast %jit3A_1107 : i32 to vector<16xi32>
      %select_n3A_1109 = arith.select %eq3A_1106, %get3A_1087, %broadcast_in_dim3A_1108 : vector<16xi1>, vector<16xi32>
      %reduce_sum3A_1110 = arith.constant true
      %reduce_sum3A_1111 = vector.broadcast %reduce_sum3A_1110 : i1 to vector<16xi1>
      %reduce_sum3A_1112 = tpu.scan <sum>, %select_n3A_1109 masked %reduce_sum3A_1111 : vector<16xi32>, vector<16xi1> -> vector<16xi32>
      %reduce_sum3A_1113 = vector.extract %reduce_sum3A_1112[15] : i32 from vector<16xi32>
      %jit3A_1114 = arith.constant 128 : i32
      %eq3A_1115 = arith.constant 0 : i32
      %eq3A_1116 = arith.cmpi eq, %jit3A_1114, %eq3A_1115 : i32
      %jit3A_1117 = arith.constant 1 : i32
      %select_n3A_1118 = arith.select %eq3A_1116, %jit3A_1117, %jit3A_1114 : i32
      %rem3A_1119 = arith.remsi %reduce_sum3A_1113, %select_n3A_1118 : i32
      %ne3A_1120 = arith.constant 0 : i32
      %ne3A_1121 = arith.cmpi ne, %rem3A_1119, %ne3A_1120 : i32
      %lt3A_1122 = arith.constant 0 : i32
      %lt3A_1123 = arith.cmpi slt, %rem3A_1119, %lt3A_1122 : i32
      %lt3A_1124 = arith.constant 0 : i32
      %lt3A_1125 = arith.cmpi slt, %select_n3A_1118, %lt3A_1124 : i32
      %ne3A_1126 = arith.xori %lt3A_1123, %lt3A_1125 : i1
      %and3A_1127 = arith.andi %ne3A_1126, %ne3A_1121 : i1
      %add3A_1128 = arith.addi %rem3A_1119, %select_n3A_1118 : i32
      %select_n3A_1129 = arith.select %and3A_1127, %add3A_1128, %rem3A_1119 : i32
      %iota3A_1130 = tpu.iota {dimensions = array<i32: 0>} : vector<16xi32>
      %broadcast_in_dim3A_1131 = vector.broadcast %select_n3A_1129 : i32 to vector<16xi32>
      %broadcast_in_dim3A_1132 = vector.broadcast %add3A_1041 : i32 to vector<16xi32>
      %add3A_1133 = arith.constant 0 : i32
      %add3A_1134 = vector.broadcast %add3A_1133 : i32 to vector<16xi32>
      %add3A_1135 = arith.addi %iota3A_1130, %add3A_1134 : vector<16xi32>
      %gather3A_1136 = arith.constant 5 : i32
      %gather3A_1137 = arith.constant 0 : i32
      %gather3A_1138 = arith.constant 0 : i32
      %gather3A_1139 = tpu.memref_slice %arg6[%gather3A_1136, %gather3A_1137, %gather3A_1138] : memref<8x32x128xf32, #tpu.memory_space<vmem>> -> memref<1x32x128xf32, #tpu.memory_space<vmem>>
      %gather3A_1140 = tpu.memref_squeeze %gather3A_1139 : memref<1x32x128xf32, #tpu.memory_space<vmem>> -> memref<32x128xf32, #tpu.memory_space<vmem>>
      %gather3A_1141 = tpu.vector_load_idx %gather3A_1140[%add3A_1135, %broadcast_in_dim3A_1131] : memref<32x128xf32, #tpu.memory_space<vmem>>[vector<16xi32>, vector<16xi32>], vector<16xf32>,
      tpu.vector_store_idx %arg7[%add3A_1135, %broadcast_in_dim3A_1132], %gather3A_1141 : memref<32x512xf32, #tpu.memory_space<vmem>>[vector<16xi32>, vector<16xi32>], vector<16xf32>,
      %add3A_1142 = arith.constant 16 : i32
      %add3A_1143 = vector.broadcast %add3A_1142 : i32 to vector<16xi32>
      %add3A_1144 = arith.addi %iota3A_1130, %add3A_1143 : vector<16xi32>
      %gather3A_1145 = arith.constant 5 : i32
      %gather3A_1146 = arith.constant 0 : i32
      %gather3A_1147 = arith.constant 0 : i32
      %gather3A_1148 = tpu.memref_slice %arg6[%gather3A_1145, %gather3A_1146, %gather3A_1147] : memref<8x32x128xf32, #tpu.memory_space<vmem>> -> memref<1x32x128xf32, #tpu.memory_space<vmem>>
      %gather3A_1149 = tpu.memref_squeeze %gather3A_1148 : memref<1x32x128xf32, #tpu.memory_space<vmem>> -> memref<32x128xf32, #tpu.memory_space<vmem>>
      %gather3A_1150 = tpu.vector_load_idx %gather3A_1149[%add3A_1144, %broadcast_in_dim3A_1131] : memref<32x128xf32, #tpu.memory_space<vmem>>[vector<16xi32>, vector<16xi32>], vector<16xf32>,
      tpu.vector_store_idx %arg7[%add3A_1144, %broadcast_in_dim3A_1132], %gather3A_1150 : memref<32x512xf32, #tpu.memory_space<vmem>>[vector<16xi32>, vector<16xi32>], vector<16xf32>,
      %add3A_1151 = arith.constant 5 : i32
      %add3A_1152 = arith.addi %add3A_444, %add3A_1151 : i32
      %add3A_1153 = arith.constant 8 : i32
      %add3A_1154 = arith.addi %add3A_1152, %add3A_1153 : i32
      %lt3A_1155 = arith.constant 512 : i32
      %lt3A_1156 = arith.cmpi slt, %add3A_1154, %lt3A_1155 : i32
      %convert_element_type3A_1157 = arith.extui %lt3A_1156 : i1 to i32
      %cond3A_1158 = arith.constant 0 : i32
      %cond3A_1159 = arith.cmpi ne, %convert_element_type3A_1157, %cond3A_1158 : i32
      scf.if %cond3A_1159 {
        %add3A_1400 = arith.constant 5 : i32
        %add3A_1401 = arith.addi %add3A_444, %add3A_1400 : i32
        %add3A_1402 = arith.constant 8 : i32
        %add3A_1403 = arith.addi %add3A_1401, %add3A_1402 : i32
        %jit3A_1404 = arith.constant 16 : i32
        %div3A_1405 = arith.divsi %add3A_1403, %jit3A_1404 : i32
        %sign3A_1406 = arith.constant 0 : i32
        %sign3A_1407 = arith.cmpi sgt, %add3A_1403, %sign3A_1406 : i32
        %sign3A_1408 = arith.extui %sign3A_1407 : i1 to i32
        %sign3A_1409 = arith.constant 0 : i32
        %sign3A_1410 = arith.cmpi slt, %add3A_1403, %sign3A_1409 : i32
        %sign3A_1411 = arith.extui %sign3A_1410 : i1 to i32
        %sign3A_1412 = arith.subi %sign3A_1408, %sign3A_1411 : i32
        %sign3A_1413 = arith.constant 0 : i32
        %sign3A_1414 = arith.cmpi sgt, %jit3A_1404, %sign3A_1413 : i32
        %sign3A_1415 = arith.extui %sign3A_1414 : i1 to i32
        %sign3A_1416 = arith.constant 0 : i32
        %sign3A_1417 = arith.cmpi slt, %jit3A_1404, %sign3A_1416 : i32
        %sign3A_1418 = arith.extui %sign3A_1417 : i1 to i32
        %sign3A_1419 = arith.subi %sign3A_1415, %sign3A_1418 : i32
        %ne3A_1420 = arith.cmpi ne, %sign3A_1412, %sign3A_1419 : i32
        %rem3A_1421 = arith.remsi %add3A_1403, %jit3A_1404 : i32
        %ne3A_1422 = arith.constant 0 : i32
        %ne3A_1423 = arith.cmpi ne, %rem3A_1421, %ne3A_1422 : i32
        %and3A_1424 = arith.andi %ne3A_1420, %ne3A_1423 : i1
        %sub3A_1425 = arith.constant 1 : i32
        %sub3A_1426 = arith.subi %div3A_1405, %sub3A_1425 : i32
        %select_n3A_1427 = arith.select %and3A_1424, %sub3A_1426, %div3A_1405 : i32
        %mul3A_1428 = arith.constant 16 : i32
        %mul3A_1429 = arith.muli %select_n3A_1427, %mul3A_1428 : i32
        %get3A_1430 = arith.index_cast %mul3A_1429 : i32 to index
        %get3A_1431 = tpu.vector_load %arg5[%get3A_1430] {strides = array<i32>} : memref<512xi32, #tpu.memory_space<vmem>>, vector<16xi32>,
        %jit3A_1432 = arith.constant 16 : i32
        %eq3A_1433 = arith.constant 0 : i32
        %eq3A_1434 = arith.cmpi eq, %jit3A_1432, %eq3A_1433 : i32
        %jit3A_1435 = arith.constant 1 : i32
        %select_n3A_1436 = arith.select %eq3A_1434, %jit3A_1435, %jit3A_1432 : i32
        %rem3A_1437 = arith.remsi %add3A_1403, %select_n3A_1436 : i32
        %ne3A_1438 = arith.constant 0 : i32
        %ne3A_1439 = arith.cmpi ne, %rem3A_1437, %ne3A_1438 : i32
        %lt3A_1440 = arith.constant 0 : i32
        %lt3A_1441 = arith.cmpi slt, %rem3A_1437, %lt3A_1440 : i32
        %lt3A_1442 = arith.constant 0 : i32
        %lt3A_1443 = arith.cmpi slt, %select_n3A_1436, %lt3A_1442 : i32
        %ne3A_1444 = arith.xori %lt3A_1441, %lt3A_1443 : i1
        %and3A_1445 = arith.andi %ne3A_1444, %ne3A_1439 : i1
        %add3A_1446 = arith.addi %rem3A_1437, %select_n3A_1436 : i32
        %select_n3A_1447 = arith.select %and3A_1445, %add3A_1446, %rem3A_1437 : i32
        %iota3A_1448 = tpu.iota {dimensions = array<i32: 0>} : vector<16xi32>
        %broadcast_in_dim3A_1449 = vector.broadcast %select_n3A_1447 : i32 to vector<16xi32>
        %eq3A_1450 = arith.cmpi eq, %iota3A_1448, %broadcast_in_dim3A_1449 : vector<16xi32>
        %jit3A_1451 = arith.constant 0 : i32
        %broadcast_in_dim3A_1452 = vector.broadcast %jit3A_1451 : i32 to vector<16xi32>
        %select_n3A_1453 = arith.select %eq3A_1450, %get3A_1431, %broadcast_in_dim3A_1452 : vector<16xi1>, vector<16xi32>
        %reduce_sum3A_1454 = arith.constant true
        %reduce_sum3A_1455 = vector.broadcast %reduce_sum3A_1454 : i1 to vector<16xi1>
        %reduce_sum3A_1456 = tpu.scan <sum>, %select_n3A_1453 masked %reduce_sum3A_1455 : vector<16xi32>, vector<16xi1> -> vector<16xi32>
        %reduce_sum3A_1457 = vector.extract %reduce_sum3A_1456[15] : i32 from vector<16xi32>
        %jit3A_1458 = arith.constant 128 : i32
        %div3A_1459 = arith.divsi %reduce_sum3A_1457, %jit3A_1458 : i32
        %sign3A_1460 = arith.constant 0 : i32
        %sign3A_1461 = arith.cmpi sgt, %reduce_sum3A_1457, %sign3A_1460 : i32
        %sign3A_1462 = arith.extui %sign3A_1461 : i1 to i32
        %sign3A_1463 = arith.constant 0 : i32
        %sign3A_1464 = arith.cmpi slt, %reduce_sum3A_1457, %sign3A_1463 : i32
        %sign3A_1465 = arith.extui %sign3A_1464 : i1 to i32
        %sign3A_1466 = arith.subi %sign3A_1462, %sign3A_1465 : i32
        %sign3A_1467 = arith.constant 0 : i32
        %sign3A_1468 = arith.cmpi sgt, %jit3A_1458, %sign3A_1467 : i32
        %sign3A_1469 = arith.extui %sign3A_1468 : i1 to i32
        %sign3A_1470 = arith.constant 0 : i32
        %sign3A_1471 = arith.cmpi slt, %jit3A_1458, %sign3A_1470 : i32
        %sign3A_1472 = arith.extui %sign3A_1471 : i1 to i32
        %sign3A_1473 = arith.subi %sign3A_1469, %sign3A_1472 : i32
        %ne3A_1474 = arith.cmpi ne, %sign3A_1466, %sign3A_1473 : i32
        %rem3A_1475 = arith.remsi %reduce_sum3A_1457, %jit3A_1458 : i32
        %ne3A_1476 = arith.constant 0 : i32
        %ne3A_1477 = arith.cmpi ne, %rem3A_1475, %ne3A_1476 : i32
        %and3A_1478 = arith.andi %ne3A_1474, %ne3A_1477 : i1
        %sub3A_1479 = arith.constant 1 : i32
        %sub3A_1480 = arith.subi %div3A_1459, %sub3A_1479 : i32
        %select_n3A_1481 = arith.select %and3A_1478, %sub3A_1480, %div3A_1459 : i32
        %mul3A_1482 = arith.constant 128 : i32
        %mul3A_1483 = arith.muli %select_n3A_1481, %mul3A_1482 : i32
        %multiple_of3A_1484 = tpu.assume_multiple %mul3A_1483, 128 : i32
        %dma_start3A_1485 = arith.constant 5 : i32
        %dma_start3A_1486 = arith.constant 5 : i32
        %dma_start3A_1487 = arith.constant 0 : i32
        %dma_start3A_1488 = arith.constant 0 : i32
        %dma_start3A_1489 = tpu.memref_slice %arg6[%dma_start3A_1485, %dma_start3A_1487, %dma_start3A_1488] : memref<8x32x128xf32, #tpu.memory_space<vmem>> -> memref<1x32x128xf32, #tpu.memory_space<vmem>>
        %dma_start3A_1490 = tpu.memref_squeeze %dma_start3A_1489 : memref<1x32x128xf32, #tpu.memory_space<vmem>> -> memref<32x128xf32, #tpu.memory_space<vmem>>
        %dma_start3A_1491 = arith.constant 0 : i32
        %dma_start3A_1492 = tpu.memref_slice %arg2[%dma_start3A_1491, %multiple_of3A_1484] : memref<32x1000000xf32, #tpu.memory_space<hbm>> -> memref<32x128xf32, #tpu.memory_space<hbm>>
        %dma_start3A_1493 = tpu.memref_slice %arg8[%dma_start3A_1486] : memref<8x!tpu.dma_semaphore, #tpu.memory_space<semaphore_mem>> -> memref<1x!tpu.dma_semaphore, #tpu.memory_space<semaphore_mem>>
        %dma_start3A_1494 = tpu.memref_squeeze %dma_start3A_1493 : memref<1x!tpu.dma_semaphore, #tpu.memory_space<semaphore_mem>> -> memref<!tpu.dma_semaphore, #tpu.memory_space<semaphore_mem>>
        %dma_start3A_1495 = arith.constant 0 : i32
        %dma_start3A_1496 = arith.constant 0 : i32
        %dma_start3A_1497 = tpu.memref_slice %arg6[%dma_start3A_1485, %dma_start3A_1495, %dma_start3A_1496] : memref<8x32x128xf32, #tpu.memory_space<vmem>> -> memref<1x32x128xf32, #tpu.memory_space<vmem>>
        %dma_start3A_1498 = tpu.memref_squeeze %dma_start3A_1497 : memref<1x32x128xf32, #tpu.memory_space<vmem>> -> memref<32x128xf32, #tpu.memory_space<vmem>>
        %dma_start3A_1499 = arith.constant 0 : i32
        %dma_start3A_1500 = tpu.memref_slice %arg2[%dma_start3A_1499, %multiple_of3A_1484] : memref<32x1000000xf32, #tpu.memory_space<hbm>> -> memref<32x128xf32, #tpu.memory_space<hbm>>
        tpu.enqueue_dma source(%dma_start3A_1500 : memref<32x128xf32, #tpu.memory_space<hbm>>) target(%dma_start3A_1498 : memref<32x128xf32, #tpu.memory_space<vmem>>) target_semaphore(%dma_start3A_1494 : memref<!tpu.dma_semaphore, #tpu.memory_space<semaphore_mem>>)
      } else {
      }
      %add3A_1160 = arith.constant 6 : i32
      %add3A_1161 = arith.addi %add3A_444, %add3A_1160 : i32
      %dma_wait3A_1162 = arith.constant 6 : i32
      %dma_wait3A_1163 = arith.constant 6 : i32
      %dma_wait3A_1164 = arith.constant 0 : i32
      %dma_wait3A_1165 = arith.constant 0 : i32
      %dma_wait3A_1166 = tpu.memref_slice %arg6[%dma_wait3A_1162, %dma_wait3A_1164, %dma_wait3A_1165] : memref<8x32x128xf32, #tpu.memory_space<vmem>> -> memref<1x32x128xf32, #tpu.memory_space<vmem>>
      %dma_wait3A_1167 = tpu.memref_squeeze %dma_wait3A_1166 : memref<1x32x128xf32, #tpu.memory_space<vmem>> -> memref<32x128xf32, #tpu.memory_space<vmem>>
      %dma_wait3A_1168 = arith.constant 0 : i32
      %dma_wait3A_1169 = arith.constant 0 : i32
      %dma_wait3A_1170 = tpu.memref_slice %arg2[%dma_wait3A_1168, %dma_wait3A_1169] : memref<32x1000000xf32, #tpu.memory_space<hbm>> -> memref<32x128xf32, #tpu.memory_space<hbm>>
      %dma_wait3A_1171 = tpu.memref_slice %arg8[%dma_wait3A_1163] : memref<8x!tpu.dma_semaphore, #tpu.memory_space<semaphore_mem>> -> memref<1x!tpu.dma_semaphore, #tpu.memory_space<semaphore_mem>>
      %dma_wait3A_1172 = tpu.memref_squeeze %dma_wait3A_1171 : memref<1x!tpu.dma_semaphore, #tpu.memory_space<semaphore_mem>> -> memref<!tpu.dma_semaphore, #tpu.memory_space<semaphore_mem>>
      %dma_wait3A_1173 = arith.constant 0 : i32
      %dma_wait3A_1174 = arith.constant 0 : i32
      %dma_wait3A_1175 = tpu.memref_slice %arg6[%dma_wait3A_1162, %dma_wait3A_1173, %dma_wait3A_1174] : memref<8x32x128xf32, #tpu.memory_space<vmem>> -> memref<1x32x128xf32, #tpu.memory_space<vmem>>
      %dma_wait3A_1176 = tpu.memref_squeeze %dma_wait3A_1175 : memref<1x32x128xf32, #tpu.memory_space<vmem>> -> memref<32x128xf32, #tpu.memory_space<vmem>>
      %dma_wait3A_1177 = arith.constant 0 : i32
      %dma_wait3A_1178 = arith.constant 0 : i32
      %dma_wait3A_1179 = tpu.memref_slice %arg2[%dma_wait3A_1177, %dma_wait3A_1178] : memref<32x1000000xf32, #tpu.memory_space<hbm>> -> memref<32x128xf32, #tpu.memory_space<hbm>>
      tpu.wait_dma2 semaphore(%dma_wait3A_1172 : memref<!tpu.dma_semaphore, #tpu.memory_space<semaphore_mem>>) src(%dma_wait3A_1179 : memref<32x128xf32, #tpu.memory_space<hbm>>) dst(%dma_wait3A_1176 : memref<32x128xf32, #tpu.memory_space<vmem>>)
      %jit3A_1180 = arith.constant 16 : i32
      %div3A_1181 = arith.divsi %add3A_1161, %jit3A_1180 : i32
      %sign3A_1182 = arith.constant 0 : i32
      %sign3A_1183 = arith.cmpi sgt, %add3A_1161, %sign3A_1182 : i32
      %sign3A_1184 = arith.extui %sign3A_1183 : i1 to i32
      %sign3A_1185 = arith.constant 0 : i32
      %sign3A_1186 = arith.cmpi slt, %add3A_1161, %sign3A_1185 : i32
      %sign3A_1187 = arith.extui %sign3A_1186 : i1 to i32
      %sign3A_1188 = arith.subi %sign3A_1184, %sign3A_1187 : i32
      %sign3A_1189 = arith.constant 0 : i32
      %sign3A_1190 = arith.cmpi sgt, %jit3A_1180, %sign3A_1189 : i32
      %sign3A_1191 = arith.extui %sign3A_1190 : i1 to i32
      %sign3A_1192 = arith.constant 0 : i32
      %sign3A_1193 = arith.cmpi slt, %jit3A_1180, %sign3A_1192 : i32
      %sign3A_1194 = arith.extui %sign3A_1193 : i1 to i32
      %sign3A_1195 = arith.subi %sign3A_1191, %sign3A_1194 : i32
      %ne3A_1196 = arith.cmpi ne, %sign3A_1188, %sign3A_1195 : i32
      %rem3A_1197 = arith.remsi %add3A_1161, %jit3A_1180 : i32
      %ne3A_1198 = arith.constant 0 : i32
      %ne3A_1199 = arith.cmpi ne, %rem3A_1197, %ne3A_1198 : i32
      %and3A_1200 = arith.andi %ne3A_1196, %ne3A_1199 : i1
      %sub3A_1201 = arith.constant 1 : i32
      %sub3A_1202 = arith.subi %div3A_1181, %sub3A_1201 : i32
      %select_n3A_1203 = arith.select %and3A_1200, %sub3A_1202, %div3A_1181 : i32
      %mul3A_1204 = arith.constant 16 : i32
      %mul3A_1205 = arith.muli %select_n3A_1203, %mul3A_1204 : i32
      %get3A_1206 = arith.index_cast %mul3A_1205 : i32 to index
      %get3A_1207 = tpu.vector_load %arg5[%get3A_1206] {strides = array<i32>} : memref<512xi32, #tpu.memory_space<vmem>>, vector<16xi32>,
      %jit3A_1208 = arith.constant 16 : i32
      %eq3A_1209 = arith.constant 0 : i32
      %eq3A_1210 = arith.cmpi eq, %jit3A_1208, %eq3A_1209 : i32
      %jit3A_1211 = arith.constant 1 : i32
      %select_n3A_1212 = arith.select %eq3A_1210, %jit3A_1211, %jit3A_1208 : i32
      %rem3A_1213 = arith.remsi %add3A_1161, %select_n3A_1212 : i32
      %ne3A_1214 = arith.constant 0 : i32
      %ne3A_1215 = arith.cmpi ne, %rem3A_1213, %ne3A_1214 : i32
      %lt3A_1216 = arith.constant 0 : i32
      %lt3A_1217 = arith.cmpi slt, %rem3A_1213, %lt3A_1216 : i32
      %lt3A_1218 = arith.constant 0 : i32
      %lt3A_1219 = arith.cmpi slt, %select_n3A_1212, %lt3A_1218 : i32
      %ne3A_1220 = arith.xori %lt3A_1217, %lt3A_1219 : i1
      %and3A_1221 = arith.andi %ne3A_1220, %ne3A_1215 : i1
      %add3A_1222 = arith.addi %rem3A_1213, %select_n3A_1212 : i32
      %select_n3A_1223 = arith.select %and3A_1221, %add3A_1222, %rem3A_1213 : i32
      %iota3A_1224 = tpu.iota {dimensions = array<i32: 0>} : vector<16xi32>
      %broadcast_in_dim3A_1225 = vector.broadcast %select_n3A_1223 : i32 to vector<16xi32>
      %eq3A_1226 = arith.cmpi eq, %iota3A_1224, %broadcast_in_dim3A_1225 : vector<16xi32>
      %jit3A_1227 = arith.constant 0 : i32
      %broadcast_in_dim3A_1228 = vector.broadcast %jit3A_1227 : i32 to vector<16xi32>
      %select_n3A_1229 = arith.select %eq3A_1226, %get3A_1207, %broadcast_in_dim3A_1228 : vector<16xi1>, vector<16xi32>
      %reduce_sum3A_1230 = arith.constant true
      %reduce_sum3A_1231 = vector.broadcast %reduce_sum3A_1230 : i1 to vector<16xi1>
      %reduce_sum3A_1232 = tpu.scan <sum>, %select_n3A_1229 masked %reduce_sum3A_1231 : vector<16xi32>, vector<16xi1> -> vector<16xi32>
      %reduce_sum3A_1233 = vector.extract %reduce_sum3A_1232[15] : i32 from vector<16xi32>
      %jit3A_1234 = arith.constant 128 : i32
      %eq3A_1235 = arith.constant 0 : i32
      %eq3A_1236 = arith.cmpi eq, %jit3A_1234, %eq3A_1235 : i32
      %jit3A_1237 = arith.constant 1 : i32
      %select_n3A_1238 = arith.select %eq3A_1236, %jit3A_1237, %jit3A_1234 : i32
      %rem3A_1239 = arith.remsi %reduce_sum3A_1233, %select_n3A_1238 : i32
      %ne3A_1240 = arith.constant 0 : i32
      %ne3A_1241 = arith.cmpi ne, %rem3A_1239, %ne3A_1240 : i32
      %lt3A_1242 = arith.constant 0 : i32
      %lt3A_1243 = arith.cmpi slt, %rem3A_1239, %lt3A_1242 : i32
      %lt3A_1244 = arith.constant 0 : i32
      %lt3A_1245 = arith.cmpi slt, %select_n3A_1238, %lt3A_1244 : i32
      %ne3A_1246 = arith.xori %lt3A_1243, %lt3A_1245 : i1
      %and3A_1247 = arith.andi %ne3A_1246, %ne3A_1241 : i1
      %add3A_1248 = arith.addi %rem3A_1239, %select_n3A_1238 : i32
      %select_n3A_1249 = arith.select %and3A_1247, %add3A_1248, %rem3A_1239 : i32
      %iota3A_1250 = tpu.iota {dimensions = array<i32: 0>} : vector<16xi32>
      %broadcast_in_dim3A_1251 = vector.broadcast %select_n3A_1249 : i32 to vector<16xi32>
      %broadcast_in_dim3A_1252 = vector.broadcast %add3A_1161 : i32 to vector<16xi32>
      %add3A_1253 = arith.constant 0 : i32
      %add3A_1254 = vector.broadcast %add3A_1253 : i32 to vector<16xi32>
      %add3A_1255 = arith.addi %iota3A_1250, %add3A_1254 : vector<16xi32>
      %gather3A_1256 = arith.constant 6 : i32
      %gather3A_1257 = arith.constant 0 : i32
      %gather3A_1258 = arith.constant 0 : i32
      %gather3A_1259 = tpu.memref_slice %arg6[%gather3A_1256, %gather3A_1257, %gather3A_1258] : memref<8x32x128xf32, #tpu.memory_space<vmem>> -> memref<1x32x128xf32, #tpu.memory_space<vmem>>
      %gather3A_1260 = tpu.memref_squeeze %gather3A_1259 : memref<1x32x128xf32, #tpu.memory_space<vmem>> -> memref<32x128xf32, #tpu.memory_space<vmem>>
      %gather3A_1261 = tpu.vector_load_idx %gather3A_1260[%add3A_1255, %broadcast_in_dim3A_1251] : memref<32x128xf32, #tpu.memory_space<vmem>>[vector<16xi32>, vector<16xi32>], vector<16xf32>,
      tpu.vector_store_idx %arg7[%add3A_1255, %broadcast_in_dim3A_1252], %gather3A_1261 : memref<32x512xf32, #tpu.memory_space<vmem>>[vector<16xi32>, vector<16xi32>], vector<16xf32>,
      %add3A_1262 = arith.constant 16 : i32
      %add3A_1263 = vector.broadcast %add3A_1262 : i32 to vector<16xi32>
      %add3A_1264 = arith.addi %iota3A_1250, %add3A_1263 : vector<16xi32>
      %gather3A_1265 = arith.constant 6 : i32
      %gather3A_1266 = arith.constant 0 : i32
      %gather3A_1267 = arith.constant 0 : i32
      %gather3A_1268 = tpu.memref_slice %arg6[%gather3A_1265, %gather3A_1266, %gather3A_1267] : memref<8x32x128xf32, #tpu.memory_space<vmem>> -> memref<1x32x128xf32, #tpu.memory_space<vmem>>
      %gather3A_1269 = tpu.memref_squeeze %gather3A_1268 : memref<1x32x128xf32, #tpu.memory_space<vmem>> -> memref<32x128xf32, #tpu.memory_space<vmem>>
      %gather3A_1270 = tpu.vector_load_idx %gather3A_1269[%add3A_1264, %broadcast_in_dim3A_1251] : memref<32x128xf32, #tpu.memory_space<vmem>>[vector<16xi32>, vector<16xi32>], vector<16xf32>,
      tpu.vector_store_idx %arg7[%add3A_1264, %broadcast_in_dim3A_1252], %gather3A_1270 : memref<32x512xf32, #tpu.memory_space<vmem>>[vector<16xi32>, vector<16xi32>], vector<16xf32>,
      %add3A_1271 = arith.constant 6 : i32
      %add3A_1272 = arith.addi %add3A_444, %add3A_1271 : i32
      %add3A_1273 = arith.constant 8 : i32
      %add3A_1274 = arith.addi %add3A_1272, %add3A_1273 : i32
      %lt3A_1275 = arith.constant 512 : i32
      %lt3A_1276 = arith.cmpi slt, %add3A_1274, %lt3A_1275 : i32
      %convert_element_type3A_1277 = arith.extui %lt3A_1276 : i1 to i32
      %cond3A_1278 = arith.constant 0 : i32
      %cond3A_1279 = arith.cmpi ne, %convert_element_type3A_1277, %cond3A_1278 : i32
      scf.if %cond3A_1279 {
        %add3A_1400 = arith.constant 6 : i32
        %add3A_1401 = arith.addi %add3A_444, %add3A_1400 : i32
        %add3A_1402 = arith.constant 8 : i32
        %add3A_1403 = arith.addi %add3A_1401, %add3A_1402 : i32
        %jit3A_1404 = arith.constant 16 : i32
        %div3A_1405 = arith.divsi %add3A_1403, %jit3A_1404 : i32
        %sign3A_1406 = arith.constant 0 : i32
        %sign3A_1407 = arith.cmpi sgt, %add3A_1403, %sign3A_1406 : i32
        %sign3A_1408 = arith.extui %sign3A_1407 : i1 to i32
        %sign3A_1409 = arith.constant 0 : i32
        %sign3A_1410 = arith.cmpi slt, %add3A_1403, %sign3A_1409 : i32
        %sign3A_1411 = arith.extui %sign3A_1410 : i1 to i32
        %sign3A_1412 = arith.subi %sign3A_1408, %sign3A_1411 : i32
        %sign3A_1413 = arith.constant 0 : i32
        %sign3A_1414 = arith.cmpi sgt, %jit3A_1404, %sign3A_1413 : i32
        %sign3A_1415 = arith.extui %sign3A_1414 : i1 to i32
        %sign3A_1416 = arith.constant 0 : i32
        %sign3A_1417 = arith.cmpi slt, %jit3A_1404, %sign3A_1416 : i32
        %sign3A_1418 = arith.extui %sign3A_1417 : i1 to i32
        %sign3A_1419 = arith.subi %sign3A_1415, %sign3A_1418 : i32
        %ne3A_1420 = arith.cmpi ne, %sign3A_1412, %sign3A_1419 : i32
        %rem3A_1421 = arith.remsi %add3A_1403, %jit3A_1404 : i32
        %ne3A_1422 = arith.constant 0 : i32
        %ne3A_1423 = arith.cmpi ne, %rem3A_1421, %ne3A_1422 : i32
        %and3A_1424 = arith.andi %ne3A_1420, %ne3A_1423 : i1
        %sub3A_1425 = arith.constant 1 : i32
        %sub3A_1426 = arith.subi %div3A_1405, %sub3A_1425 : i32
        %select_n3A_1427 = arith.select %and3A_1424, %sub3A_1426, %div3A_1405 : i32
        %mul3A_1428 = arith.constant 16 : i32
        %mul3A_1429 = arith.muli %select_n3A_1427, %mul3A_1428 : i32
        %get3A_1430 = arith.index_cast %mul3A_1429 : i32 to index
        %get3A_1431 = tpu.vector_load %arg5[%get3A_1430] {strides = array<i32>} : memref<512xi32, #tpu.memory_space<vmem>>, vector<16xi32>,
        %jit3A_1432 = arith.constant 16 : i32
        %eq3A_1433 = arith.constant 0 : i32
        %eq3A_1434 = arith.cmpi eq, %jit3A_1432, %eq3A_1433 : i32
        %jit3A_1435 = arith.constant 1 : i32
        %select_n3A_1436 = arith.select %eq3A_1434, %jit3A_1435, %jit3A_1432 : i32
        %rem3A_1437 = arith.remsi %add3A_1403, %select_n3A_1436 : i32
        %ne3A_1438 = arith.constant 0 : i32
        %ne3A_1439 = arith.cmpi ne, %rem3A_1437, %ne3A_1438 : i32
        %lt3A_1440 = arith.constant 0 : i32
        %lt3A_1441 = arith.cmpi slt, %rem3A_1437, %lt3A_1440 : i32
        %lt3A_1442 = arith.constant 0 : i32
        %lt3A_1443 = arith.cmpi slt, %select_n3A_1436, %lt3A_1442 : i32
        %ne3A_1444 = arith.xori %lt3A_1441, %lt3A_1443 : i1
        %and3A_1445 = arith.andi %ne3A_1444, %ne3A_1439 : i1
        %add3A_1446 = arith.addi %rem3A_1437, %select_n3A_1436 : i32
        %select_n3A_1447 = arith.select %and3A_1445, %add3A_1446, %rem3A_1437 : i32
        %iota3A_1448 = tpu.iota {dimensions = array<i32: 0>} : vector<16xi32>
        %broadcast_in_dim3A_1449 = vector.broadcast %select_n3A_1447 : i32 to vector<16xi32>
        %eq3A_1450 = arith.cmpi eq, %iota3A_1448, %broadcast_in_dim3A_1449 : vector<16xi32>
        %jit3A_1451 = arith.constant 0 : i32
        %broadcast_in_dim3A_1452 = vector.broadcast %jit3A_1451 : i32 to vector<16xi32>
        %select_n3A_1453 = arith.select %eq3A_1450, %get3A_1431, %broadcast_in_dim3A_1452 : vector<16xi1>, vector<16xi32>
        %reduce_sum3A_1454 = arith.constant true
        %reduce_sum3A_1455 = vector.broadcast %reduce_sum3A_1454 : i1 to vector<16xi1>
        %reduce_sum3A_1456 = tpu.scan <sum>, %select_n3A_1453 masked %reduce_sum3A_1455 : vector<16xi32>, vector<16xi1> -> vector<16xi32>
        %reduce_sum3A_1457 = vector.extract %reduce_sum3A_1456[15] : i32 from vector<16xi32>
        %jit3A_1458 = arith.constant 128 : i32
        %div3A_1459 = arith.divsi %reduce_sum3A_1457, %jit3A_1458 : i32
        %sign3A_1460 = arith.constant 0 : i32
        %sign3A_1461 = arith.cmpi sgt, %reduce_sum3A_1457, %sign3A_1460 : i32
        %sign3A_1462 = arith.extui %sign3A_1461 : i1 to i32
        %sign3A_1463 = arith.constant 0 : i32
        %sign3A_1464 = arith.cmpi slt, %reduce_sum3A_1457, %sign3A_1463 : i32
        %sign3A_1465 = arith.extui %sign3A_1464 : i1 to i32
        %sign3A_1466 = arith.subi %sign3A_1462, %sign3A_1465 : i32
        %sign3A_1467 = arith.constant 0 : i32
        %sign3A_1468 = arith.cmpi sgt, %jit3A_1458, %sign3A_1467 : i32
        %sign3A_1469 = arith.extui %sign3A_1468 : i1 to i32
        %sign3A_1470 = arith.constant 0 : i32
        %sign3A_1471 = arith.cmpi slt, %jit3A_1458, %sign3A_1470 : i32
        %sign3A_1472 = arith.extui %sign3A_1471 : i1 to i32
        %sign3A_1473 = arith.subi %sign3A_1469, %sign3A_1472 : i32
        %ne3A_1474 = arith.cmpi ne, %sign3A_1466, %sign3A_1473 : i32
        %rem3A_1475 = arith.remsi %reduce_sum3A_1457, %jit3A_1458 : i32
        %ne3A_1476 = arith.constant 0 : i32
        %ne3A_1477 = arith.cmpi ne, %rem3A_1475, %ne3A_1476 : i32
        %and3A_1478 = arith.andi %ne3A_1474, %ne3A_1477 : i1
        %sub3A_1479 = arith.constant 1 : i32
        %sub3A_1480 = arith.subi %div3A_1459, %sub3A_1479 : i32
        %select_n3A_1481 = arith.select %and3A_1478, %sub3A_1480, %div3A_1459 : i32
        %mul3A_1482 = arith.constant 128 : i32
        %mul3A_1483 = arith.muli %select_n3A_1481, %mul3A_1482 : i32
        %multiple_of3A_1484 = tpu.assume_multiple %mul3A_1483, 128 : i32
        %dma_start3A_1485 = arith.constant 6 : i32
        %dma_start3A_1486 = arith.constant 6 : i32
        %dma_start3A_1487 = arith.constant 0 : i32
        %dma_start3A_1488 = arith.constant 0 : i32
        %dma_start3A_1489 = tpu.memref_slice %arg6[%dma_start3A_1485, %dma_start3A_1487, %dma_start3A_1488] : memref<8x32x128xf32, #tpu.memory_space<vmem>> -> memref<1x32x128xf32, #tpu.memory_space<vmem>>
        %dma_start3A_1490 = tpu.memref_squeeze %dma_start3A_1489 : memref<1x32x128xf32, #tpu.memory_space<vmem>> -> memref<32x128xf32, #tpu.memory_space<vmem>>
        %dma_start3A_1491 = arith.constant 0 : i32
        %dma_start3A_1492 = tpu.memref_slice %arg2[%dma_start3A_1491, %multiple_of3A_1484] : memref<32x1000000xf32, #tpu.memory_space<hbm>> -> memref<32x128xf32, #tpu.memory_space<hbm>>
        %dma_start3A_1493 = tpu.memref_slice %arg8[%dma_start3A_1486] : memref<8x!tpu.dma_semaphore, #tpu.memory_space<semaphore_mem>> -> memref<1x!tpu.dma_semaphore, #tpu.memory_space<semaphore_mem>>
        %dma_start3A_1494 = tpu.memref_squeeze %dma_start3A_1493 : memref<1x!tpu.dma_semaphore, #tpu.memory_space<semaphore_mem>> -> memref<!tpu.dma_semaphore, #tpu.memory_space<semaphore_mem>>
        %dma_start3A_1495 = arith.constant 0 : i32
        %dma_start3A_1496 = arith.constant 0 : i32
        %dma_start3A_1497 = tpu.memref_slice %arg6[%dma_start3A_1485, %dma_start3A_1495, %dma_start3A_1496] : memref<8x32x128xf32, #tpu.memory_space<vmem>> -> memref<1x32x128xf32, #tpu.memory_space<vmem>>
        %dma_start3A_1498 = tpu.memref_squeeze %dma_start3A_1497 : memref<1x32x128xf32, #tpu.memory_space<vmem>> -> memref<32x128xf32, #tpu.memory_space<vmem>>
        %dma_start3A_1499 = arith.constant 0 : i32
        %dma_start3A_1500 = tpu.memref_slice %arg2[%dma_start3A_1499, %multiple_of3A_1484] : memref<32x1000000xf32, #tpu.memory_space<hbm>> -> memref<32x128xf32, #tpu.memory_space<hbm>>
        tpu.enqueue_dma source(%dma_start3A_1500 : memref<32x128xf32, #tpu.memory_space<hbm>>) target(%dma_start3A_1498 : memref<32x128xf32, #tpu.memory_space<vmem>>) target_semaphore(%dma_start3A_1494 : memref<!tpu.dma_semaphore, #tpu.memory_space<semaphore_mem>>)
      } else {
      }
      %add3A_1280 = arith.constant 7 : i32
      %add3A_1281 = arith.addi %add3A_444, %add3A_1280 : i32
      %dma_wait3A_1282 = arith.constant 7 : i32
      %dma_wait3A_1283 = arith.constant 7 : i32
      %dma_wait3A_1284 = arith.constant 0 : i32
      %dma_wait3A_1285 = arith.constant 0 : i32
      %dma_wait3A_1286 = tpu.memref_slice %arg6[%dma_wait3A_1282, %dma_wait3A_1284, %dma_wait3A_1285] : memref<8x32x128xf32, #tpu.memory_space<vmem>> -> memref<1x32x128xf32, #tpu.memory_space<vmem>>
      %dma_wait3A_1287 = tpu.memref_squeeze %dma_wait3A_1286 : memref<1x32x128xf32, #tpu.memory_space<vmem>> -> memref<32x128xf32, #tpu.memory_space<vmem>>
      %dma_wait3A_1288 = arith.constant 0 : i32
      %dma_wait3A_1289 = arith.constant 0 : i32
      %dma_wait3A_1290 = tpu.memref_slice %arg2[%dma_wait3A_1288, %dma_wait3A_1289] : memref<32x1000000xf32, #tpu.memory_space<hbm>> -> memref<32x128xf32, #tpu.memory_space<hbm>>
      %dma_wait3A_1291 = tpu.memref_slice %arg8[%dma_wait3A_1283] : memref<8x!tpu.dma_semaphore, #tpu.memory_space<semaphore_mem>> -> memref<1x!tpu.dma_semaphore, #tpu.memory_space<semaphore_mem>>
      %dma_wait3A_1292 = tpu.memref_squeeze %dma_wait3A_1291 : memref<1x!tpu.dma_semaphore, #tpu.memory_space<semaphore_mem>> -> memref<!tpu.dma_semaphore, #tpu.memory_space<semaphore_mem>>
      %dma_wait3A_1293 = arith.constant 0 : i32
      %dma_wait3A_1294 = arith.constant 0 : i32
      %dma_wait3A_1295 = tpu.memref_slice %arg6[%dma_wait3A_1282, %dma_wait3A_1293, %dma_wait3A_1294] : memref<8x32x128xf32, #tpu.memory_space<vmem>> -> memref<1x32x128xf32, #tpu.memory_space<vmem>>
      %dma_wait3A_1296 = tpu.memref_squeeze %dma_wait3A_1295 : memref<1x32x128xf32, #tpu.memory_space<vmem>> -> memref<32x128xf32, #tpu.memory_space<vmem>>
      %dma_wait3A_1297 = arith.constant 0 : i32
      %dma_wait3A_1298 = arith.constant 0 : i32
      %dma_wait3A_1299 = tpu.memref_slice %arg2[%dma_wait3A_1297, %dma_wait3A_1298] : memref<32x1000000xf32, #tpu.memory_space<hbm>> -> memref<32x128xf32, #tpu.memory_space<hbm>>
      tpu.wait_dma2 semaphore(%dma_wait3A_1292 : memref<!tpu.dma_semaphore, #tpu.memory_space<semaphore_mem>>) src(%dma_wait3A_1299 : memref<32x128xf32, #tpu.memory_space<hbm>>) dst(%dma_wait3A_1296 : memref<32x128xf32, #tpu.memory_space<vmem>>)
      %jit3A_1300 = arith.constant 16 : i32
      %div3A_1301 = arith.divsi %add3A_1281, %jit3A_1300 : i32
      %sign3A_1302 = arith.constant 0 : i32
      %sign3A_1303 = arith.cmpi sgt, %add3A_1281, %sign3A_1302 : i32
      %sign3A_1304 = arith.extui %sign3A_1303 : i1 to i32
      %sign3A_1305 = arith.constant 0 : i32
      %sign3A_1306 = arith.cmpi slt, %add3A_1281, %sign3A_1305 : i32
      %sign3A_1307 = arith.extui %sign3A_1306 : i1 to i32
      %sign3A_1308 = arith.subi %sign3A_1304, %sign3A_1307 : i32
      %sign3A_1309 = arith.constant 0 : i32
      %sign3A_1310 = arith.cmpi sgt, %jit3A_1300, %sign3A_1309 : i32
      %sign3A_1311 = arith.extui %sign3A_1310 : i1 to i32
      %sign3A_1312 = arith.constant 0 : i32
      %sign3A_1313 = arith.cmpi slt, %jit3A_1300, %sign3A_1312 : i32
      %sign3A_1314 = arith.extui %sign3A_1313 : i1 to i32
      %sign3A_1315 = arith.subi %sign3A_1311, %sign3A_1314 : i32
      %ne3A_1316 = arith.cmpi ne, %sign3A_1308, %sign3A_1315 : i32
      %rem3A_1317 = arith.remsi %add3A_1281, %jit3A_1300 : i32
      %ne3A_1318 = arith.constant 0 : i32
      %ne3A_1319 = arith.cmpi ne, %rem3A_1317, %ne3A_1318 : i32
      %and3A_1320 = arith.andi %ne3A_1316, %ne3A_1319 : i1
      %sub3A_1321 = arith.constant 1 : i32
      %sub3A_1322 = arith.subi %div3A_1301, %sub3A_1321 : i32
      %select_n3A_1323 = arith.select %and3A_1320, %sub3A_1322, %div3A_1301 : i32
      %mul3A_1324 = arith.constant 16 : i32
      %mul3A_1325 = arith.muli %select_n3A_1323, %mul3A_1324 : i32
      %get3A_1326 = arith.index_cast %mul3A_1325 : i32 to index
      %get3A_1327 = tpu.vector_load %arg5[%get3A_1326] {strides = array<i32>} : memref<512xi32, #tpu.memory_space<vmem>>, vector<16xi32>,
      %jit3A_1328 = arith.constant 16 : i32
      %eq3A_1329 = arith.constant 0 : i32
      %eq3A_1330 = arith.cmpi eq, %jit3A_1328, %eq3A_1329 : i32
      %jit3A_1331 = arith.constant 1 : i32
      %select_n3A_1332 = arith.select %eq3A_1330, %jit3A_1331, %jit3A_1328 : i32
      %rem3A_1333 = arith.remsi %add3A_1281, %select_n3A_1332 : i32
      %ne3A_1334 = arith.constant 0 : i32
      %ne3A_1335 = arith.cmpi ne, %rem3A_1333, %ne3A_1334 : i32
      %lt3A_1336 = arith.constant 0 : i32
      %lt3A_1337 = arith.cmpi slt, %rem3A_1333, %lt3A_1336 : i32
      %lt3A_1338 = arith.constant 0 : i32
      %lt3A_1339 = arith.cmpi slt, %select_n3A_1332, %lt3A_1338 : i32
      %ne3A_1340 = arith.xori %lt3A_1337, %lt3A_1339 : i1
      %and3A_1341 = arith.andi %ne3A_1340, %ne3A_1335 : i1
      %add3A_1342 = arith.addi %rem3A_1333, %select_n3A_1332 : i32
      %select_n3A_1343 = arith.select %and3A_1341, %add3A_1342, %rem3A_1333 : i32
      %iota3A_1344 = tpu.iota {dimensions = array<i32: 0>} : vector<16xi32>
      %broadcast_in_dim3A_1345 = vector.broadcast %select_n3A_1343 : i32 to vector<16xi32>
      %eq3A_1346 = arith.cmpi eq, %iota3A_1344, %broadcast_in_dim3A_1345 : vector<16xi32>
      %jit3A_1347 = arith.constant 0 : i32
      %broadcast_in_dim3A_1348 = vector.broadcast %jit3A_1347 : i32 to vector<16xi32>
      %select_n3A_1349 = arith.select %eq3A_1346, %get3A_1327, %broadcast_in_dim3A_1348 : vector<16xi1>, vector<16xi32>
      %reduce_sum3A_1350 = arith.constant true
      %reduce_sum3A_1351 = vector.broadcast %reduce_sum3A_1350 : i1 to vector<16xi1>
      %reduce_sum3A_1352 = tpu.scan <sum>, %select_n3A_1349 masked %reduce_sum3A_1351 : vector<16xi32>, vector<16xi1> -> vector<16xi32>
      %reduce_sum3A_1353 = vector.extract %reduce_sum3A_1352[15] : i32 from vector<16xi32>
      %jit3A_1354 = arith.constant 128 : i32
      %eq3A_1355 = arith.constant 0 : i32
      %eq3A_1356 = arith.cmpi eq, %jit3A_1354, %eq3A_1355 : i32
      %jit3A_1357 = arith.constant 1 : i32
      %select_n3A_1358 = arith.select %eq3A_1356, %jit3A_1357, %jit3A_1354 : i32
      %rem3A_1359 = arith.remsi %reduce_sum3A_1353, %select_n3A_1358 : i32
      %ne3A_1360 = arith.constant 0 : i32
      %ne3A_1361 = arith.cmpi ne, %rem3A_1359, %ne3A_1360 : i32
      %lt3A_1362 = arith.constant 0 : i32
      %lt3A_1363 = arith.cmpi slt, %rem3A_1359, %lt3A_1362 : i32
      %lt3A_1364 = arith.constant 0 : i32
      %lt3A_1365 = arith.cmpi slt, %select_n3A_1358, %lt3A_1364 : i32
      %ne3A_1366 = arith.xori %lt3A_1363, %lt3A_1365 : i1
      %and3A_1367 = arith.andi %ne3A_1366, %ne3A_1361 : i1
      %add3A_1368 = arith.addi %rem3A_1359, %select_n3A_1358 : i32
      %select_n3A_1369 = arith.select %and3A_1367, %add3A_1368, %rem3A_1359 : i32
      %iota3A_1370 = tpu.iota {dimensions = array<i32: 0>} : vector<16xi32>
      %broadcast_in_dim3A_1371 = vector.broadcast %select_n3A_1369 : i32 to vector<16xi32>
      %broadcast_in_dim3A_1372 = vector.broadcast %add3A_1281 : i32 to vector<16xi32>
      %add3A_1373 = arith.constant 0 : i32
      %add3A_1374 = vector.broadcast %add3A_1373 : i32 to vector<16xi32>
      %add3A_1375 = arith.addi %iota3A_1370, %add3A_1374 : vector<16xi32>
      %gather3A_1376 = arith.constant 7 : i32
      %gather3A_1377 = arith.constant 0 : i32
      %gather3A_1378 = arith.constant 0 : i32
      %gather3A_1379 = tpu.memref_slice %arg6[%gather3A_1376, %gather3A_1377, %gather3A_1378] : memref<8x32x128xf32, #tpu.memory_space<vmem>> -> memref<1x32x128xf32, #tpu.memory_space<vmem>>
      %gather3A_1380 = tpu.memref_squeeze %gather3A_1379 : memref<1x32x128xf32, #tpu.memory_space<vmem>> -> memref<32x128xf32, #tpu.memory_space<vmem>>
      %gather3A_1381 = tpu.vector_load_idx %gather3A_1380[%add3A_1375, %broadcast_in_dim3A_1371] : memref<32x128xf32, #tpu.memory_space<vmem>>[vector<16xi32>, vector<16xi32>], vector<16xf32>,
      tpu.vector_store_idx %arg7[%add3A_1375, %broadcast_in_dim3A_1372], %gather3A_1381 : memref<32x512xf32, #tpu.memory_space<vmem>>[vector<16xi32>, vector<16xi32>], vector<16xf32>,
      %add3A_1382 = arith.constant 16 : i32
      %add3A_1383 = vector.broadcast %add3A_1382 : i32 to vector<16xi32>
      %add3A_1384 = arith.addi %iota3A_1370, %add3A_1383 : vector<16xi32>
      %gather3A_1385 = arith.constant 7 : i32
      %gather3A_1386 = arith.constant 0 : i32
      %gather3A_1387 = arith.constant 0 : i32
      %gather3A_1388 = tpu.memref_slice %arg6[%gather3A_1385, %gather3A_1386, %gather3A_1387] : memref<8x32x128xf32, #tpu.memory_space<vmem>> -> memref<1x32x128xf32, #tpu.memory_space<vmem>>
      %gather3A_1389 = tpu.memref_squeeze %gather3A_1388 : memref<1x32x128xf32, #tpu.memory_space<vmem>> -> memref<32x128xf32, #tpu.memory_space<vmem>>
      %gather3A_1390 = tpu.vector_load_idx %gather3A_1389[%add3A_1384, %broadcast_in_dim3A_1371] : memref<32x128xf32, #tpu.memory_space<vmem>>[vector<16xi32>, vector<16xi32>], vector<16xf32>,
      tpu.vector_store_idx %arg7[%add3A_1384, %broadcast_in_dim3A_1372], %gather3A_1390 : memref<32x512xf32, #tpu.memory_space<vmem>>[vector<16xi32>, vector<16xi32>], vector<16xf32>,
      %add3A_1391 = arith.constant 7 : i32
      %add3A_1392 = arith.addi %add3A_444, %add3A_1391 : i32
      %add3A_1393 = arith.constant 8 : i32
      %add3A_1394 = arith.addi %add3A_1392, %add3A_1393 : i32
      %lt3A_1395 = arith.constant 512 : i32
      %lt3A_1396 = arith.cmpi slt, %add3A_1394, %lt3A_1395 : i32
      %convert_element_type3A_1397 = arith.extui %lt3A_1396 : i1 to i32
      %cond3A_1398 = arith.constant 0 : i32
      %cond3A_1399 = arith.cmpi ne, %convert_element_type3A_1397, %cond3A_1398 : i32
      scf.if %cond3A_1399 {
        %add3A_1400 = arith.constant 7 : i32
        %add3A_1401 = arith.addi %add3A_444, %add3A_1400 : i32
        %add3A_1402 = arith.constant 8 : i32
        %add3A_1403 = arith.addi %add3A_1401, %add3A_1402 : i32
        %jit3A_1404 = arith.constant 16 : i32
        %div3A_1405 = arith.divsi %add3A_1403, %jit3A_1404 : i32
        %sign3A_1406 = arith.constant 0 : i32
        %sign3A_1407 = arith.cmpi sgt, %add3A_1403, %sign3A_1406 : i32
        %sign3A_1408 = arith.extui %sign3A_1407 : i1 to i32
        %sign3A_1409 = arith.constant 0 : i32
        %sign3A_1410 = arith.cmpi slt, %add3A_1403, %sign3A_1409 : i32
        %sign3A_1411 = arith.extui %sign3A_1410 : i1 to i32
        %sign3A_1412 = arith.subi %sign3A_1408, %sign3A_1411 : i32
        %sign3A_1413 = arith.constant 0 : i32
        %sign3A_1414 = arith.cmpi sgt, %jit3A_1404, %sign3A_1413 : i32
        %sign3A_1415 = arith.extui %sign3A_1414 : i1 to i32
        %sign3A_1416 = arith.constant 0 : i32
        %sign3A_1417 = arith.cmpi slt, %jit3A_1404, %sign3A_1416 : i32
        %sign3A_1418 = arith.extui %sign3A_1417 : i1 to i32
        %sign3A_1419 = arith.subi %sign3A_1415, %sign3A_1418 : i32
        %ne3A_1420 = arith.cmpi ne, %sign3A_1412, %sign3A_1419 : i32
        %rem3A_1421 = arith.remsi %add3A_1403, %jit3A_1404 : i32
        %ne3A_1422 = arith.constant 0 : i32
        %ne3A_1423 = arith.cmpi ne, %rem3A_1421, %ne3A_1422 : i32
        %and3A_1424 = arith.andi %ne3A_1420, %ne3A_1423 : i1
        %sub3A_1425 = arith.constant 1 : i32
        %sub3A_1426 = arith.subi %div3A_1405, %sub3A_1425 : i32
        %select_n3A_1427 = arith.select %and3A_1424, %sub3A_1426, %div3A_1405 : i32
        %mul3A_1428 = arith.constant 16 : i32
        %mul3A_1429 = arith.muli %select_n3A_1427, %mul3A_1428 : i32
        %get3A_1430 = arith.index_cast %mul3A_1429 : i32 to index
        %get3A_1431 = tpu.vector_load %arg5[%get3A_1430] {strides = array<i32>} : memref<512xi32, #tpu.memory_space<vmem>>, vector<16xi32>,
        %jit3A_1432 = arith.constant 16 : i32
        %eq3A_1433 = arith.constant 0 : i32
        %eq3A_1434 = arith.cmpi eq, %jit3A_1432, %eq3A_1433 : i32
        %jit3A_1435 = arith.constant 1 : i32
        %select_n3A_1436 = arith.select %eq3A_1434, %jit3A_1435, %jit3A_1432 : i32
        %rem3A_1437 = arith.remsi %add3A_1403, %select_n3A_1436 : i32
        %ne3A_1438 = arith.constant 0 : i32
        %ne3A_1439 = arith.cmpi ne, %rem3A_1437, %ne3A_1438 : i32
        %lt3A_1440 = arith.constant 0 : i32
        %lt3A_1441 = arith.cmpi slt, %rem3A_1437, %lt3A_1440 : i32
        %lt3A_1442 = arith.constant 0 : i32
        %lt3A_1443 = arith.cmpi slt, %select_n3A_1436, %lt3A_1442 : i32
        %ne3A_1444 = arith.xori %lt3A_1441, %lt3A_1443 : i1
        %and3A_1445 = arith.andi %ne3A_1444, %ne3A_1439 : i1
        %add3A_1446 = arith.addi %rem3A_1437, %select_n3A_1436 : i32
        %select_n3A_1447 = arith.select %and3A_1445, %add3A_1446, %rem3A_1437 : i32
        %iota3A_1448 = tpu.iota {dimensions = array<i32: 0>} : vector<16xi32>
        %broadcast_in_dim3A_1449 = vector.broadcast %select_n3A_1447 : i32 to vector<16xi32>
        %eq3A_1450 = arith.cmpi eq, %iota3A_1448, %broadcast_in_dim3A_1449 : vector<16xi32>
        %jit3A_1451 = arith.constant 0 : i32
        %broadcast_in_dim3A_1452 = vector.broadcast %jit3A_1451 : i32 to vector<16xi32>
        %select_n3A_1453 = arith.select %eq3A_1450, %get3A_1431, %broadcast_in_dim3A_1452 : vector<16xi1>, vector<16xi32>
        %reduce_sum3A_1454 = arith.constant true
        %reduce_sum3A_1455 = vector.broadcast %reduce_sum3A_1454 : i1 to vector<16xi1>
        %reduce_sum3A_1456 = tpu.scan <sum>, %select_n3A_1453 masked %reduce_sum3A_1455 : vector<16xi32>, vector<16xi1> -> vector<16xi32>
        %reduce_sum3A_1457 = vector.extract %reduce_sum3A_1456[15] : i32 from vector<16xi32>
        %jit3A_1458 = arith.constant 128 : i32
        %div3A_1459 = arith.divsi %reduce_sum3A_1457, %jit3A_1458 : i32
        %sign3A_1460 = arith.constant 0 : i32
        %sign3A_1461 = arith.cmpi sgt, %reduce_sum3A_1457, %sign3A_1460 : i32
        %sign3A_1462 = arith.extui %sign3A_1461 : i1 to i32
        %sign3A_1463 = arith.constant 0 : i32
        %sign3A_1464 = arith.cmpi slt, %reduce_sum3A_1457, %sign3A_1463 : i32
        %sign3A_1465 = arith.extui %sign3A_1464 : i1 to i32
        %sign3A_1466 = arith.subi %sign3A_1462, %sign3A_1465 : i32
        %sign3A_1467 = arith.constant 0 : i32
        %sign3A_1468 = arith.cmpi sgt, %jit3A_1458, %sign3A_1467 : i32
        %sign3A_1469 = arith.extui %sign3A_1468 : i1 to i32
        %sign3A_1470 = arith.constant 0 : i32
        %sign3A_1471 = arith.cmpi slt, %jit3A_1458, %sign3A_1470 : i32
        %sign3A_1472 = arith.extui %sign3A_1471 : i1 to i32
        %sign3A_1473 = arith.subi %sign3A_1469, %sign3A_1472 : i32
        %ne3A_1474 = arith.cmpi ne, %sign3A_1466, %sign3A_1473 : i32
        %rem3A_1475 = arith.remsi %reduce_sum3A_1457, %jit3A_1458 : i32
        %ne3A_1476 = arith.constant 0 : i32
        %ne3A_1477 = arith.cmpi ne, %rem3A_1475, %ne3A_1476 : i32
        %and3A_1478 = arith.andi %ne3A_1474, %ne3A_1477 : i1
        %sub3A_1479 = arith.constant 1 : i32
        %sub3A_1480 = arith.subi %div3A_1459, %sub3A_1479 : i32
        %select_n3A_1481 = arith.select %and3A_1478, %sub3A_1480, %div3A_1459 : i32
        %mul3A_1482 = arith.constant 128 : i32
        %mul3A_1483 = arith.muli %select_n3A_1481, %mul3A_1482 : i32
        %multiple_of3A_1484 = tpu.assume_multiple %mul3A_1483, 128 : i32
        %dma_start3A_1485 = arith.constant 7 : i32
        %dma_start3A_1486 = arith.constant 7 : i32
        %dma_start3A_1487 = arith.constant 0 : i32
        %dma_start3A_1488 = arith.constant 0 : i32
        %dma_start3A_1489 = tpu.memref_slice %arg6[%dma_start3A_1485, %dma_start3A_1487, %dma_start3A_1488] : memref<8x32x128xf32, #tpu.memory_space<vmem>> -> memref<1x32x128xf32, #tpu.memory_space<vmem>>
        %dma_start3A_1490 = tpu.memref_squeeze %dma_start3A_1489 : memref<1x32x128xf32, #tpu.memory_space<vmem>> -> memref<32x128xf32, #tpu.memory_space<vmem>>
        %dma_start3A_1491 = arith.constant 0 : i32
        %dma_start3A_1492 = tpu.memref_slice %arg2[%dma_start3A_1491, %multiple_of3A_1484] : memref<32x1000000xf32, #tpu.memory_space<hbm>> -> memref<32x128xf32, #tpu.memory_space<hbm>>
        %dma_start3A_1493 = tpu.memref_slice %arg8[%dma_start3A_1486] : memref<8x!tpu.dma_semaphore, #tpu.memory_space<semaphore_mem>> -> memref<1x!tpu.dma_semaphore, #tpu.memory_space<semaphore_mem>>
        %dma_start3A_1494 = tpu.memref_squeeze %dma_start3A_1493 : memref<1x!tpu.dma_semaphore, #tpu.memory_space<semaphore_mem>> -> memref<!tpu.dma_semaphore, #tpu.memory_space<semaphore_mem>>
        %dma_start3A_1495 = arith.constant 0 : i32
        %dma_start3A_1496 = arith.constant 0 : i32
        %dma_start3A_1497 = tpu.memref_slice %arg6[%dma_start3A_1485, %dma_start3A_1495, %dma_start3A_1496] : memref<8x32x128xf32, #tpu.memory_space<vmem>> -> memref<1x32x128xf32, #tpu.memory_space<vmem>>
        %dma_start3A_1498 = tpu.memref_squeeze %dma_start3A_1497 : memref<1x32x128xf32, #tpu.memory_space<vmem>> -> memref<32x128xf32, #tpu.memory_space<vmem>>
        %dma_start3A_1499 = arith.constant 0 : i32
        %dma_start3A_1500 = tpu.memref_slice %arg2[%dma_start3A_1499, %multiple_of3A_1484] : memref<32x1000000xf32, #tpu.memory_space<hbm>> -> memref<32x128xf32, #tpu.memory_space<hbm>>
        tpu.enqueue_dma source(%dma_start3A_1500 : memref<32x128xf32, #tpu.memory_space<hbm>>) target(%dma_start3A_1498 : memref<32x128xf32, #tpu.memory_space<vmem>>) target_semaphore(%dma_start3A_1494 : memref<!tpu.dma_semaphore, #tpu.memory_space<semaphore_mem>>)
      } else {
      }
    }
    %scan3A_439 = arith.constant 64 : i32
    "tpu.region"() ({
      %run_scoped3A = tpu.sem_alloc : memref<!tpu.dma_semaphore, #tpu.memory_space<semaphore_mem>>
      %dma_start3A_440 = arith.constant 0 : i32
      %dma_start3A_441 = tpu.memref_slice %arg4[%dma_start3A_440, %mul3A_2] : memref<32x16384xf32, #tpu.memory_space<hbm>> -> memref<32x512xf32, #tpu.memory_space<hbm>>
      %dma_start3A_442 = arith.constant 0 : i32
      %dma_start3A_443 = tpu.memref_slice %arg4[%dma_start3A_442, %mul3A_2] : memref<32x16384xf32, #tpu.memory_space<hbm>> -> memref<32x512xf32, #tpu.memory_space<hbm>>
      tpu.enqueue_dma source(%arg7 : memref<32x512xf32, #tpu.memory_space<vmem>>) target(%dma_start3A_443 : memref<32x512xf32, #tpu.memory_space<hbm>>) target_semaphore(%run_scoped3A : memref<!tpu.dma_semaphore, #tpu.memory_space<semaphore_mem>>)
      %dma_wait3A = arith.constant 0 : i32
      %dma_wait3A_444 = tpu.memref_slice %arg4[%dma_wait3A, %mul3A_2] : memref<32x16384xf32, #tpu.memory_space<hbm>> -> memref<32x512xf32, #tpu.memory_space<hbm>>
      %dma_wait3A_445 = arith.constant 0 : i32
      %dma_wait3A_446 = tpu.memref_slice %arg4[%dma_wait3A_445, %mul3A_2] : memref<32x16384xf32, #tpu.memory_space<hbm>> -> memref<32x512xf32, #tpu.memory_space<hbm>>
      tpu.wait_dma2 semaphore(%run_scoped3A : memref<!tpu.dma_semaphore, #tpu.memory_space<semaphore_mem>>) src(%arg7 : memref<32x512xf32, #tpu.memory_space<vmem>>) dst(%dma_wait3A_446 : memref<32x512xf32, #tpu.memory_space<hbm>>)
      tpu.yield
    }) : () -> ()
    return
  }
}

</mosaic_0001>

<sc_bundles>
// kernel: kernel.3.cloned.1.call-start
scs
__scs_entry_jumppad:
0x0: {  	(pc) =	sbr.rel $0x88, $3  }
0x1: {  	(tag) =	ssettag $0x0;
	lr =	simm.s32 $0x1  }
0x2: {  	[smem:$0x3F9F] =	sst lr;
	_ =	strace $0xD0000000  }
0x3: {  	_ = 	snop  }
0x4: {  	_ = 	snop  }
0x5: {  	_ = 	snop  }
0x6: {  	_ = 	snop  }
0x7: {  	_ = 	snop  }
__scs_overlays_trampoline_lowered:
0x8: {  	[smem:$0x3FAE] =	sst s0  }
0x9: {  	[smem:$0x3FAF] =	sst s1  }
0xa: {  	[smem:$0x3FB0] =	sst s2  }
0xb: {  	[smem:$0x3FB1] =	sst s3  }
0xc: {  	[smem:$0x3FB2] =	sst s4  }
0xd: {  	[smem:$0x3FB3] =	sst s5  }
0xe: {  	[smem:$0x3FB4] =	sst s6  }
0xf: {  	[smem:$0x3FB5] =	sst s7  }
0x10: {  	[smem:$0x3FB6] =	sst s8  }
0x11: {  	[smem:$0x3FB7] =	sst s9;
	s0 =	simm.s32 @!p0 $0x0  }
0x12: {  	s1 =	sld [smem:$0x3F9D];
	s0 =	simm.s32 @p0 $0x1  }
0x13: {  	[smem:$0x3FB8] =	sst s0;
	s0 =	simm.s32 @!p1 $0x0  }
0x14: {  	s2 =	sld [smem:$0x3F9C];
	s0 =	simm.s32 @p1 $0x1  }
0x15: {  	[smem:$0x3FB9] =	sst s0;
	s0 =	simm.s32 @!p2 $0x0  }
0x16: {  	s3 =	sld [smem:$0x3FDB];
	s0 =	simm.s32 @p2 $0x1  }
0x17: {  	s4 =	simm.s32 $0x1BF5;
	[smem:$0x3FBB] =	sst s0  }
0x18: {  	s0 =	sld [smem:$0x3F9E];
	_ =	swait.ge [sflag:s4], $0x0  }
0x19: {  	s7 =	sld [smem:$0x3F9F]  }
0x1a: {  	s8 =	sadd.s32 $0xFFFFE003, lr  }
0x1b: {  	s9 =	sadd.s32 $0xFFFFFEF7, lr;
	s5 =	simm.s32 $0xFFFFFFFF;
	p2 =	slt.u32 s8, $0xFFFFF086  }
0x1c: {  	p1 =	slt.u32 s9, $0xF7A;
	s5 =	simm.s32 @!p2 $0x0  }
0x1d: {  	s5 =	simm.s32 @p1 $0x1;
	p0 =	seq.s32 s7, s2  }
0x1e: {  	s7 =	smul.u32 @!p0 $0xF7A, s2;
	p2 =	seq.s32 @!p0 s5, $0x0  }
0x1f: {  	s9 =	smul.u32 $0xF7A, s1;
	s8 =	simm.s32 @!p0 $0x1BF5;
	p2 =	por !p2, p0  }
0x20: {  	[sflag:s8] =	ssyncset.s32 @!p0 $0xFFFFF086;
	s6 =	sadd.s32 @!p0 s3, s7;
	s7 =	simm.s32 @!p0 $0x108  }
0x21: {  	s3 =	sadd.s32 s3, s9;
	s6 =	sadd.s32 @!p0 $0x88, s6;
	s7 =	simm.s32 @p2 $0x1082  }
0x22: {  	[simem:s7], [sflag:s8] =	dma.local @!p0 [hbm:s6], $0xF7A  }
0x23: {  	s9 =	sor.u32 $0xD0000000, s2;
	s6 =	simm.s32 $0x108;
	_ =	swait.ge @!p0 [sflag:s8], $0x0  }
0x24: {  	s3 =	sadd.s32 $0x88, s3;
	s6 =	simm.s32 @!p1 $0x1082;
	[sflag:s4] =	ssyncset.s32 $0xFFFFF086  }
0x25: {  	[simem:s6], [sflag:s4] =	dma.local [hbm:s3], $0xF7A  }
0x26: {  	[smem:$0x3F9F] =	sst s1;
	(tag) =	ssettag s2;
	_ =	strace s9  }
0x27: {  	s1 =	sld [smem:$0x3FAF]  }
0x28: {  	s2 =	sld [smem:$0x3FB0]  }
0x29: {  	s4 =	sld [smem:$0x3FB2]  }
0x2a: {  	p0 =	seq.s32 s5, $0x0;
	s5 =	sld [smem:$0x3FB3]  }
0x2b: {  	s6 =	sld [smem:$0x3FB4]  }
0x2c: {  	s7 =	sld [smem:$0x3FB5]  }
0x2d: {  	s3 =	simm.s32 $0x108;
	s8 =	sld [smem:$0x3FB6]  }
0x2e: {  	s3 =	simm.s32 @!p0 $0x1082;
	s9 =	sld [smem:$0x3FB7]  }
0x2f: {  	lr =	sadd.s32 s0, s3;
	s0 =	sld [smem:$0x3FAE]  }
0x30: {  	s3 =	sld [smem:$0x3FB1]  }
0x31: {  	[smem:$0x3FBA] =	sst s10  }
0x32: {  	s10 =	sld [smem:$0x3FB8];
	_ =	sdelay $0x3  }
0x33: {  	p0 =	seq.s32 s10, $0x1;
	s10 =	sld [smem:$0x3FBA];
	_ =	sdelay $0x3  }
0x34: {  	[smem:$0x3FBA] =	sst s10  }
0x35: {  	s10 =	sld [smem:$0x3FB9];
	_ =	sdelay $0x3  }
0x36: {  	p1 =	seq.s32 s10, $0x1;
	s10 =	sld [smem:$0x3FBA];
	_ =	sdelay $0x3  }
0x37: {  	[smem:$0x3FBA] =	sst s10  }
0x38: {  	s10 =	sld [smem:$0x3FBB]  }
0x39: {  	_ = 	snop;
	(pc) =	sbr.ind lr, $3  }
0x3a: {  	_ = 	snop  }
0x3b: {  	_ = 	snop  }
0x3c: {  	p2 =	seq.s32 s10, $0x1;
	s10 =	sld [smem:$0x3FBA]  }
0x3d: {  	_ =	shalt  }
0x3e: {  	_ =	shalt  }
0x3f: {  	_ =	shalt  }
0x40: {  	_ =	shalt  }
0x41: {  	_ =	shalt  }
0x42: {  	_ =	shalt  }
0x43: {  	_ =	shalt  }
0x44: {  	_ =	shalt  }
0x45: {  	_ =	shalt  }
0x46: {  	_ =	shalt  }
0x47: {  	_ =	shalt  }
0x48: {  	_ =	shalt  }
0x49: {  	_ =	shalt  }
0x4a: {  	_ =	shalt  }
0x4b: {  	_ =	shalt  }
0x4c: {  	_ =	shalt  }
0x4d: {  	_ =	shalt  }
0x4e: {  	_ =	shalt  }
0x4f: {  	_ =	shalt  }
0x50: {  	_ =	shalt  }
0x51: {  	_ =	shalt  }
0x52: {  	_ =	shalt  }
0x53: {  	_ =	shalt  }
0x54: {  	_ =	shalt  }
0x55: {  	_ =	shalt  }
0x56: {  	_ =	shalt  }
0x57: {  	_ =	shalt  }
0x58: {  	_ =	shalt  }
0x59: {  	_ =	shalt  }
0x5a: {  	_ =	shalt  }
0x5b: {  	_ =	shalt  }
0x5c: {  	_ =	shalt  }
0x5d: {  	_ =	shalt  }
0x5e: {  	_ =	shalt  }
0x5f: {  	_ =	shalt  }
0x60: {  	_ =	shalt  }
0x61: {  	_ =	shalt  }
0x62: {  	_ =	shalt  }
0x63: {  	_ =	shalt  }
0x64: {  	_ =	shalt  }
0x65: {  	_ =	shalt  }
0x66: {  	_ =	shalt  }
0x67: {  	_ =	shalt  }
0x68: {  	_ =	shalt  }
0x69: {  	_ =	shalt  }
0x6a: {  	_ =	shalt  }
0x6b: {  	_ =	shalt  }
0x6c: {  	_ =	shalt  }
0x6d: {  	_ =	shalt  }
0x6e: {  	_ =	shalt  }
0x6f: {  	_ =	shalt  }
0x70: {  	_ =	shalt  }
0x71: {  	_ =	shalt  }
0x72: {  	_ =	shalt  }
0x73: {  	_ =	shalt  }
0x74: {  	_ =	shalt  }
0x75: {  	_ =	shalt  }
0x76: {  	_ =	shalt  }
0x77: {  	_ =	shalt  }
0x78: {  	_ =	shalt  }
0x79: {  	_ =	shalt  }
0x7a: {  	_ =	shalt  }
0x7b: {  	_ =	shalt  }
0x7c: {  	_ =	shalt  }
0x7d: {  	_ =	shalt  }
0x7e: {  	_ =	shalt  }
0x7f: {  	_ =	shalt  }
0x80: {  	_ =	shalt  }
0x81: {  	_ =	shalt  }
0x82: {  	_ =	shalt  }
0x83: {  	_ =	shalt  }
0x84: {  	_ =	shalt  }
0x85: {  	_ =	shalt  }
0x86: {  	_ =	shalt  }
0x87: {  	_ =	shalt  }
.Lfunc_end0:
.L_simem_size_0:
called_computation_lowered:
.L_overlay_start_0:
0x88: {  	s2 =	sld [smem:$0x3FD9]  }
0x89: {  	s3 =	sld [smem:$0x3FFE];
	_ =	sdelay $0x1  }
0x8a: {  	s1 =	srdreg.scid  }
0x8b: {  	s0 =	sand.u32 $0x1, s1  }
0x8c: {  	s18 =	sshll.u32 s0, $0xA;
	s2 =	sadd.s32 s3, s2  }
0x8d: {  	s2 =	sadd.s32 s2, s18  }
0x8e: {  	[smem:$0x3FC6] =	sst s2  }
0x8f: {  	_ = 	snop  }
0x90: {  	s2 =	sld [smem:$0x3FC9]  }
0x91: {  	s19 =	sld [smem:$0x3FC8]  }
0x92: {  	s4 =	sld [smem:$0x3FD0];
	(tm) =	ssettm $0x1  }
0x93: {  	s5 =	sld [smem:$0x3FFB];
	_ =	sdelay $0x3  }
0x94: {  	_ =	strace s5  }
0x95: {  	s5 =	sld [smem:$0x3FFC];
	_ =	sdelay $0x3  }
0x96: {  	_ =	strace s5  }
0x97: {  	s5 =	sld [smem:$0x3FFD];
	_ =	sdelay $0x3  }
0x98: {  	_ =	strace s5  }
0x99: {  	_ =	strace $0x8FFFFFFF  }
0x9a: {  	s20 =	sld [smem:$0x3FDB];
	_ =	sdelay $0x1  }
0x9b: {  	s6 =	simm.s32 $_scs_section_size  }
0x9c: {  	s7 =	simm.s32 $_size__tile_overlayer_lowered;
	s8 =	simm.s32 $_tile_overlayer_lowered  }
0x9d: {  	s23 =	simm.s32 $0x1BFF;
	s22 =	sshll.u32 s8, $0x1;
	s5 =	sadd.s32 s6, s20  }
0x9e: {  	s9 =	simm.s32 $0x0;
	s21 =	sshll.u32 s7, $0x1;
	s7 =	sadd.s32 s22, s5  }
0x9f: {  	[timem:s9], [sflag:s23] =	dma.local [hbm:s7], s21  }
0xa0: {  	_ =	swait.ge [sflag:s23], s21  }
0xa1: {  	s6 =	ssub.s32 $0x0, s21;
	[sflag:s23] =	ssyncset.done $0x0  }
0xa2: {  	[sflag:s23] =	ssyncadd.s32 s6;
	_ =	sdelay $0x1  }
0xa3: {  	s24 =	simm.s32 $0x1B8B  }
0xa4: {  	_ =	swait.ge [sflag:s24], $0x1  }
0xa5: {  	[sflag:s24] =	ssyncset.done $0x0  }
0xa6: {  	s25 =	simm.s32 $0x1B8E;
	[sflag:s24] =	ssyncadd.s32 $0xFFFFFFFF  }
0xa7: {  	s26 =	simm.s32 $execute0_lowered;
	[smem:$0x3FD2] =	sst s25  }
0xa8: {  	s6 =	sshll.u32 s26, $0x1;
	_ =	strace $0x80000046;
	[dreg:$0x1] =	wrdreg $0xFFFFFFFF  }
0xa9: {  	s28 =	simm.s32 $_size_execute0_lowered;
	s5 =	sadd.s32 s5, s6;
	[dreg:$0x0] =	wrdreg $0x0  }
0xaa: {  	s6 =	sshll.u32 s28, $0x1;
	[dreg:$0x2] =	wrdreg s5  }
0xab: {  	[dreg:$0x3] =	wrdreg s6  }
0xac: {  	[dreg:$0x4] =	wrdreg $0xC0  }
0xad: {  	_ =	task [dreg:s9], $0x5FFFF  }
0xae: {  	[dreg:$0x1] =	wrdreg $0xFFFFFFFF  }
0xaf: {  	[dreg:$0x0] =	wrdreg $0x60  }
0xb0: {  	[dreg:$0x2] =	wrdreg s19  }
0xb1: {  	[dreg:$0x3] =	wrdreg s2  }
0xb2: {  	[dreg:$0x4] =	wrdreg s4  }
0xb3: {  	[dreg:$0x5] =	wrdreg $0x9  }
0xb4: {  	_ =	task.clear_ibuf [dreg:s9], $0x6FFFF;
	_ =	strace $0x90000046  }
0xb5: {  	s29 =	simm.s32 $0x9;
	_ =	strace $0x80000048  }
0xb6: {  	_ =	swait.ge [sflag:s29], $0x1  }
0xb7: {  	[sflag:s29] =	ssyncadd.s32 $0xFFFFFFFF  }
0xb8: {  	_ =	strace $0x90000048  }
0xb9: {  	_ =	sfence  }
0xba: {  	s30 =	sld [smem:$0x0];
	_ =	sdelay $0x2  }
0xbb: {  	s31 =	sshll.u32 s1, $0xD;
	s1 =	sshrl.u32 s1, $0x2  }
0xbc: {  	s3 =	sand.u32 $0x4000, s31;
	s1 =	sadd.s32 s1, s30  }
0xbd: {  	s0 =	sor.u32 s3, s0;
	s1 =	sshll.u32 s1, $0x11  }
0xbe: {  	s0 =	sor.u32 s1, s0  }
0xbf: {  	s0 =	sadd.s32 $0x8F2B, s0  }
0xc0: {  	[sflag:s0] =	ssyncadd.remote.s32 $0x1  }
0xc1: {  	_ =	sfence.sel $0xFFFF  }
0xc2: {  	[dreg:$0x0] =	wrdreg $0xFFFFFFFF;
	(pc) =	sbr.abs _section_cstart, $3  }
0xc3: {  	[dreg:$0x1] =	wrdreg $0xFFFFFFFF  }
0xc4: {  	_ =	task.clear_ibuf [dreg:s9], $0x2FFFF;
	_ =	strace $0x9FFFFFFF  }
0xc5: {  	(tm) =	ssettm $0x7FFFFFFF  }
tec
execute0_lowered:
.L_overlay_start_1:
0x0: {  	(tag) =	ssettag $0x1  }
0x1: {  	vm0 =	vmmov $0x1  }
0x2: {  	vm1 =	vcmask $0x308;
	vm2 =	vcmask $0x70C;
	vm3 =	vcmask $0xB10  }
0x3: {  	vm4 =	vcmask $0xF14;
	vm5 =	vcmask $0x1318;
	v0 =	vlaneseq.u32  }
0x4: {  	v2 =	vimm.s32 $0x1380;
	vm6 =	vcmask $0x300;
	vm7 =	vcmask $0x704  }
0x5: {  	s0 =	rddreg [dreg:$0x0];
	v3 =	vimm.s32 $0x3380;
	vm8 =	vcmask $0x3B38;
	v1 =	vmul.u32 $0x80, v0  }
0x6: {  	s1 =	rddreg [dreg:$0x1];
	v2 =	vsel vm6, $0x0, v2;
	v3 =	vsel vm6, $0x2000, v3;
	vm6 =	vcmask $0xB08  }
0x7: {  	s2 =	rddreg [dreg:$0x2];
	s3 =	srdreg.scid;
	v2 =	vsel vm7, $0x80, v2;
	v3 =	vsel vm7, $0x2080, v3;
	vm7 =	vcmask $0xF0C  }
0x8: {  	s4 =	stileid.u32;
	s6 =	simm.s32 $0x0;
	s7 =	simm.s32 $0x9;
	v2 =	vsel vm6, $0x100, v2;
	v3 =	vsel vm6, $0x2100, v3;
	vm6 =	vcmask $0x1310  }
0x9: {  	s8 =	simm.s32 $0x400;
	s9 =	simm.s32 $0x1;
	s10 =	simm.s32 $0x7A1400;
	v4 =	vor.u32 $0x800, v1;
	v2 =	vsel vm7, $0x180, v2;
	v3 =	vsel vm7, $0x2180, v3  }
0xa: {  	s11 =	simm.s32 $0x200;
	s12 =	simm.s32 $0x1200;
	s13 =	simm.s32 $0x2200;
	vm7 =	vcmask $0x1714;
	v2 =	vsel vm6, $0x200, v2;
	v3 =	vsel vm6, $0x2200, v3  }
0xb: {  	s14 =	simm.s32 $0x3200;
	s15 =	simm.s32 $0x4200;
	s16 =	simm.s32 $0x5200;
	vm6 =	vcmask $0x1B18;
	v2 =	vsel vm7, $0x280, v2;
	v3 =	vsel vm7, $0x2280, v3  }
0xc: {  	s17 =	simm.s32 $0x6200;
	s18 =	simm.s32 $0x7200;
	s19 =	simm.s32 $0x8200;
	vm7 =	vcmask $0x1F1C;
	v2 =	vsel vm6, $0x300, v2;
	v3 =	vsel vm6, $0x2300, v3  }
0xd: {  	s20 =	simm.s32 $0x2;
	s21 =	simm.s32 $0x3;
	s22 =	simm.s32 $0x4;
	vm6 =	vcmask $0x2320;
	v2 =	vsel vm7, $0x380, v2;
	v3 =	vsel vm7, $0x2380, v3  }
0xe: {  	s23 =	simm.s32 $0x5;
	s24 =	simm.s32 $0x6;
	s25 =	simm.s32 $0x7;
	vm7 =	vcmask $0x2724;
	v2 =	vsel vm6, $0x1000, v2;
	v3 =	vsel vm6, $0x3000, v3  }
0xf: {  	s26 =	simm.s32 $0x8;
	s3 =	sand.u32 $0x1, s3;
	s4 =	sshll.u32 s4, $0xA;
	vm6 =	vcmask $0x2B28;
	v2 =	vsel vm7, $0x1080, v2;
	v3 =	vsel vm7, $0x3080, v3  }
.Ltmp0:
0x10: {  	[smem:$0x7FF] =	sst s6;
	s5 =	sshll.u32 s3, $0x9;
	vm7 =	vcmask $0x2F2C;
	v2 =	vsel vm6, $0x1100, v2;
	v3 =	vsel vm6, $0x3100, v3;
	(pc) =	sbr.rel .LBB2_1-.Ltmp0, $4  }
0x11: {  	s3 =	ssub.s32 $0x2, s3;
	_ =	strace $0x80000047;
	s5 =	sor.u32 s5, s4;
	vm6 =	vcmask $0x3330;
	v2 =	vsel vm7, $0x1180, v2;
	v3 =	vsel vm7, $0x3180, v3  }
0x12: {  	s28 =	sshrl.u32 s3, $0x1;
	s29 =	sshrl.u32 s5, $0x3;
	s31 =	sadd.s32 s2, s5;
	vm7 =	vcmask $0x3734;
	v2 =	vsel vm6, $0x1200, v2;
	v3 =	vsel vm6, $0x3200, v3  }
0x13: {  	s3 =	ssub.s32 s3, s28;
	s1 =	sadd.s32 s1, s29;
	[dreg:$0x5] =	wrdreg s31;
	vm6 =	vcmask $0x171C;
	v2 =	vsel vm7, $0x1280, v2;
	v3 =	vsel vm7, $0x3280, v3  }
0x14: {  	s30 =	simm.s32 $0x0;
	s6 =	smax.u32 s3, $0x1;
	[dreg:$0x4] =	wrdreg s1;
	vm7 =	vcmask $0x1B20;
	v2 =	vsel vm8, $0x1300, v2;
	v3 =	vsel vm8, $0x3300, v3  }
.LBB2_4:
0x15: {  	s30 =	sadd.s32 $0x1, s30  }
0x16: {  	s1 =	rddreg [dreg:$0x5];
	p0 =	sne.s32 s30, s6  }
.Ltmp1:
0x17: {  	s2 =	simm.s32 $0x1000;
	s3 =	simm.s32 $0x20000;
	(pc) =	sbr.rel @!p0 .LBB2_5-.Ltmp1, $4  }
0x18: {  	[hbm4b:s1+s2] =	stream.strided.scatter [tilespmem:s19], [sflag:$0x9], $0x4000, s3, s2, $0x38;
	[tilespmem:$0xC200] =	vst v63  }
0x19: {  	_ =	swait.ge [sflag:s7], $0x4000  }
0x1a: {  	[sflag:s7] =	ssyncset.done $0x0  }
0x1b: {  	[sflag:s7] =	ssyncadd.s32 $0xFFFFC000  }
.LBB2_1:
0x1c: {  	s1 =	simm.s32 $0x0;
	s2 =	rddreg [dreg:$0x4]  }
0x1d: {  	[tilespmem:s1], [sflag:$0x9] =	stream.linear.gather [hbm4b:s2+s1], $0x200, $0x38;
	[tilespmem:$0xC200] =	vst v63  }
0x1e: {  	_ =	swait.ge [sflag:s7], $0x200  }
0x1f: {  	[sflag:s7] =	ssyncset.done $0x0  }
0x20: {  	[sflag:s7] =	ssyncadd.s32 $0xFFFFFE00  }
0x21: {  	v5 =	vld [tilespmem:$0x0];
	_ =	sdelay $0x4  }
0x22: {  	v5 =	vnsel vm0, $0x0, v5  }
0x23: {  	(xrf0) =	vadd.scan.msk.s32 $0xffff, v5;
	_ =	sdelay $0x5  }
0x24: {  	v5, _, _ =	vpop (xrf0)  }
0x25: {  	(v2sf) =	vpush v5, $0xF;
	_ =	sdelay $0xe  }
0x26: {  	s4 =	spop (v2sf)  }
0x27: {  	s5 =	sand.u32 $0x7F, s4  }
0x28: {  	s28 =	sshra.s32 s4, $0x1F;
	p1 =	slt.s32 s4, $0x1;
	p0 =	sne.s32 s5, $0x0  }
0x29: {  	s2 =	sshrl.u32 s28, $0x19;
	p0 =	por !p1, !p0  }
0x2a: {  	s1 =	sadd.s32 s2, s4;
	s2 =	simm.s32 $0x1;
	p0 =	por !p0, !p0  }
0x2b: {  	s1 =	sshrl.u32 s1, $0x7;
	s2 =	simm.s32 @!p0 $0x0  }
0x2c: {  	s1 =	ssub.s32 s1, s2  }
0x2d: {  	s1 =	sshll.u32 s1, $0x7  }
0x2e: {  	s1 =	sand.u32 $0x1FFFFF80, s1  }
0x2f: {  	s1 =	sadd.s32 s0, s1  }
0x30: {  	[tilespmem:s11], [sflag:$0x1] =	stream.strided.gather [hbm4b:s1+s8], $0x1000, s10, s8, $0x38;
	[tilespmem:$0xC200] =	vst v63  }
0x31: {  	v5 =	vld [tilespmem:$0x0];
	_ =	sdelay $0x4  }
0x32: {  	v5 =	vsel vm1, $0x0, v5  }
0x33: {  	(xrf0) =	vadd.scan.msk.s32 $0xffff, v5;
	_ =	sdelay $0x5  }
0x34: {  	v5, _, _ =	vpop (xrf0)  }
0x35: {  	(v2sf) =	vpush v5, $0xF;
	_ =	sdelay $0xe  }
0x36: {  	s29 =	spop (v2sf)  }
0x37: {  	s3 =	sand.u32 $0x7F, s29  }
0x38: {  	s4 =	sshra.s32 s29, $0x1F;
	p6 =	slt.s32 s29, $0x1;
	p5 =	sne.s32 s3, $0x0  }
0x39: {  	s2 =	sshrl.u32 s4, $0x19;
	p0 =	por !p6, !p5  }
0x3a: {  	s1 =	sadd.s32 s2, s29;
	s2 =	simm.s32 $0x1;
	p0 =	por !p0, !p0  }
0x3b: {  	s1 =	sshrl.u32 s1, $0x7;
	s2 =	simm.s32 @!p0 $0x0  }
0x3c: {  	s1 =	ssub.s32 s1, s2  }
0x3d: {  	s1 =	sshll.u32 s1, $0x7  }
0x3e: {  	s1 =	sand.u32 $0x1FFFFF80, s1  }
0x3f: {  	s1 =	sadd.s32 s0, s1  }
0x40: {  	[tilespmem:s12], [sflag:$0x2] =	stream.strided.gather [hbm4b:s1+s8], $0x1000, s10, s8, $0x38;
	[tilespmem:$0xC200] =	vst v63  }
0x41: {  	v5 =	vld [tilespmem:$0x0];
	_ =	sdelay $0x4  }
0x42: {  	v5 =	vsel vm2, $0x0, v5  }
0x43: {  	(xrf0) =	vadd.scan.msk.s32 $0xffff, v5;
	_ =	sdelay $0x5  }
0x44: {  	v5, _, _ =	vpop (xrf0)  }
0x45: {  	(v2sf) =	vpush v5, $0xF;
	_ =	sdelay $0xe  }
0x46: {  	s5 =	spop (v2sf)  }
0x47: {  	s28 =	sand.u32 $0x7F, s5  }
0x48: {  	s29 =	sshra.s32 s5, $0x1F;
	p2 =	slt.s32 s5, $0x1;
	p1 =	sne.s32 s28, $0x0  }
0x49: {  	s2 =	sshrl.u32 s29, $0x19;
	p0 =	por !p2, !p1  }
0x4a: {  	s1 =	sadd.s32 s2, s5;
	s2 =	simm.s32 $0x1;
	p0 =	por !p0, !p0  }
0x4b: {  	s1 =	sshrl.u32 s1, $0x7;
	s2 =	simm.s32 @!p0 $0x0  }
0x4c: {  	s1 =	ssub.s32 s1, s2  }
0x4d: {  	s1 =	sshll.u32 s1, $0x7  }
0x4e: {  	s1 =	sand.u32 $0x1FFFFF80, s1  }
0x4f: {  	s1 =	sadd.s32 s0, s1  }
0x50: {  	[tilespmem:s13], [sflag:$0x3] =	stream.strided.gather [hbm4b:s1+s8], $0x1000, s10, s8, $0x38;
	[tilespmem:$0xC200] =	vst v63  }
0x51: {  	v5 =	vld [tilespmem:$0x0];
	_ =	sdelay $0x4  }
0x52: {  	v5 =	vsel vm3, $0x0, v5  }
0x53: {  	(xrf0) =	vadd.scan.msk.s32 $0xffff, v5;
	_ =	sdelay $0x5  }
0x54: {  	v5, _, _ =	vpop (xrf0)  }
0x55: {  	(v2sf) =	vpush v5, $0xF;
	_ =	sdelay $0xe  }
0x56: {  	s3 =	spop (v2sf)  }
0x57: {  	s4 =	sand.u32 $0x7F, s3  }
0x58: {  	s5 =	sshra.s32 s3, $0x1F;
	p4 =	slt.s32 s3, $0x1;
	p3 =	sne.s32 s4, $0x0  }
0x59: {  	s2 =	sshrl.u32 s5, $0x19;
	p0 =	por !p4, !p3  }
0x5a: {  	s1 =	sadd.s32 s2, s3;
	s2 =	simm.s32 $0x1;
	p0 =	por !p0, !p0  }
0x5b: {  	s1 =	sshrl.u32 s1, $0x7;
	s2 =	simm.s32 @!p0 $0x0  }
0x5c: {  	s1 =	ssub.s32 s1, s2  }
0x5d: {  	s1 =	sshll.u32 s1, $0x7  }
0x5e: {  	s1 =	sand.u32 $0x1FFFFF80, s1  }
0x5f: {  	s1 =	sadd.s32 s0, s1  }
0x60: {  	[tilespmem:s14], [sflag:$0x4] =	stream.strided.gather [hbm4b:s1+s8], $0x1000, s10, s8, $0x38;
	[tilespmem:$0xC200] =	vst v63  }
0x61: {  	v5 =	vld [tilespmem:$0x0];
	_ =	sdelay $0x4  }
0x62: {  	v5 =	vsel vm4, $0x0, v5  }
0x63: {  	(xrf0) =	vadd.scan.msk.s32 $0xffff, v5;
	_ =	sdelay $0x5  }
0x64: {  	v5, _, _ =	vpop (xrf0)  }
0x65: {  	(v2sf) =	vpush v5, $0xF;
	_ =	sdelay $0xe  }
0x66: {  	s28 =	spop (v2sf)  }
0x67: {  	s29 =	sand.u32 $0x7F, s28  }
0x68: {  	s3 =	sshra.s32 s28, $0x1F;
	p6 =	slt.s32 s28, $0x1;
	p5 =	sne.s32 s29, $0x0  }
0x69: {  	s2 =	sshrl.u32 s3, $0x19;
	p0 =	por !p6, !p5  }
0x6a: {  	s1 =	sadd.s32 s2, s28;
	s2 =	simm.s32 $0x1;
	p0 =	por !p0, !p0  }
0x6b: {  	s1 =	sshrl.u32 s1, $0x7;
	s2 =	simm.s32 @!p0 $0x0  }
0x6c: {  	s1 =	ssub.s32 s1, s2  }
0x6d: {  	s1 =	sshll.u32 s1, $0x7  }
0x6e: {  	s1 =	sand.u32 $0x1FFFFF80, s1  }
0x6f: {  	s1 =	sadd.s32 s0, s1  }
0x70: {  	[tilespmem:s15], [sflag:$0x5] =	stream.strided.gather [hbm4b:s1+s8], $0x1000, s10, s8, $0x38;
	[tilespmem:$0xC200] =	vst v63  }
0x71: {  	v5 =	vld [tilespmem:$0x0];
	_ =	sdelay $0x4  }
0x72: {  	v5 =	vsel vm5, $0x0, v5  }
0x73: {  	(xrf0) =	vadd.scan.msk.s32 $0xffff, v5;
	_ =	sdelay $0x5  }
0x74: {  	v5, _, _ =	vpop (xrf0)  }
0x75: {  	(v2sf) =	vpush v5, $0xF;
	_ =	sdelay $0xe  }
0x76: {  	s4 =	spop (v2sf)  }
0x77: {  	s5 =	sand.u32 $0x7F, s4  }
0x78: {  	s28 =	sshra.s32 s4, $0x1F;
	p2 =	slt.s32 s4, $0x1;
	p1 =	sne.s32 s5, $0x0  }
0x79: {  	s2 =	sshrl.u32 s28, $0x19;
	p0 =	por !p2, !p1  }
0x7a: {  	s1 =	sadd.s32 s2, s4;
	s2 =	simm.s32 $0x1;
	p0 =	por !p0, !p0  }
0x7b: {  	s1 =	sshrl.u32 s1, $0x7;
	s2 =	simm.s32 @!p0 $0x0  }
0x7c: {  	s1 =	ssub.s32 s1, s2  }
0x7d: {  	s1 =	sshll.u32 s1, $0x7  }
0x7e: {  	s1 =	sand.u32 $0x1FFFFF80, s1  }
0x7f: {  	s1 =	sadd.s32 s0, s1  }
0x80: {  	[tilespmem:s16], [sflag:$0x6] =	stream.strided.gather [hbm4b:s1+s8], $0x1000, s10, s8, $0x38;
	[tilespmem:$0xC200] =	vst v63  }
0x81: {  	v5 =	vld [tilespmem:$0x0];
	_ =	sdelay $0x4  }
0x82: {  	v5 =	vsel vm6, $0x0, v5  }
0x83: {  	(xrf0) =	vadd.scan.msk.s32 $0xffff, v5;
	_ =	sdelay $0x5  }
0x84: {  	v5, _, _ =	vpop (xrf0)  }
0x85: {  	(v2sf) =	vpush v5, $0xF;
	_ =	sdelay $0xe  }
0x86: {  	s29 =	spop (v2sf)  }
0x87: {  	s3 =	sand.u32 $0x7F, s29  }
0x88: {  	s4 =	sshra.s32 s29, $0x1F;
	p4 =	slt.s32 s29, $0x1;
	p3 =	sne.s32 s3, $0x0  }
0x89: {  	s2 =	sshrl.u32 s4, $0x19;
	p0 =	por !p4, !p3  }
0x8a: {  	s1 =	sadd.s32 s2, s29;
	s2 =	simm.s32 $0x1;
	p0 =	por !p0, !p0  }
0x8b: {  	s1 =	sshrl.u32 s1, $0x7;
	s2 =	simm.s32 @!p0 $0x0  }
0x8c: {  	s1 =	ssub.s32 s1, s2  }
0x8d: {  	s1 =	sshll.u32 s1, $0x7  }
0x8e: {  	s1 =	sand.u32 $0x1FFFFF80, s1  }
0x8f: {  	s1 =	sadd.s32 s0, s1  }
0x90: {  	[tilespmem:s17], [sflag:$0x7] =	stream.strided.gather [hbm4b:s1+s8], $0x1000, s10, s8, $0x38;
	[tilespmem:$0xC200] =	vst v63  }
0x91: {  	v5 =	vld [tilespmem:$0x0];
	_ =	sdelay $0x4  }
0x92: {  	v5 =	vsel vm7, $0x0, v5  }
0x93: {  	(xrf0) =	vadd.scan.msk.s32 $0xffff, v5;
	_ =	sdelay $0x5  }
0x94: {  	v5, _, _ =	vpop (xrf0)  }
0x95: {  	(v2sf) =	vpush v5, $0xF;
	_ =	sdelay $0xe  }
0x96: {  	s5 =	spop (v2sf)  }
0x97: {  	s28 =	sand.u32 $0x7F, s5  }
0x98: {  	s29 =	sshra.s32 s5, $0x1F;
	p6 =	slt.s32 s5, $0x1;
	p5 =	sne.s32 s28, $0x0  }
0x99: {  	s2 =	sshrl.u32 s29, $0x19;
	p0 =	por !p6, !p5  }
0x9a: {  	s1 =	sadd.s32 s2, s5;
	s2 =	simm.s32 $0x1;
	p0 =	por !p0, !p0  }
0x9b: {  	s1 =	sshrl.u32 s1, $0x7;
	s2 =	simm.s32 @!p0 $0x0  }
0x9c: {  	s1 =	ssub.s32 s1, s2  }
0x9d: {  	s1 =	sshll.u32 s1, $0x7  }
0x9e: {  	s1 =	sand.u32 $0x1FFFFF80, s1  }
0x9f: {  	s1 =	sadd.s32 s0, s1  }
0xa0: {  	[tilespmem:s18], [sflag:$0x8] =	stream.strided.gather [hbm4b:s1+s8], $0x1000, s10, s8, $0x38;
	[tilespmem:$0xC200] =	vst v63  }
0xa1: {  	s31 =	simm.s32 $0x3C;
	s1 =	simm.s32 $0x0  }
.LBB2_2:
0xa2: {  	_ =	swait.ge [sflag:s9], $0x1000;
	s2 =	sadd.s32 $0xFFFFFFC4, s31  }
0xa3: {  	[sflag:s9] =	ssyncset.done $0x0;
	s2 =	sand.u32 $0x7C0, s2  }
0xa4: {  	[sflag:s9] =	ssyncadd.s32 $0xFFFFF000;
	s2 =	sshrl.u32 s2, $0x2  }
0xa5: {  	v5 =	vld [tilespmem:s2+$0x0];
	_ =	sdelay $0x1  }
0xa6: {  	s3 =	sand.u32 $0x8, s1  }
0xa7: {  	v6 =	vmov s3  }
0xa8: {  	vm8 =	veq.s32 v6, v0  }
0xa9: {  	v5 =	vnsel vm8, $0x0, v5  }
0xaa: {  	(xrf0) =	vadd.scan.msk.s32 $0xffff, v5;
	_ =	sdelay $0x5  }
0xab: {  	v5, _, _ =	vpop (xrf0)  }
0xac: {  	(v2sf) =	vpush v5, $0xF;
	_ =	sdelay $0xe  }
0xad: {  	s4 =	spop (v2sf)  }
0xae: {  	s3 =	sand.u32 $0x7F, s4  }
0xaf: {  	v5 =	vor.u32 s3, v1  }
0xb0: {  	v6 =	vmov s1  }
0xb1: {  	v7 =	vshll.u32 v6, $0x3  }
0xb2: {  	v6 =	vand.u32 $0x78, v6;
	v7 =	vand.u32 $0xC00, v7  }
0xb3: {  	v6 =	vor.u32 v6, v7  }
0xb4: {  	v7 =	vor.u32 v2, v6;
	v5 =	vld.idx.msk [tilespmem:v5+s11+$0x0], $0xffff  }
0xb5: {  	v8 =	vor.u32 s3, v4;
	_ =	sdelay $0x3  }
0xb6: {  	[tilespmem:v7+s19+$0x0] =	vst.idx.msk $0xffff, v5  }
0xb7: {  	v6 =	vor.u32 v3, v6;
	v5 =	vld.idx.msk [tilespmem:v8+s11+$0x0], $0xffff;
	_ =	sdelay $0x1  }
0xb8: {  	p0 =	seq.s32 s1, $0x1F8  }
0xb9: {  	s3 =	sadd.s32 @!p0 $0xFFFFFFE4, s31  }
0xba: {  	s3 =	sand.u32 @!p0 $0xFC0, s3  }
0xbb: {  	s3 =	sshrl.u32 @!p0 s3, $0x2;
	[tilespmem:v6+s19+$0x0] =	vst.idx.msk $0xffff, v5  }
0xbc: {  	v6 =	vld @!p0 [tilespmem:s3+$0x0]  }
0xbd: {  	s3 =	sxor.u32 @!p0 $0xFFFFFFFF, s1  }
0xbe: {  	s3 =	sand.u32 @!p0 $0x8, s3  }
0xbf: {  	v5 =	vlaneseq.u32 @!p0;
	v7 =	vmov @!p0 s3  }
0xc0: {  	vm8 =	veq.s32 @!p0 v7, v5  }
0xc1: {  	v6 =	vnsel @!p0 vm8, $0x0, v6  }
0xc2: {  	(xrf0) =	vadd.scan.msk.s32 @!p0 $0xffff, v6;
	_ =	sdelay $0x5  }
0xc3: {  	v6, _, _ =	vpop @!p0 (xrf0)  }
0xc4: {  	(v2sf) =	vpush @!p0 v6, $0xF;
	_ =	sdelay $0xe  }
0xc5: {  	s3 =	spop @!p0 (v2sf)  }
0xc6: {  	s28 =	sand.u32 @!p0 $0x7F, s3  }
0xc7: {  	p1 =	slt.s32 @!p0 s3, $0x1;
	p2 =	sne.s32 @!p0 s28, $0x0  }
0xc8: {  	s28 =	sshra.s32 @!p0 s3, $0x1F;
	p1 =	por @!p0 !p1, !p2  }
0xc9: {  	s28 =	sshrl.u32 @!p0 s28, $0x19;
	p1 =	por @!p0 !p1, !p1  }
0xca: {  	s3 =	sadd.s32 @!p0 s28, s3;
	s28 =	simm.s32 @!p0 $0x1;
	p1 =	por !p1, p0  }
0xcb: {  	s3 =	sshrl.u32 @!p0 s3, $0x7;
	s28 =	simm.s32 @p1 $0x0  }
0xcc: {  	s3 =	ssub.s32 @!p0 s3, s28  }
0xcd: {  	s3 =	sshll.u32 @!p0 s3, $0x7  }
0xce: {  	s4 =	simm.s32 @!p0 $0x200;
	s3 =	sand.u32 @!p0 $0x1FFFFF80, s3  }
0xcf: {  	s28 =	simm.s32 @!p0 $0x7A1400;
	s29 =	sadd.s32 @!p0 s0, s3;
	s3 =	simm.s32 @!p0 $0x400  }
0xd0: {  	[tilespmem:s4], [sflag:$0x1] =	stream.strided.gather @!p0 [hbm4b:s29+s3], $0x1000, s28, s3, $0x38;
	[tilespmem:$0xC200] =	vst v63  }
0xd1: {  	_ =	swait.ge [sflag:s20], $0x1000  }
0xd2: {  	[sflag:s20] =	ssyncset.done $0x0  }
0xd3: {  	[sflag:s20] =	ssyncadd.s32 $0xFFFFF000  }
0xd4: {  	v6 =	vld [tilespmem:s2+$0x0]  }
0xd5: {  	s4 =	sadd.s32 $0x1, s1  }
0xd6: {  	s5 =	sand.u32 $0x9, s4  }
0xd7: {  	v7 =	vmov s5  }
0xd8: {  	vm8 =	veq.s32 v7, v0  }
0xd9: {  	v6 =	vnsel vm8, $0x0, v6  }
0xda: {  	(xrf0) =	vadd.scan.msk.s32 $0xffff, v6;
	_ =	sdelay $0x5  }
0xdb: {  	v6, _, _ =	vpop (xrf0)  }
0xdc: {  	(v2sf) =	vpush v6, $0xF;
	_ =	sdelay $0xe  }
0xdd: {  	s5 =	spop (v2sf)  }
0xde: {  	s29 =	sand.u32 $0x7F, s5  }
0xdf: {  	v6 =	vor.u32 s29, v1  }
0xe0: {  	v7 =	vmov s4  }
0xe1: {  	v52 =	vshll.u32 v7, $0x3  }
0xe2: {  	v7 =	vand.u32 $0x79, v7;
	v8 =	vand.u32 $0xC00, v52  }
0xe3: {  	v7 =	vor.u32 v7, v8  }
0xe4: {  	v8 =	vor.u32 v2, v7;
	v6 =	vld.idx.msk [tilespmem:v6+s12+$0x0], $0xffff  }
0xe5: {  	v9 =	vor.u32 s29, v4;
	_ =	sdelay $0x3  }
0xe6: {  	[tilespmem:v8+s19+$0x0] =	vst.idx.msk $0xffff, v6  }
0xe7: {  	v7 =	vor.u32 v3, v7;
	v6 =	vld.idx.msk [tilespmem:v9+s12+$0x0], $0xffff;
	_ =	sdelay $0x2  }
0xe8: {  	s4 =	sadd.s32 @!p0 $0xFFFFFFE8, s31  }
0xe9: {  	s4 =	sand.u32 @!p0 $0xFC0, s4  }
0xea: {  	s4 =	sshrl.u32 @!p0 s4, $0x2;
	[tilespmem:v7+s19+$0x0] =	vst.idx.msk $0xffff, v6  }
0xeb: {  	v6 =	vld @!p0 [tilespmem:s4+$0x0]  }
0xec: {  	s4 =	sadd.s32 @!p0 $0x9, s1  }
0xed: {  	s4 =	sand.u32 @!p0 $0x9, s4  }
0xee: {  	v7 =	vmov @!p0 s4  }
0xef: {  	vm8 =	veq.s32 @!p0 v7, v5  }
0xf0: {  	v6 =	vnsel @!p0 vm8, $0x0, v6  }
0xf1: {  	(xrf0) =	vadd.scan.msk.s32 @!p0 $0xffff, v6;
	_ =	sdelay $0x5  }
0xf2: {  	v6, _, _ =	vpop @!p0 (xrf0)  }
0xf3: {  	(v2sf) =	vpush @!p0 v6, $0xF;
	_ =	sdelay $0xe  }
0xf4: {  	s4 =	spop @!p0 (v2sf)  }
0xf5: {  	s29 =	sand.u32 @!p0 $0x7F, s4  }
0xf6: {  	p1 =	slt.s32 @!p0 s4, $0x1;
	p2 =	sne.s32 @!p0 s29, $0x0  }
0xf7: {  	s29 =	sshra.s32 @!p0 s4, $0x1F;
	p1 =	por @!p0 !p1, !p2  }
0xf8: {  	s29 =	sshrl.u32 @!p0 s29, $0x19;
	p1 =	por @!p0 !p1, !p1  }
0xf9: {  	s4 =	sadd.s32 @!p0 s29, s4;
	s29 =	simm.s32 @!p0 $0x1;
	p1 =	por !p1, p0  }
0xfa: {  	s4 =	sshrl.u32 @!p0 s4, $0x7;
	s29 =	simm.s32 @p1 $0x0  }
0xfb: {  	s4 =	ssub.s32 @!p0 s4, s29  }
0xfc: {  	s4 =	sshll.u32 @!p0 s4, $0x7  }
0xfd: {  	s4 =	sand.u32 @!p0 $0x1FFFFF80, s4  }
0xfe: {  	s29 =	simm.s32 @!p0 $0x1200;
	s4 =	sadd.s32 @!p0 s0, s4  }
0xff: {  	[tilespmem:s29], [sflag:$0x2] =	stream.strided.gather @!p0 [hbm4b:s4+s3], $0x1000, s28, s3, $0x38;
	[tilespmem:$0xC200] =	vst v63  }
0x100: {  	_ =	swait.ge [sflag:s21], $0x1000  }
0x101: {  	[sflag:s21] =	ssyncset.done $0x0  }
0x102: {  	[sflag:s21] =	ssyncadd.s32 $0xFFFFF000  }
0x103: {  	v6 =	vld [tilespmem:s2+$0x0]  }
0x104: {  	s4 =	sadd.s32 $0x2, s1  }
0x105: {  	s5 =	sand.u32 $0xA, s4  }
0x106: {  	v7 =	vmov s5  }
0x107: {  	vm8 =	veq.s32 v7, v0  }
0x108: {  	v6 =	vnsel vm8, $0x0, v6  }
0x109: {  	(xrf0) =	vadd.scan.msk.s32 $0xffff, v6;
	_ =	sdelay $0x5  }
0x10a: {  	v6, _, _ =	vpop (xrf0)  }
0x10b: {  	(v2sf) =	vpush v6, $0xF;
	_ =	sdelay $0xe  }
0x10c: {  	s5 =	spop (v2sf)  }
0x10d: {  	s29 =	sand.u32 $0x7F, s5  }
0x10e: {  	v6 =	vor.u32 s29, v1  }
0x10f: {  	v7 =	vmov s4  }
0x110: {  	v53 =	vshll.u32 v7, $0x3  }
0x111: {  	v7 =	vand.u32 $0x7A, v7;
	v8 =	vand.u32 $0xC00, v53  }
0x112: {  	v7 =	vor.u32 v7, v8  }
0x113: {  	v8 =	vor.u32 v2, v7;
	v6 =	vld.idx.msk [tilespmem:v6+s13+$0x0], $0xffff  }
0x114: {  	v54 =	vor.u32 s29, v4;
	_ =	sdelay $0x3  }
0x115: {  	[tilespmem:v8+s19+$0x0] =	vst.idx.msk $0xffff, v6  }
0x116: {  	v7 =	vor.u32 v3, v7;
	v6 =	vld.idx.msk [tilespmem:v54+s13+$0x0], $0xffff;
	_ =	sdelay $0x2  }
0x117: {  	s4 =	sadd.s32 @!p0 $0xFFFFFFEC, s31  }
0x118: {  	s4 =	sand.u32 @!p0 $0xFC0, s4  }
0x119: {  	s4 =	sshrl.u32 @!p0 s4, $0x2;
	[tilespmem:v7+s19+$0x0] =	vst.idx.msk $0xffff, v6  }
0x11a: {  	v6 =	vld @!p0 [tilespmem:s4+$0x0]  }
0x11b: {  	s4 =	sadd.s32 @!p0 $0xA, s1  }
0x11c: {  	s4 =	sand.u32 @!p0 $0xA, s4  }
0x11d: {  	v7 =	vmov @!p0 s4  }
0x11e: {  	vm8 =	veq.s32 @!p0 v7, v5  }
0x11f: {  	v6 =	vnsel @!p0 vm8, $0x0, v6  }
0x120: {  	(xrf0) =	vadd.scan.msk.s32 @!p0 $0xffff, v6;
	_ =	sdelay $0x5  }
0x121: {  	v6, _, _ =	vpop @!p0 (xrf0)  }
0x122: {  	(v2sf) =	vpush @!p0 v6, $0xF;
	_ =	sdelay $0xe  }
0x123: {  	s4 =	spop @!p0 (v2sf)  }
0x124: {  	s29 =	sand.u32 @!p0 $0x7F, s4  }
0x125: {  	p1 =	slt.s32 @!p0 s4, $0x1;
	p2 =	sne.s32 @!p0 s29, $0x0  }
0x126: {  	s29 =	sshra.s32 @!p0 s4, $0x1F;
	p1 =	por @!p0 !p1, !p2  }
0x127: {  	s29 =	sshrl.u32 @!p0 s29, $0x19;
	p1 =	por @!p0 !p1, !p1  }
0x128: {  	s4 =	sadd.s32 @!p0 s29, s4;
	s29 =	simm.s32 @!p0 $0x1;
	p1 =	por !p1, p0  }
0x129: {  	s4 =	sshrl.u32 @!p0 s4, $0x7;
	s29 =	simm.s32 @p1 $0x0  }
0x12a: {  	s4 =	ssub.s32 @!p0 s4, s29  }
0x12b: {  	s4 =	sshll.u32 @!p0 s4, $0x7  }
0x12c: {  	s4 =	sand.u32 @!p0 $0x1FFFFF80, s4  }
0x12d: {  	s29 =	simm.s32 @!p0 $0x2200;
	s4 =	sadd.s32 @!p0 s0, s4  }
0x12e: {  	[tilespmem:s29], [sflag:$0x3] =	stream.strided.gather @!p0 [hbm4b:s4+s3], $0x1000, s28, s3, $0x38;
	[tilespmem:$0xC200] =	vst v63  }
0x12f: {  	_ =	swait.ge [sflag:s22], $0x1000  }
0x130: {  	[sflag:s22] =	ssyncset.done $0x0  }
0x131: {  	[sflag:s22] =	ssyncadd.s32 $0xFFFFF000  }
0x132: {  	v6 =	vld [tilespmem:s2+$0x0]  }
0x133: {  	s4 =	sadd.s32 $0x3, s1  }
0x134: {  	s5 =	sand.u32 $0xB, s4  }
0x135: {  	v7 =	vmov s5  }
0x136: {  	vm8 =	veq.s32 v7, v0  }
0x137: {  	v6 =	vnsel vm8, $0x0, v6  }
0x138: {  	(xrf0) =	vadd.scan.msk.s32 $0xffff, v6;
	_ =	sdelay $0x5  }
0x139: {  	v6, _, _ =	vpop (xrf0)  }
0x13a: {  	(v2sf) =	vpush v6, $0xF;
	_ =	sdelay $0xe  }
0x13b: {  	s5 =	spop (v2sf)  }
0x13c: {  	s29 =	sand.u32 $0x7F, s5  }
0x13d: {  	v6 =	vor.u32 s29, v1  }
0x13e: {  	v7 =	vmov s4  }
0x13f: {  	v55 =	vshll.u32 v7, $0x3  }
0x140: {  	v7 =	vand.u32 $0x7B, v7;
	v8 =	vand.u32 $0xC00, v55  }
0x141: {  	v7 =	vor.u32 v7, v8  }
0x142: {  	v8 =	vor.u32 v2, v7;
	v6 =	vld.idx.msk [tilespmem:v6+s14+$0x0], $0xffff  }
0x143: {  	v56 =	vor.u32 s29, v4;
	_ =	sdelay $0x3  }
0x144: {  	[tilespmem:v8+s19+$0x0] =	vst.idx.msk $0xffff, v6  }
0x145: {  	v7 =	vor.u32 v3, v7;
	v6 =	vld.idx.msk [tilespmem:v56+s14+$0x0], $0xffff;
	_ =	sdelay $0x2  }
0x146: {  	s4 =	sadd.s32 @!p0 $0xFFFFFFF0, s31  }
0x147: {  	s4 =	sand.u32 @!p0 $0xFC0, s4  }
0x148: {  	s4 =	sshrl.u32 @!p0 s4, $0x2;
	[tilespmem:v7+s19+$0x0] =	vst.idx.msk $0xffff, v6  }
0x149: {  	v6 =	vld @!p0 [tilespmem:s4+$0x0]  }
0x14a: {  	s4 =	sadd.s32 @!p0 $0xB, s1  }
0x14b: {  	s4 =	sand.u32 @!p0 $0xB, s4  }
0x14c: {  	v7 =	vmov @!p0 s4  }
0x14d: {  	vm8 =	veq.s32 @!p0 v7, v5  }
0x14e: {  	v6 =	vnsel @!p0 vm8, $0x0, v6  }
0x14f: {  	(xrf0) =	vadd.scan.msk.s32 @!p0 $0xffff, v6;
	_ =	sdelay $0x5  }
0x150: {  	v6, _, _ =	vpop @!p0 (xrf0)  }
0x151: {  	(v2sf) =	vpush @!p0 v6, $0xF;
	_ =	sdelay $0xe  }
0x152: {  	s4 =	spop @!p0 (v2sf)  }
0x153: {  	s29 =	sand.u32 @!p0 $0x7F, s4  }
0x154: {  	p1 =	slt.s32 @!p0 s4, $0x1;
	p2 =	sne.s32 @!p0 s29, $0x0  }
0x155: {  	s29 =	sshra.s32 @!p0 s4, $0x1F;
	p1 =	por @!p0 !p1, !p2  }
0x156: {  	s29 =	sshrl.u32 @!p0 s29, $0x19;
	p1 =	por @!p0 !p1, !p1  }
0x157: {  	s4 =	sadd.s32 @!p0 s29, s4;
	s29 =	simm.s32 @!p0 $0x1;
	p1 =	por !p1, p0  }
0x158: {  	s4 =	sshrl.u32 @!p0 s4, $0x7;
	s29 =	simm.s32 @p1 $0x0  }
0x159: {  	s4 =	ssub.s32 @!p0 s4, s29  }
0x15a: {  	s4 =	sshll.u32 @!p0 s4, $0x7  }
0x15b: {  	s4 =	sand.u32 @!p0 $0x1FFFFF80, s4  }
0x15c: {  	s29 =	simm.s32 @!p0 $0x3200;
	s4 =	sadd.s32 @!p0 s0, s4  }
0x15d: {  	[tilespmem:s29], [sflag:$0x4] =	stream.strided.gather @!p0 [hbm4b:s4+s3], $0x1000, s28, s3, $0x38;
	[tilespmem:$0xC200] =	vst v63  }
0x15e: {  	_ =	swait.ge [sflag:s23], $0x1000  }
0x15f: {  	[sflag:s23] =	ssyncset.done $0x0  }
0x160: {  	[sflag:s23] =	ssyncadd.s32 $0xFFFFF000  }
0x161: {  	v6 =	vld [tilespmem:s2+$0x0]  }
0x162: {  	s4 =	sadd.s32 $0x4, s1  }
0x163: {  	s5 =	sand.u32 $0xC, s4  }
0x164: {  	v7 =	vmov s5  }
0x165: {  	vm8 =	veq.s32 v7, v0  }
0x166: {  	v6 =	vnsel vm8, $0x0, v6  }
0x167: {  	(xrf0) =	vadd.scan.msk.s32 $0xffff, v6;
	_ =	sdelay $0x5  }
0x168: {  	v6, _, _ =	vpop (xrf0)  }
0x169: {  	(v2sf) =	vpush v6, $0xF;
	_ =	sdelay $0xe  }
0x16a: {  	s5 =	spop (v2sf)  }
0x16b: {  	s29 =	sand.u32 $0x7F, s5  }
0x16c: {  	v6 =	vor.u32 s29, v1  }
0x16d: {  	v7 =	vmov s4  }
0x16e: {  	v57 =	vshll.u32 v7, $0x3  }
0x16f: {  	v7 =	vand.u32 $0x7C, v7;
	v8 =	vand.u32 $0xC00, v57  }
0x170: {  	v7 =	vor.u32 v7, v8  }
0x171: {  	v8 =	vor.u32 v2, v7;
	v6 =	vld.idx.msk [tilespmem:v6+s15+$0x0], $0xffff  }
0x172: {  	v58 =	vor.u32 s29, v4;
	_ =	sdelay $0x3  }
0x173: {  	[tilespmem:v8+s19+$0x0] =	vst.idx.msk $0xffff, v6  }
0x174: {  	v7 =	vor.u32 v3, v7;
	v6 =	vld.idx.msk [tilespmem:v58+s15+$0x0], $0xffff;
	_ =	sdelay $0x2  }
0x175: {  	s4 =	sadd.s32 @!p0 $0xFFFFFFF4, s31  }
0x176: {  	s4 =	sand.u32 @!p0 $0xFC0, s4  }
0x177: {  	s4 =	sshrl.u32 @!p0 s4, $0x2;
	[tilespmem:v7+s19+$0x0] =	vst.idx.msk $0xffff, v6  }
0x178: {  	v6 =	vld @!p0 [tilespmem:s4+$0x0]  }
0x179: {  	s4 =	sadd.s32 @!p0 $0xC, s1  }
0x17a: {  	s4 =	sand.u32 @!p0 $0xC, s4  }
0x17b: {  	v7 =	vmov @!p0 s4  }
0x17c: {  	vm8 =	veq.s32 @!p0 v7, v5  }
0x17d: {  	v6 =	vnsel @!p0 vm8, $0x0, v6  }
0x17e: {  	(xrf0) =	vadd.scan.msk.s32 @!p0 $0xffff, v6;
	_ =	sdelay $0x5  }
0x17f: {  	v6, _, _ =	vpop @!p0 (xrf0)  }
0x180: {  	(v2sf) =	vpush @!p0 v6, $0xF;
	_ =	sdelay $0xe  }
0x181: {  	s4 =	spop @!p0 (v2sf)  }
0x182: {  	s29 =	sand.u32 @!p0 $0x7F, s4  }
0x183: {  	p1 =	slt.s32 @!p0 s4, $0x1;
	p2 =	sne.s32 @!p0 s29, $0x0  }
0x184: {  	s29 =	sshra.s32 @!p0 s4, $0x1F;
	p1 =	por @!p0 !p1, !p2  }
0x185: {  	s29 =	sshrl.u32 @!p0 s29, $0x19;
	p1 =	por @!p0 !p1, !p1  }
0x186: {  	s4 =	sadd.s32 @!p0 s29, s4;
	s29 =	simm.s32 @!p0 $0x1;
	p1 =	por !p1, p0  }
0x187: {  	s4 =	sshrl.u32 @!p0 s4, $0x7;
	s29 =	simm.s32 @p1 $0x0  }
0x188: {  	s4 =	ssub.s32 @!p0 s4, s29  }
0x189: {  	s4 =	sshll.u32 @!p0 s4, $0x7  }
0x18a: {  	s4 =	sand.u32 @!p0 $0x1FFFFF80, s4  }
0x18b: {  	s29 =	simm.s32 @!p0 $0x4200;
	s4 =	sadd.s32 @!p0 s0, s4  }
0x18c: {  	[tilespmem:s29], [sflag:$0x5] =	stream.strided.gather @!p0 [hbm4b:s4+s3], $0x1000, s28, s3, $0x38;
	[tilespmem:$0xC200] =	vst v63  }
0x18d: {  	_ =	swait.ge [sflag:s24], $0x1000  }
0x18e: {  	[sflag:s24] =	ssyncset.done $0x0  }
0x18f: {  	[sflag:s24] =	ssyncadd.s32 $0xFFFFF000  }
0x190: {  	v6 =	vld [tilespmem:s2+$0x0]  }
0x191: {  	s4 =	sadd.s32 $0x5, s1  }
0x192: {  	s5 =	sand.u32 $0xD, s4  }
0x193: {  	v7 =	vmov s5  }
0x194: {  	vm8 =	veq.s32 v7, v0  }
0x195: {  	v6 =	vnsel vm8, $0x0, v6  }
0x196: {  	(xrf0) =	vadd.scan.msk.s32 $0xffff, v6;
	_ =	sdelay $0x5  }
0x197: {  	v6, _, _ =	vpop (xrf0)  }
0x198: {  	(v2sf) =	vpush v6, $0xF;
	_ =	sdelay $0xe  }
0x199: {  	s5 =	spop (v2sf)  }
0x19a: {  	s29 =	sand.u32 $0x7F, s5  }
0x19b: {  	v6 =	vor.u32 s29, v1  }
0x19c: {  	v7 =	vmov s4  }
0x19d: {  	v59 =	vshll.u32 v7, $0x3  }
0x19e: {  	v7 =	vand.u32 $0x7D, v7;
	v8 =	vand.u32 $0xC00, v59  }
0x19f: {  	v7 =	vor.u32 v7, v8  }
0x1a0: {  	v8 =	vor.u32 v2, v7;
	v6 =	vld.idx.msk [tilespmem:v6+s16+$0x0], $0xffff  }
0x1a1: {  	v60 =	vor.u32 s29, v4;
	_ =	sdelay $0x3  }
0x1a2: {  	[tilespmem:v8+s19+$0x0] =	vst.idx.msk $0xffff, v6  }
0x1a3: {  	v7 =	vor.u32 v3, v7;
	v6 =	vld.idx.msk [tilespmem:v60+s16+$0x0], $0xffff;
	_ =	sdelay $0x2  }
0x1a4: {  	s4 =	sadd.s32 @!p0 $0xFFFFFFF8, s31  }
0x1a5: {  	s4 =	sand.u32 @!p0 $0xFC0, s4  }
0x1a6: {  	s4 =	sshrl.u32 @!p0 s4, $0x2;
	[tilespmem:v7+s19+$0x0] =	vst.idx.msk $0xffff, v6  }
0x1a7: {  	v6 =	vld @!p0 [tilespmem:s4+$0x0]  }
0x1a8: {  	s4 =	sadd.s32 @!p0 $0xD, s1  }
0x1a9: {  	s4 =	sand.u32 @!p0 $0xD, s4  }
0x1aa: {  	v7 =	vmov @!p0 s4  }
0x1ab: {  	vm8 =	veq.s32 @!p0 v7, v5  }
0x1ac: {  	v6 =	vnsel @!p0 vm8, $0x0, v6  }
0x1ad: {  	(xrf0) =	vadd.scan.msk.s32 @!p0 $0xffff, v6;
	_ =	sdelay $0x5  }
0x1ae: {  	v6, _, _ =	vpop @!p0 (xrf0)  }
0x1af: {  	(v2sf) =	vpush @!p0 v6, $0xF;
	_ =	sdelay $0xe  }
0x1b0: {  	s4 =	spop @!p0 (v2sf)  }
0x1b1: {  	s29 =	sand.u32 @!p0 $0x7F, s4  }
0x1b2: {  	p1 =	slt.s32 @!p0 s4, $0x1;
	p2 =	sne.s32 @!p0 s29, $0x0  }
0x1b3: {  	s29 =	sshra.s32 @!p0 s4, $0x1F;
	p1 =	por @!p0 !p1, !p2  }
0x1b4: {  	s29 =	sshrl.u32 @!p0 s29, $0x19;
	p1 =	por @!p0 !p1, !p1  }
0x1b5: {  	s4 =	sadd.s32 @!p0 s29, s4;
	s29 =	simm.s32 @!p0 $0x1;
	p1 =	por !p1, p0  }
0x1b6: {  	s4 =	sshrl.u32 @!p0 s4, $0x7;
	s29 =	simm.s32 @p1 $0x0  }
0x1b7: {  	s4 =	ssub.s32 @!p0 s4, s29  }
0x1b8: {  	s4 =	sshll.u32 @!p0 s4, $0x7  }
0x1b9: {  	s4 =	sand.u32 @!p0 $0x1FFFFF80, s4  }
0x1ba: {  	s29 =	simm.s32 @!p0 $0x5200;
	s4 =	sadd.s32 @!p0 s0, s4  }
0x1bb: {  	[tilespmem:s29], [sflag:$0x6] =	stream.strided.gather @!p0 [hbm4b:s4+s3], $0x1000, s28, s3, $0x38;
	[tilespmem:$0xC200] =	vst v63  }
0x1bc: {  	_ =	swait.ge [sflag:s25], $0x1000  }
0x1bd: {  	[sflag:s25] =	ssyncset.done $0x0  }
0x1be: {  	[sflag:s25] =	ssyncadd.s32 $0xFFFFF000  }
0x1bf: {  	v6 =	vld [tilespmem:s2+$0x0]  }
0x1c0: {  	s4 =	sadd.s32 $0x6, s1  }
0x1c1: {  	s5 =	sand.u32 $0xE, s4  }
0x1c2: {  	v7 =	vmov s5  }
0x1c3: {  	vm8 =	veq.s32 v7, v0  }
0x1c4: {  	v6 =	vnsel vm8, $0x0, v6  }
0x1c5: {  	(xrf0) =	vadd.scan.msk.s32 $0xffff, v6;
	_ =	sdelay $0x5  }
0x1c6: {  	v6, _, _ =	vpop (xrf0)  }
0x1c7: {  	(v2sf) =	vpush v6, $0xF;
	_ =	sdelay $0xe  }
0x1c8: {  	s5 =	spop (v2sf)  }
0x1c9: {  	s29 =	sand.u32 $0x7F, s5  }
0x1ca: {  	v6 =	vor.u32 s29, v1  }
0x1cb: {  	v7 =	vmov s4  }
0x1cc: {  	v61 =	vshll.u32 v7, $0x3  }
0x1cd: {  	v7 =	vand.u32 $0x7E, v7;
	v8 =	vand.u32 $0xC00, v61  }
0x1ce: {  	v7 =	vor.u32 v7, v8  }
0x1cf: {  	v8 =	vor.u32 v2, v7;
	v6 =	vld.idx.msk [tilespmem:v6+s17+$0x0], $0xffff  }
0x1d0: {  	v62 =	vor.u32 s29, v4;
	_ =	sdelay $0x3  }
0x1d1: {  	[tilespmem:v8+s19+$0x0] =	vst.idx.msk $0xffff, v6  }
0x1d2: {  	v7 =	vor.u32 v3, v7;
	v6 =	vld.idx.msk [tilespmem:v62+s17+$0x0], $0xffff;
	_ =	sdelay $0x2  }
0x1d3: {  	s4 =	sadd.s32 @!p0 $0xFFFFFFFC, s31  }
0x1d4: {  	s4 =	sand.u32 @!p0 $0xFC0, s4  }
0x1d5: {  	s4 =	sshrl.u32 @!p0 s4, $0x2;
	[tilespmem:v7+s19+$0x0] =	vst.idx.msk $0xffff, v6  }
0x1d6: {  	v6 =	vld @!p0 [tilespmem:s4+$0x0]  }
0x1d7: {  	s4 =	sadd.s32 @!p0 $0xE, s1  }
0x1d8: {  	s4 =	sand.u32 @!p0 $0xE, s4  }
0x1d9: {  	v7 =	vmov @!p0 s4  }
0x1da: {  	vm8 =	veq.s32 @!p0 v7, v5  }
0x1db: {  	v5 =	vnsel @!p0 vm8, $0x0, v6  }
0x1dc: {  	(xrf0) =	vadd.scan.msk.s32 @!p0 $0xffff, v5;
	_ =	sdelay $0x5  }
0x1dd: {  	v5, _, _ =	vpop @!p0 (xrf0)  }
0x1de: {  	(v2sf) =	vpush @!p0 v5, $0xF;
	_ =	sdelay $0xe  }
0x1df: {  	s4 =	spop @!p0 (v2sf)  }
0x1e0: {  	s29 =	sand.u32 @!p0 $0x7F, s4  }
0x1e1: {  	p1 =	slt.s32 @!p0 s4, $0x1;
	p2 =	sne.s32 @!p0 s29, $0x0  }
0x1e2: {  	s29 =	sshra.s32 @!p0 s4, $0x1F;
	p1 =	por @!p0 !p1, !p2  }
0x1e3: {  	s29 =	sshrl.u32 @!p0 s29, $0x19;
	p1 =	por @!p0 !p1, !p1  }
0x1e4: {  	s5 =	simm.s32 @!p0 $0x1;
	s4 =	sadd.s32 @!p0 s29, s4;
	p1 =	por !p1, p0  }
0x1e5: {  	s4 =	sshrl.u32 @!p0 s4, $0x7;
	s5 =	simm.s32 @p1 $0x0  }
0x1e6: {  	s4 =	ssub.s32 @!p0 s4, s5  }
0x1e7: {  	s4 =	sshll.u32 @!p0 s4, $0x7  }
0x1e8: {  	s4 =	sand.u32 @!p0 $0x1FFFFF80, s4  }
0x1e9: {  	s5 =	simm.s32 @!p0 $0x6200;
	s4 =	sadd.s32 @!p0 s0, s4  }
0x1ea: {  	[tilespmem:s5], [sflag:$0x7] =	stream.strided.gather @!p0 [hbm4b:s4+s3], $0x1000, s28, s3, $0x38;
	[tilespmem:$0xC200] =	vst v63  }
0x1eb: {  	_ =	swait.ge [sflag:s26], $0x1000  }
0x1ec: {  	[sflag:s26] =	ssyncset.done $0x0  }
0x1ed: {  	[sflag:s26] =	ssyncadd.s32 $0xFFFFF000  }
0x1ee: {  	v5 =	vld [tilespmem:s2+$0x0]  }
0x1ef: {  	s5 =	sadd.s32 $0x7, s1  }
0x1f0: {  	s28 =	sand.u32 $0xF, s5  }
0x1f1: {  	v6 =	vmov s28  }
0x1f2: {  	vm8 =	veq.s32 v6, v0  }
0x1f3: {  	v5 =	vnsel vm8, $0x0, v5  }
0x1f4: {  	(xrf0) =	vadd.scan.msk.s32 $0xffff, v5;
	_ =	sdelay $0x5  }
0x1f5: {  	v5, _, _ =	vpop (xrf0)  }
0x1f6: {  	(v2sf) =	vpush v5, $0xF;
	_ =	sdelay $0xe  }
0x1f7: {  	s29 =	spop (v2sf)  }
0x1f8: {  	s3 =	sand.u32 $0x7F, s29  }
0x1f9: {  	v5 =	vor.u32 s3, v1  }
0x1fa: {  	v6 =	vmov s5  }
0x1fb: {  	v7 =	vshll.u32 v6, $0x3  }
0x1fc: {  	v6 =	vand.u32 $0x7F, v6;
	v7 =	vand.u32 $0xC00, v7  }
0x1fd: {  	v6 =	vor.u32 v6, v7  }
0x1fe: {  	v7 =	vor.u32 v2, v6;
	v5 =	vld.idx.msk [tilespmem:v5+s18+$0x0], $0xffff  }
0x1ff: {  	v63 =	vor.u32 s3, v4;
	_ =	sdelay $0x3  }
0x200: {  	[tilespmem:v7+s19+$0x0] =	vst.idx.msk $0xffff, v5  }
0x201: {  	v6 =	vor.u32 v3, v6;
	v5 =	vld.idx.msk [tilespmem:v63+s18+$0x0], $0xffff  }
.Ltmp2:
0x202: {  	_ = 	snop;
	(pc) =	sbr.rel @p0 .LBB2_4-.Ltmp2, $2  }
0x203: {  	_ =	sdelay $0x2  }
0x204: {  	[tilespmem:v6+s19+$0x0] =	vst.idx.msk $0xffff, v5  }
0x205: {  	s2 =	sand.u32 $0xFC0, s31  }
0x206: {  	s2 =	sshrl.u32 s2, $0x2  }
0x207: {  	v5 =	vld [tilespmem:s2+$0x0]  }
0x208: {  	s5 =	sadd.s32 $0xFFFFFFFF, s1  }
0x209: {  	s2 =	sand.u32 $0xF, s5  }
0x20a: {  	v6 =	vmov s2  }
0x20b: {  	vm8 =	veq.s32 v6, v0  }
0x20c: {  	v5 =	vnsel vm8, $0x0, v5  }
0x20d: {  	(xrf0) =	vadd.scan.msk.s32 $0xffff, v5;
	_ =	sdelay $0x5  }
0x20e: {  	v5, _, _ =	vpop (xrf0)  }
0x20f: {  	(v2sf) =	vpush v5, $0xF;
	_ =	sdelay $0xe  }
0x210: {  	s28 =	spop (v2sf)  }
0x211: {  	s3 =	sand.u32 $0x7F, s28  }
0x212: {  	s29 =	sshra.s32 s28, $0x1F;
	p1 =	slt.s32 s28, $0x1;
	p0 =	sne.s32 s3, $0x0  }
0x213: {  	s3 =	sshrl.u32 s29, $0x19;
	p0 =	por !p1, !p0  }
0x214: {  	s2 =	sadd.s32 s3, s28;
	s3 =	simm.s32 $0x1;
	p0 =	por !p0, !p0  }
0x215: {  	s2 =	sshrl.u32 s2, $0x7;
	s3 =	simm.s32 @!p0 $0x0  }
.Ltmp3:
0x216: {  	s2 =	ssub.s32 s2, s3;
	(pc) =	sbr.rel .LBB2_2-.Ltmp3, $4  }
0x217: {  	s2 =	sshll.u32 s2, $0x7  }
0x218: {  	s2 =	sand.u32 $0x1FFFFF80, s2  }
0x219: {  	s1 =	sadd.s32 $0x8, s1;
	s31 =	sadd.s32 $0x20, s31;
	s2 =	sadd.s32 s0, s2  }
0x21a: {  	[tilespmem:s18], [sflag:$0x8] =	stream.strided.gather [hbm4b:s2+s8], $0x1000, s10, s8, $0x38;
	[tilespmem:$0xC200] =	vst v63  }
.LBB2_5:
0x21b: {  	_ =	sfence.sel $0x180000  }
0x21c: {  	[bflag:$0x0] =	sbarrier.arrive $0xFFFF  }
0x21d: {  	_ =	strace $0x90000047  }
0x21e: {  	s0 =	stileid.u32;
	[bflag:$0x2] =	sbarrier.arrive $0xFFFF  }
0x21f: {  	p0 =	sne.s32 s0, $0x0;
	s0 =	rddreg [dreg:$0x3]  }
0x220: {  	s0 =	sadd.s32 @!p0 $0x100000, s0  }
0x221: {  	[sflag:s0] =	ssyncadd.tile.s32 @!p0 $0x1;
	_ =	shalt  }
.Lfunc_end2:
_tile_overlayer_lowered:
.L_overlay_start_2:
0x222: {  	(tag) =	ssettag $0x2  }
0x223: {  	s0 =	rddreg [dreg:$0x0];
	s2 =	stileid.u32  }
0x224: {  	s1 =	rddreg [dreg:$0x1];
	p0 =	sne.s32 s2, $0x0  }
0x225: {  	s3 =	rddreg [dreg:$0x2];
	[bflag:$0x3] =	sbarrier.arrive $0xFFFF;
	s2 =	simm.s32 @!p0 $0x1C09  }
0x226: {  	[timem:s3], [sflag:s2] =	dma.local @!p0 [hbm:s0], s1  }
0x227: {  	s0 =	simm.s32 @!p0 $0x9  }
0x228: {  	_ =	swait.ge @!p0 [sflag:s0], s1  }
0x229: {  	s1 =	ssub.s32 @!p0 $0x0, s1;
	[sflag:s0] =	ssyncset.done @!p0 $0x0  }
0x22a: {  	[sflag:s0] =	ssyncadd.s32 @!p0 s1  }
0x22b: {  	[bflag:$0x3] =	sbarrier.arrive $0xFFFF  }
0x22c: {  	_ =	shalt  }

</sc_bundles>
